<compile_context>
chip_gen: v7x
topology: tpu7x:2x2x1
jax: 0.10.2.dev20260603
libtpu: 0.0.44.dev20260713+nightly
codegen_flags: <defaults>
</compile_context>

<pallas_src>
import functools
import math

import jax
import jax.numpy as jnp
from jax import lax
from jax.experimental import pallas as pl
from jax.experimental.pallas import tpu as pltpu
from jax.experimental.pallas import tpu_sc as plsc

S = 2048
NH = 16
HD = 128
HID = 2048
E = 8
TOPK = 2
I = 1024
EPS = 1e-6

MT = 256
TILE = 256
NT_CAP = (S * TOPK + E * TILE) // TILE
CAP = NT_CAP * TILE
GB = 128



def _qkv_body(x_ref, w_ref, ln_ref, o_ref):
    x = x_ref[...]
    var = jnp.mean(x * x, axis=-1, keepdims=True)
    xn = x * jax.lax.rsqrt(var + EPS) * ln_ref[...]
    o_ref[...] = jnp.dot(xn, w_ref[...], preferred_element_type=jnp.float32)


def _qkv_mm(x, w, ln, nt=512):
    n = w.shape[1]
    return pl.pallas_call(
        _qkv_body,
        grid=(S // MT, n // nt),
        in_specs=[
            pl.BlockSpec((MT, HID), lambda i, j: (i, 0)),
            pl.BlockSpec((HID, nt), lambda i, j: (0, j)),
            pl.BlockSpec((1, HID), lambda i, j: (0, 0)),
        ],
        out_specs=pl.BlockSpec((MT, nt), lambda i, j: (i, j)),
        out_shape=jax.ShapeDtypeStruct((S, n), jnp.float32),
    )(x, w, ln)



def _rope_body(q_ref, k_ref, cos_ref, sin_ref, oq_ref, ok_ref):
    c = cos_ref[...][None]
    s = sin_ref[...][None]

    def rot(x):
        x1 = x[..., : HD // 2]
        x2 = x[..., HD // 2 :]
        return jnp.concatenate([-x2, x1], axis=-1)

    q = q_ref[...]
    k = k_ref[...]
    oq_ref[...] = q * c + rot(q) * s
    ok_ref[...] = k * c + rot(k) * s


def _rope(q3, k3, cos, sin):
    return pl.pallas_call(
        _rope_body,
        grid=(NH, S // MT),
        in_specs=[
            pl.BlockSpec((1, MT, HD), lambda h, i: (h, i, 0)),
            pl.BlockSpec((1, MT, HD), lambda h, i: (h, i, 0)),
            pl.BlockSpec((MT, HD), lambda h, i: (i, 0)),
            pl.BlockSpec((MT, HD), lambda h, i: (i, 0)),
        ],
        out_specs=[
            pl.BlockSpec((1, MT, HD), lambda h, i: (h, i, 0)),
            pl.BlockSpec((1, MT, HD), lambda h, i: (h, i, 0)),
        ],
        out_shape=[
            jax.ShapeDtypeStruct((NH, S, HD), jnp.float32),
            jax.ShapeDtypeStruct((NH, S, HD), jnp.float32),
        ],
    )(q3, k3, cos, sin)



def _flash_body(q_ref, k_ref, v_ref, o_ref):
    qt = pl.program_id(1)
    q = q_ref[0]
    scale = 1.0 / math.sqrt(HD)
    row = jax.lax.broadcasted_iota(jnp.int32, (MT, MT), 0) + qt * MT

    def body(i, carry):
        acc, m, l = carry
        k = k_ref[0, pl.ds(i * MT, MT), :]
        v = v_ref[0, pl.ds(i * MT, MT), :]
        s = jax.lax.dot_general(q, k, (((1,), (1,)), ((), ())),
                                preferred_element_type=jnp.float32) * scale
        col = jax.lax.broadcasted_iota(jnp.int32, (MT, MT), 1) + i * MT
        s = jnp.where(row >= col, s, -1e30)
        m_new = jnp.maximum(m, jnp.max(s, axis=1, keepdims=True))
        p = jnp.exp(s - m_new)
        alpha = jnp.exp(m - m_new)
        l = l * alpha + jnp.sum(p, axis=1, keepdims=True)
        acc = acc * alpha + jnp.dot(p, v, preferred_element_type=jnp.float32)
        return acc, m_new, l

    acc = jnp.zeros((MT, HD), jnp.float32)
    m0 = jnp.full((MT, 1), -1e30, jnp.float32)
    l0 = jnp.zeros((MT, 1), jnp.float32)
    acc, m, l = jax.lax.fori_loop(0, qt + 1, body, (acc, m0, l0))
    o_ref[0] = acc / l


def _flash(q3, k3, v3):
    return pl.pallas_call(
        _flash_body,
        grid=(NH, S // MT),
        in_specs=[
            pl.BlockSpec((1, MT, HD), lambda h, i: (h, i, 0)),
            pl.BlockSpec((1, S, HD), lambda h, i: (h, 0, 0)),
            pl.BlockSpec((1, S, HD), lambda h, i: (h, 0, 0)),
        ],
        out_specs=pl.BlockSpec((1, MT, HD), lambda h, i: (h, i, 0)),
        out_shape=jax.ShapeDtypeStruct((NH, S, HD), jnp.float32),
    )(q3, k3, v3)



def _oproj_body(a_ref, w_ref, r_ref, o_ref):
    o_ref[...] = r_ref[...] + jnp.dot(a_ref[...], w_ref[...],
                                      preferred_element_type=jnp.float32)


def _bf(x):
    return x.astype(jnp.bfloat16)


def _oproj(attn2, o_w, resid, nt=512):
    return pl.pallas_call(
        _oproj_body,
        grid=(S // MT, HID // nt),
        in_specs=[
            pl.BlockSpec((MT, HID), lambda i, j: (i, 0)),
            pl.BlockSpec((HID, nt), lambda i, j: (0, j)),
            pl.BlockSpec((MT, nt), lambda i, j: (i, j)),
        ],
        out_specs=pl.BlockSpec((MT, nt), lambda i, j: (i, j)),
        out_shape=jax.ShapeDtypeStruct((S, HID), jnp.float32),
    )(attn2, o_w, resid)



def _rms_body(x_ref, ln_ref, o_ref):
    x = x_ref[...]
    var = jnp.mean(x * x, axis=-1, keepdims=True)
    o_ref[...] = x * jax.lax.rsqrt(var + EPS) * ln_ref[...]


def _rmsnorm(x, ln):
    return pl.pallas_call(
        _rms_body,
        grid=(S // MT,),
        in_specs=[
            pl.BlockSpec((MT, HID), lambda i: (i, 0)),
            pl.BlockSpec((1, HID), lambda i: (0, 0)),
        ],
        out_specs=pl.BlockSpec((MT, HID), lambda i: (i, 0)),
        out_shape=jax.ShapeDtypeStruct((S, HID), jnp.float32),
    )(x, ln)



def _router_body(x_ref, gw_ref, w_ref, ids_ref, wf_ref):
    x = x_ref[...].astype(jnp.bfloat16).astype(jnp.float32)
    cols = [jnp.sum(x * gw_ref[pl.ds(e, 1), :].astype(jnp.bfloat16)
                    .astype(jnp.float32), axis=1, keepdims=True)
            for e in range(E)]
    cols.append(jnp.zeros((x.shape[0], 128 - E), jnp.float32))
    logits = jnp.concatenate(cols, axis=1)
    lane = jax.lax.broadcasted_iota(jnp.int32, logits.shape, 1)
    valid = lane < E
    logits = jnp.where(valid, logits, -1e30)
    mx = jnp.max(logits, axis=1, keepdims=True)
    ex = jnp.where(valid, jnp.exp(logits - mx), 0.0)
    p = ex / jnp.sum(ex, axis=1, keepdims=True)

    m1 = jnp.max(p, axis=1, keepdims=True)
    i1 = jnp.min(jnp.where(p >= m1, lane, 2 * E), axis=1, keepdims=True)
    p2 = jnp.where(lane == i1, -1.0, p)
    m2 = jnp.max(p2, axis=1, keepdims=True)
    i2 = jnp.min(jnp.where(p2 >= m2, lane, 2 * E), axis=1, keepdims=True)

    tot = m1 + m2
    w1 = m1 / tot
    w2 = m2 / tot
    w_ref[...] = jnp.concatenate([w1, w2], axis=1)
    ids_ref[...] = jnp.concatenate([i1, i2], axis=1)
    wf_ref[...] = jnp.where(lane == i1, w1, 0.0) + jnp.where(lane == i2, w2, 0.0)


def _router(x2, gate_pad):
    return pl.pallas_call(
        _router_body,
        grid=(S // MT,),
        in_specs=[
            pl.BlockSpec((MT, HID), lambda i: (i, 0)),
            pl.BlockSpec((E, HID), lambda i: (0, 0)),
        ],
        out_specs=[
            pl.BlockSpec((MT, TOPK), lambda i: (i, 0)),
            pl.BlockSpec((MT, TOPK), lambda i: (i, 0)),
            pl.BlockSpec((MT, 128), lambda i: (i, 0)),
        ],
        out_shape=[
            jax.ShapeDtypeStruct((S, TOPK), jnp.float32),
            jax.ShapeDtypeStruct((S, TOPK), jnp.int32),
            jax.ShapeDtypeStruct((S, 128), jnp.float32),
        ],
    )(x2, gate_pad)



def _cnt_body(wf_ref, cnt_ref):
    g = pl.program_id(0)
    oh = (wf_ref[...] > 0.0).astype(jnp.float32)
    s = jnp.sum(oh, axis=0, keepdims=True)

    @pl.when(g == 0)
    def _():
        cnt_ref[...] = s

    @pl.when(g > 0)
    def _():
        cnt_ref[...] += s


def _meta_counts(w_full):
    return pl.pallas_call(
        _cnt_body,
        grid=(S // GB,),
        in_specs=[pl.BlockSpec((GB, 128), lambda g: (g, 0))],
        out_specs=pl.BlockSpec((1, 128), lambda g: (0, 0)),
        out_shape=jax.ShapeDtypeStruct((1, 128), jnp.float32),
        compiler_params=pltpu.CompilerParams(
            dimension_semantics=("arbitrary",)),
    )(w_full)


def _dst_body(wf_ref, cnt_ref, dlo_ref, dhi_ref, wlo_ref, whi_ref, te_ref,
              base_ref):
    g = pl.program_id(0)
    lane = jax.lax.broadcasted_iota(jnp.int32, (GB, 128), 1)
    lane1 = jax.lax.broadcasted_iota(jnp.int32, (1, 128), 1)

    cnt = cnt_ref[...]
    pc = jnp.floor((cnt + (TILE - 1)) * (1.0 / TILE))
    offt = jnp.zeros((1, 128), jnp.float32)
    run = jnp.zeros((1, 1), jnp.float32)
    for e in range(E):
        offt = offt + jnp.where(lane1 == e, run, 0.0)
        run = run + jnp.sum(jnp.where(lane1 == e, pc, 0.0), axis=1,
                            keepdims=True)
    off_rows = offt * TILE

    @pl.when(g == 0)
    def _():
        base_ref[...] = jnp.zeros((1, 128), jnp.float32)

    wf = wf_ref[...]
    oh = (wf > 0.0).astype(jnp.float32)
    r = jax.lax.broadcasted_iota(jnp.int32, (GB, GB), 0)
    c = jax.lax.broadcasted_iota(jnp.int32, (GB, GB), 1)
    ltri = (c < r).astype(jnp.float32)
    local = jnp.dot(ltri, oh, preferred_element_type=jnp.float32)
    dest = off_rows + base_ref[...] + local

    big = jnp.int32(999)
    e_lo = jnp.min(jnp.where(oh > 0, lane, big), axis=1, keepdims=True)
    e_hi = jnp.max(jnp.where(oh > 0, lane, -1), axis=1, keepdims=True)
    dlo_ref[...] = jnp.sum(jnp.where(lane == e_lo, dest, 0.0), axis=1,
                           keepdims=True).astype(jnp.int32)
    dhi_ref[...] = jnp.sum(jnp.where(lane == e_hi, dest, 0.0), axis=1,
                           keepdims=True).astype(jnp.int32)
    wlo_ref[...] = jnp.sum(jnp.where(lane == e_lo, wf, 0.0), axis=1,
                           keepdims=True)
    whi_ref[...] = jnp.sum(jnp.where(lane == e_hi, wf, 0.0), axis=1,
                           keepdims=True)

    base_ref[...] += jnp.sum(oh, axis=0, keepdims=True)

    acc = jnp.zeros((1, 128), jnp.float32)
    for e in range(E):
        off_e = jnp.sum(jnp.where(lane1 == e, offt, 0.0), axis=1,
                        keepdims=True)
        acc = acc + (lane1.astype(jnp.float32) >= off_e).astype(jnp.float32)
    te_ref[...] = jnp.clip(acc - 1.0, 0, E - 1).astype(jnp.int32)


def _meta_dests(w_full, cnt):
    return pl.pallas_call(
        _dst_body,
        grid=(S // GB,),
        in_specs=[
            pl.BlockSpec((GB, 128), lambda g: (g, 0)),
            pl.BlockSpec((1, 128), lambda g: (0, 0)),
        ],
        out_specs=[
            pl.BlockSpec((GB, 1), lambda g: (g, 0)),
            pl.BlockSpec((GB, 1), lambda g: (g, 0)),
            pl.BlockSpec((GB, 1), lambda g: (g, 0)),
            pl.BlockSpec((GB, 1), lambda g: (g, 0)),
            pl.BlockSpec((1, 128), lambda g: (0, 0)),
        ],
        out_shape=[
            jax.ShapeDtypeStruct((S, 1), jnp.int32),
            jax.ShapeDtypeStruct((S, 1), jnp.int32),
            jax.ShapeDtypeStruct((S, 1), jnp.float32),
            jax.ShapeDtypeStruct((S, 1), jnp.float32),
            jax.ShapeDtypeStruct((1, 128), jnp.int32),
        ],
        scratch_shapes=[pltpu.VMEM((1, 128), jnp.float32)],
        compiler_params=pltpu.CompilerParams(
            dimension_semantics=("arbitrary",)),
    )(w_full, cnt)



_NCS = 2
_NSS = 16
_NW = _NCS * _NSS
_TPW = S // _NW
_CHUNK = 16


def _sc_dispatch(x2, dlo, dhi):
    mesh = plsc.VectorSubcoreMesh(core_axis_name="c", subcore_axis_name="s")

    @functools.partial(
        pl.kernel,
        out_type=jax.ShapeDtypeStruct((CAP, HID // 2), jnp.int32),
        mesh=mesh,
        scratch_types=[
            pltpu.VMEM((_CHUNK,), jnp.int32),
            pltpu.VMEM((_CHUNK,), jnp.int32),
            pltpu.VMEM((_CHUNK, HID // 2), jnp.int32),
            pltpu.SemaphoreType.DMA,
            pltpu.SemaphoreType.DMA,
        ],
    )
    def disp(x2_hbm, dlo_hbm, dhi_hbm, xs_hbm, ilo_v, ihi_v, rows_v, s1, s2):
        wid = lax.axis_index("s") * _NCS + lax.axis_index("c")
        for ci in range(_TPW // _CHUNK):
            base = wid * _TPW + ci * _CHUNK
            pltpu.sync_copy(dlo_hbm.at[pl.ds(base, _CHUNK)], ilo_v)
            pltpu.sync_copy(dhi_hbm.at[pl.ds(base, _CHUNK)], ihi_v)
            pltpu.sync_copy(x2_hbm.at[pl.ds(base, _CHUNK)], rows_v)
            a = pltpu.async_copy(rows_v, xs_hbm.at[ilo_v], s1)
            b = pltpu.async_copy(rows_v, xs_hbm.at[ihi_v], s2)
            a.wait()
            b.wait()

    return disp(x2, dlo, dhi)


def _sc_combine(y, dlo, dhi):
    mesh = plsc.VectorSubcoreMesh(core_axis_name="c", subcore_axis_name="s")

    @functools.partial(
        pl.kernel,
        out_type=(jax.ShapeDtypeStruct((S, HID), jnp.float32),
                  jax.ShapeDtypeStruct((S, HID), jnp.float32)),
        mesh=mesh,
        scratch_types=[
            pltpu.VMEM((_CHUNK,), jnp.int32),
            pltpu.VMEM((_CHUNK,), jnp.int32),
            pltpu.VMEM((_CHUNK, HID), jnp.float32),
            pltpu.VMEM((_CHUNK, HID), jnp.float32),
            pltpu.SemaphoreType.DMA,
            pltpu.SemaphoreType.DMA,
        ],
    )
    def comb(y_hbm, dlo_hbm, dhi_hbm, z0_hbm, z1_hbm, ilo_v, ihi_v,
             r0_v, r1_v, s1, s2):
        wid = lax.axis_index("s") * _NCS + lax.axis_index("c")
        for ci in range(_TPW // _CHUNK):
            base = wid * _TPW + ci * _CHUNK
            pltpu.sync_copy(dlo_hbm.at[pl.ds(base, _CHUNK)], ilo_v)
            pltpu.sync_copy(dhi_hbm.at[pl.ds(base, _CHUNK)], ihi_v)
            a = pltpu.async_copy(y_hbm.at[ilo_v], r0_v, s1)
            b = pltpu.async_copy(y_hbm.at[ihi_v], r1_v, s2)
            a.wait()
            b.wait()
            pltpu.sync_copy(r0_v, z0_hbm.at[pl.ds(base, _CHUNK)])
            pltpu.sync_copy(r1_v, z1_hbm.at[pl.ds(base, _CHUNK)])

    return comb(y, dlo, dhi)



def _gmm1_body(te_ref, xs_ref, wg_ref, wu_ref, h_ref):
    x = xs_ref[...]
    g = jnp.dot(x, wg_ref[0], preferred_element_type=jnp.float32)
    u = jnp.dot(x, wu_ref[0], preferred_element_type=jnp.float32)
    h_ref[...] = (g * jax.lax.logistic(g) * u).astype(jnp.bfloat16)


def _gmm1(xs, W13g, W13u, te):
    return pl.pallas_call(
        _gmm1_body,
        grid_spec=pltpu.PrefetchScalarGridSpec(
            num_scalar_prefetch=1,
            grid=(NT_CAP,),
            in_specs=[
                pl.BlockSpec((TILE, HID), lambda i, te: (i, 0)),
                pl.BlockSpec((1, HID, I), lambda i, te: (te[i], 0, 0)),
                pl.BlockSpec((1, HID, I), lambda i, te: (te[i], 0, 0)),
            ],
            out_specs=pl.BlockSpec((TILE, I), lambda i, te: (i, 0)),
        ),
        out_shape=jax.ShapeDtypeStruct((CAP, I), jnp.bfloat16),
        compiler_params=pltpu.CompilerParams(
            dimension_semantics=("arbitrary",)),
    )(te, xs, W13g, W13u)


def _gmm2_body(te_ref, h_ref, w2_ref, y_ref):
    y_ref[...] = jnp.dot(h_ref[...], w2_ref[0],
                         preferred_element_type=jnp.float32)


def _gmm2(h, W2, te):
    return pl.pallas_call(
        _gmm2_body,
        grid_spec=pltpu.PrefetchScalarGridSpec(
            num_scalar_prefetch=1,
            grid=(NT_CAP,),
            in_specs=[
                pl.BlockSpec((TILE, I), lambda i, te: (i, 0)),
                pl.BlockSpec((1, I, HID), lambda i, te: (te[i], 0, 0)),
            ],
            out_specs=pl.BlockSpec((TILE, HID), lambda i, te: (i, 0)),
        ),
        out_shape=jax.ShapeDtypeStruct((CAP, HID), jnp.float32),
        compiler_params=pltpu.CompilerParams(
            dimension_semantics=("arbitrary",)),
    )(te, h, W2)



def _shared_body(z0_ref, z1_ref, wlo_ref, whi_ref, r_ref, sg_ref, su_ref,
                 sd_ref, o_ref):
    moe = wlo_ref[...] * z0_ref[...] + whi_ref[...] * z1_ref[...]
    moeb = moe.astype(jnp.bfloat16)
    g = jnp.dot(moeb, sg_ref[...], preferred_element_type=jnp.float32)
    u = jnp.dot(moeb, su_ref[...], preferred_element_type=jnp.float32)
    h = (g * jax.lax.logistic(g) * u).astype(jnp.bfloat16)
    sh = jnp.dot(h, sd_ref[...], preferred_element_type=jnp.float32)
    o_ref[...] = r_ref[...] + moe + sh


def _shared(z0, z1, wlo, whi, resid2, sg_w, su_w, sd_w):
    return pl.pallas_call(
        _shared_body,
        grid=(S // MT,),
        in_specs=[
            pl.BlockSpec((MT, HID), lambda i: (i, 0)),
            pl.BlockSpec((MT, HID), lambda i: (i, 0)),
            pl.BlockSpec((MT, 1), lambda i: (i, 0)),
            pl.BlockSpec((MT, 1), lambda i: (i, 0)),
            pl.BlockSpec((MT, HID), lambda i: (i, 0)),
            pl.BlockSpec((HID, I), lambda i: (0, 0)),
            pl.BlockSpec((HID, I), lambda i: (0, 0)),
            pl.BlockSpec((I, HID), lambda i: (0, 0)),
        ],
        out_specs=pl.BlockSpec((MT, HID), lambda i: (i, 0)),
        out_shape=jax.ShapeDtypeStruct((S, HID), jnp.float32),
    )(z0, z1, wlo, whi, resid2, sg_w, su_w, sd_w)



def kernel(hidden_states, cos, sin, ln1_w, ln2_w, q_w, k_w, v_w, o_w,
           gate_w, W13, W2, sg_w, su_w, sd_w):
    flat = hidden_states.reshape(S, HID)
    ln1 = ln1_w.reshape(1, HID)
    ln2 = ln2_w.reshape(1, HID)

    w_qkv = jnp.concatenate([q_w, k_w, v_w], axis=1)
    qkv = _qkv_mm(flat, w_qkv, ln1)
    q3 = qkv[:, :HID].reshape(S, NH, HD).transpose(1, 0, 2)
    k3 = qkv[:, HID:2 * HID].reshape(S, NH, HD).transpose(1, 0, 2)
    v3 = qkv[:, 2 * HID:].reshape(S, NH, HD).transpose(1, 0, 2)

    q3, k3 = _rope(q3, k3, cos, sin)
    attn = _flash(q3, k3, v3)
    attn2 = attn.transpose(1, 0, 2).reshape(S, HID)

    hid1 = _oproj(attn2, o_w, flat)
    x2 = _rmsnorm(hid1, ln2)

    topk_w, topk_ids, w_full = _router(x2, gate_w)

    cnt = _meta_counts(w_full)
    dlo, dhi, wlo, whi, te = _meta_dests(w_full, cnt)
    dlo1 = dlo.reshape(S)
    dhi1 = dhi.reshape(S)
    x2p = jax.lax.bitcast_convert_type(
        _bf(x2).reshape(S, HID // 2, 2), jnp.int32)
    xsp = _sc_dispatch(x2p, dlo1, dhi1)
    xs = jax.lax.bitcast_convert_type(xsp, jnp.bfloat16).reshape(CAP, HID)
    h = _gmm1(xs, _bf(W13[:, :, :I]), _bf(W13[:, :, I:]), te.reshape(128))
    y = _gmm2(h, _bf(W2), te.reshape(128))
    z0, z1 = _sc_combine(y, dlo1, dhi1)
    out = _shared(z0, z1, wlo, whi, hid1, _bf(sg_w), _bf(su_w), _bf(sd_w))

    return out.reshape(1, S, HID), topk_w, topk_ids

# --- scband reference (transcript-rebuilt; emitter-appended) ---
"""Pipeline reference for scband-mo-edecoder-layer-57758720196697 (READ-ONLY COPY).

The authoritative reference and input builder live on the scoring server;
editing this copy changes nothing except your own understanding.
"""

import jax, jax.numpy as jnp
import numpy as np

B, S, NH, HD, HID = 1, 2048, 16, 128, 2048
E, TOPK, I = 8, 2, 1024
EPS = 1e-6
THETA = 10000.0
HIDDEN_FACTOR = 1.0


def setup_inputs(seed: int = 0) -> dict:
    key = jax.random.key(seed)
    ks = jax.random.split(key, 12)
    hidden_states = jax.random.normal(ks[0], (B, S, HID), jnp.float32)
    # rotary embeddings (RoPE)
    inv_freq = 1.0 / (THETA ** (np.arange(0, HD, 2, dtype=np.float64) / HD))
    t = np.arange(S, dtype=np.float64)
    freqs = np.outer(t, inv_freq)
    emb = np.concatenate([freqs, freqs], axis=-1)
    cos = jnp.asarray(np.cos(emb), jnp.float32)
    sin = jnp.asarray(np.sin(emb), jnp.float32)
    sc = 0.02
    q_w = jax.random.normal(ks[1], (HID, HID), jnp.float32) * sc
    k_w = jax.random.normal(ks[2], (HID, HID), jnp.float32) * sc
    v_w = jax.random.normal(ks[3], (HID, HID), jnp.float32) * sc
    o_w = jax.random.normal(ks[4], (HID, HID), jnp.float32) * sc
    ln1_w = jnp.ones((HID,), jnp.float32)
    ln2_w = jnp.ones((HID,), jnp.float32)
    gate_w = jax.random.normal(ks[5], (E, HID), jnp.float32) * sc
    W13 = jax.random.normal(ks[6], (E, HID, 2 * I), jnp.float32) * sc
    W2 = jax.random.normal(ks[7], (E, I, HID), jnp.float32) * sc
    sg_w = jax.random.normal(ks[8], (HID, I), jnp.float32) * sc
    su_w = jax.random.normal(ks[9], (HID, I), jnp.float32) * sc
    sd_w = jax.random.normal(ks[10], (I, HID), jnp.float32) * sc
    return {
        'hidden_states': hidden_states, 'cos': cos, 'sin': sin,
        'ln1_w': ln1_w, 'ln2_w': ln2_w,
        'q_w': q_w, 'k_w': k_w, 'v_w': v_w, 'o_w': o_w,
        'gate_w': gate_w, 'W13': W13, 'W2': W2,
        'sg_w': sg_w, 'su_w': su_w, 'sd_w': sd_w,
    }


def _rmsnorm(x, w):
    v = jnp.mean(jnp.square(x.astype(jnp.float32)), axis=-1, keepdims=True)
    return (x * jax.lax.rsqrt(v + EPS)) * w


def _rotate_half(x):
    x1, x2 = jnp.split(x, 2, axis=-1)
    return jnp.concatenate([-x2, x1], axis=-1)


def _forward(hidden_states, cos, sin, ln1_w, ln2_w, q_w, k_w, v_w, o_w,
             gate_w, W13, W2, sg_w, su_w, sd_w):
    # --- self attention block ---
    residual = hidden_states
    x = _rmsnorm(hidden_states, ln1_w)
    q = (x @ q_w).reshape(B, S, NH, HD).transpose(0, 2, 1, 3)
    k = (x @ k_w).reshape(B, S, NH, HD).transpose(0, 2, 1, 3)
    v = (x @ v_w).reshape(B, S, NH, HD).transpose(0, 2, 1, 3)
    cb = cos[None, None, :, :]
    sb = sin[None, None, :, :]
    q = q * cb + _rotate_half(q) * sb
    k = k * cb + _rotate_half(k) * sb
    scores = (q @ k.transpose(0, 1, 3, 2)) / jnp.sqrt(jnp.float32(HD))
    causal = jnp.tril(jnp.ones((S, S), bool))
    scores = jnp.where(causal[None, None, :, :], scores, jnp.float32(-1e30))
    attn = jax.nn.softmax(scores, axis=-1) @ v
    attn = attn.transpose(0, 2, 1, 3).reshape(B, S, HID) @ o_w
    hidden = residual + attn

    # --- MoE block ---
    residual2 = hidden
    x2 = _rmsnorm(hidden, ln2_w)
    flat = x2.reshape(-1, HID)

    # MoEGate: router logits + top-k routing
    logits = flat.astype(jnp.float32) @ gate_w.astype(jnp.float32).T
    probs = jax.nn.softmax(logits, axis=-1)
    topk_w, topk_ids = jax.lax.top_k(probs, TOPK)
    topk_w = topk_w / jnp.sum(topk_w, axis=-1, keepdims=True)

    # routed experts (dispatch/combine expressed as masked dense compute)
    moe = jnp.zeros_like(flat)
    for e in range(E):
        w_e = jnp.sum(jnp.where(topk_ids == e, topk_w, 0.0), axis=-1)  # [T]
        gu = flat @ W13[e]
        g, u = jnp.split(gu, 2, axis=-1)
        out_e = (jax.nn.silu(g) * u) @ W2[e]
        moe = moe + w_e[:, None] * out_e
    moe3 = moe.reshape(B, S, HID)

    # shared experts applied to routed-experts output (as in the torch code)
    shared = (jax.nn.silu(moe3 @ sg_w) * (moe3 @ su_w)) @ sd_w
    moe3 = moe3 + shared

    out = residual2 + moe3 * HIDDEN_FACTOR
    return out, topk_w, topk_ids


def reference(hidden_states, cos, sin, ln1_w, ln2_w, q_w, k_w, v_w, o_w,
              gate_w, W13, W2, sg_w, su_w, sd_w):
    return _forward(hidden_states, cos, sin, ln1_w, ln2_w, q_w, k_w, v_w,
                    o_w, gate_w, W13, W2, sg_w, su_w, sd_w)

if __name__ == "__main__":
    import jax
    _d = setup_inputs()
    print(jax.jit(kernel)(*tuple(_d.values())))

</pallas_src>

<mosaic_0001>
#map = affine_map<(d0, d1) -> (0, 0)>
#map1 = affine_map<(d0, d1) -> (0)>
module attributes {stable_mosaic.version = 14 : i64} {
  func.func @comb(%arg0: i32, %arg1: i32, %arg2: memref<6144x2048xf32, #tpu.memory_space<hbm>>, %arg3: memref<2048xi32, #tpu.memory_space<hbm>>, %arg4: memref<2048xi32, #tpu.memory_space<hbm>>, %arg5: memref<2048x2048xf32, #tpu.memory_space<hbm>>, %arg6: memref<2048x2048xf32, #tpu.memory_space<hbm>>, %arg7: memref<16xi32, #tpu.memory_space<vmem>>, %arg8: memref<16xi32, #tpu.memory_space<vmem>>, %arg9: memref<16x2048xf32, #tpu.memory_space<vmem>>, %arg10: memref<16x2048xf32, #tpu.memory_space<vmem>>, %arg11: memref<!tpu.dma_semaphore, #tpu.memory_space<semaphore_mem>>, %arg12: memref<!tpu.dma_semaphore, #tpu.memory_space<semaphore_mem>>) attributes {dimension_semantics = [#tpu.dimension_semantics<core_parallel>, #tpu.dimension_semantics<subcore_parallel>], iteration_bounds = array<i64: 2, 16>, scalar_prefetch = 0 : i64, scratch_operands = 6 : i64, tpu.core_type = #tpu.core_type<sc_vector_subcore>, window_params = [{transform_indices = #map}, {transform_indices = #map1}, {transform_indices = #map1}, {transform_indices = #map}, {transform_indices = #map}]} {
    %mul3A = arith.constant 2 : i32
    %mul3A_0 = arith.muli %arg1, %mul3A : i32
    %add3A = arith.addi %mul3A_0, %arg0 : i32
    %mul3A_1 = arith.constant 64 : i32
    %mul3A_2 = arith.muli %add3A, %mul3A_1 : i32
    %add3A_3 = arith.constant 0 : i32
    %add3A_4 = arith.addi %mul3A_2, %add3A_3 : i32
    "tpu.region"() ({
      %run_scoped3A = tpu.sem_alloc : memref<!tpu.dma_semaphore, #tpu.memory_space<semaphore_mem>>
      %dma_start3A_63 = tpu.memref_slice %arg3[%add3A_4] : memref<2048xi32, #tpu.memory_space<hbm>> -> memref<16xi32, #tpu.memory_space<hbm>>
      %dma_start3A_64 = tpu.memref_slice %arg3[%add3A_4] : memref<2048xi32, #tpu.memory_space<hbm>> -> memref<16xi32, #tpu.memory_space<hbm>>
      tpu.enqueue_dma source(%dma_start3A_64 : memref<16xi32, #tpu.memory_space<hbm>>) target(%arg7 : memref<16xi32, #tpu.memory_space<vmem>>) target_semaphore(%run_scoped3A : memref<!tpu.dma_semaphore, #tpu.memory_space<semaphore_mem>>)
      %dma_wait3A_65 = tpu.memref_slice %arg3[%add3A_4] : memref<2048xi32, #tpu.memory_space<hbm>> -> memref<16xi32, #tpu.memory_space<hbm>>
      %dma_wait3A_66 = tpu.memref_slice %arg3[%add3A_4] : memref<2048xi32, #tpu.memory_space<hbm>> -> memref<16xi32, #tpu.memory_space<hbm>>
      tpu.wait_dma2 semaphore(%run_scoped3A : memref<!tpu.dma_semaphore, #tpu.memory_space<semaphore_mem>>) src(%dma_wait3A_66 : memref<16xi32, #tpu.memory_space<hbm>>) dst(%arg7 : memref<16xi32, #tpu.memory_space<vmem>>)
      tpu.yield
    }) : () -> ()
    "tpu.region"() ({
      %run_scoped3A = tpu.sem_alloc : memref<!tpu.dma_semaphore, #tpu.memory_space<semaphore_mem>>
      %dma_start3A_63 = tpu.memref_slice %arg4[%add3A_4] : memref<2048xi32, #tpu.memory_space<hbm>> -> memref<16xi32, #tpu.memory_space<hbm>>
      %dma_start3A_64 = tpu.memref_slice %arg4[%add3A_4] : memref<2048xi32, #tpu.memory_space<hbm>> -> memref<16xi32, #tpu.memory_space<hbm>>
      tpu.enqueue_dma source(%dma_start3A_64 : memref<16xi32, #tpu.memory_space<hbm>>) target(%arg8 : memref<16xi32, #tpu.memory_space<vmem>>) target_semaphore(%run_scoped3A : memref<!tpu.dma_semaphore, #tpu.memory_space<semaphore_mem>>)
      %dma_wait3A_65 = tpu.memref_slice %arg4[%add3A_4] : memref<2048xi32, #tpu.memory_space<hbm>> -> memref<16xi32, #tpu.memory_space<hbm>>
      %dma_wait3A_66 = tpu.memref_slice %arg4[%add3A_4] : memref<2048xi32, #tpu.memory_space<hbm>> -> memref<16xi32, #tpu.memory_space<hbm>>
      tpu.wait_dma2 semaphore(%run_scoped3A : memref<!tpu.dma_semaphore, #tpu.memory_space<semaphore_mem>>) src(%dma_wait3A_66 : memref<16xi32, #tpu.memory_space<hbm>>) dst(%arg8 : memref<16xi32, #tpu.memory_space<vmem>>)
      tpu.yield
    }) : () -> ()
    %dma_start3A = arith.constant 0 : i32
    %dma_start3A_5 = arith.constant 0 : i32
    %dma_start3A_6 = tpu.memref_slice %arg2[%dma_start3A, %dma_start3A_5] : memref<6144x2048xf32, #tpu.memory_space<hbm>> -> memref<6144x2048xf32, #tpu.memory_space<hbm>>
    tpu.enqueue_indirect_dma source(%dma_start3A_6 : memref<6144x2048xf32, #tpu.memory_space<hbm>>) target(%arg9 : memref<16x2048xf32, #tpu.memory_space<vmem>>) offsets(%arg7 : memref<16xi32, #tpu.memory_space<vmem>>) semaphore(%arg11 : memref<!tpu.dma_semaphore, #tpu.memory_space<semaphore_mem>>)
    %dma_start3A_7 = arith.constant 0 : i32
    %dma_start3A_8 = arith.constant 0 : i32
    %dma_start3A_9 = tpu.memref_slice %arg2[%dma_start3A_7, %dma_start3A_8] : memref<6144x2048xf32, #tpu.memory_space<hbm>> -> memref<6144x2048xf32, #tpu.memory_space<hbm>>
    tpu.enqueue_indirect_dma source(%dma_start3A_9 : memref<6144x2048xf32, #tpu.memory_space<hbm>>) target(%arg10 : memref<16x2048xf32, #tpu.memory_space<vmem>>) offsets(%arg8 : memref<16xi32, #tpu.memory_space<vmem>>) semaphore(%arg12 : memref<!tpu.dma_semaphore, #tpu.memory_space<semaphore_mem>>)
    %dma_wait3A = arith.constant 0 : i32
    %dma_wait3A_10 = arith.constant 0 : i32
    %dma_wait3A_11 = tpu.memref_slice %arg2[%dma_wait3A, %dma_wait3A_10] : memref<6144x2048xf32, #tpu.memory_space<hbm>> -> memref<6144x2048xf32, #tpu.memory_space<hbm>>
    tpu.wait_indirect_dma semaphore(%arg11 : memref<!tpu.dma_semaphore, #tpu.memory_space<semaphore_mem>>) src(%dma_wait3A_11 : memref<6144x2048xf32, #tpu.memory_space<hbm>>) dst(%arg9 : memref<16x2048xf32, #tpu.memory_space<vmem>>)
    %dma_wait3A_12 = arith.constant 0 : i32
    %dma_wait3A_13 = arith.constant 0 : i32
    %dma_wait3A_14 = tpu.memref_slice %arg2[%dma_wait3A_12, %dma_wait3A_13] : memref<6144x2048xf32, #tpu.memory_space<hbm>> -> memref<6144x2048xf32, #tpu.memory_space<hbm>>
    tpu.wait_indirect_dma semaphore(%arg12 : memref<!tpu.dma_semaphore, #tpu.memory_space<semaphore_mem>>) src(%dma_wait3A_14 : memref<6144x2048xf32, #tpu.memory_space<hbm>>) dst(%arg10 : memref<16x2048xf32, #tpu.memory_space<vmem>>)
    "tpu.region"() ({
      %run_scoped3A = tpu.sem_alloc : memref<!tpu.dma_semaphore, #tpu.memory_space<semaphore_mem>>
      %dma_start3A_63 = arith.constant 0 : i32
      %dma_start3A_64 = tpu.memref_slice %arg5[%add3A_4, %dma_start3A_63] : memref<2048x2048xf32, #tpu.memory_space<hbm>> -> memref<16x2048xf32, #tpu.memory_space<hbm>>
      %dma_start3A_65 = arith.constant 0 : i32
      %dma_start3A_66 = tpu.memref_slice %arg5[%add3A_4, %dma_start3A_65] : memref<2048x2048xf32, #tpu.memory_space<hbm>> -> memref<16x2048xf32, #tpu.memory_space<hbm>>
      tpu.enqueue_dma source(%arg9 : memref<16x2048xf32, #tpu.memory_space<vmem>>) target(%dma_start3A_66 : memref<16x2048xf32, #tpu.memory_space<hbm>>) target_semaphore(%run_scoped3A : memref<!tpu.dma_semaphore, #tpu.memory_space<semaphore_mem>>)
      %dma_wait3A_67 = arith.constant 0 : i32
      %dma_wait3A_68 = tpu.memref_slice %arg5[%add3A_4, %dma_wait3A_67] : memref<2048x2048xf32, #tpu.memory_space<hbm>> -> memref<16x2048xf32, #tpu.memory_space<hbm>>
      %dma_wait3A_69 = arith.constant 0 : i32
      %dma_wait3A_70 = tpu.memref_slice %arg5[%add3A_4, %dma_wait3A_69] : memref<2048x2048xf32, #tpu.memory_space<hbm>> -> memref<16x2048xf32, #tpu.memory_space<hbm>>
      tpu.wait_dma2 semaphore(%run_scoped3A : memref<!tpu.dma_semaphore, #tpu.memory_space<semaphore_mem>>) src(%arg9 : memref<16x2048xf32, #tpu.memory_space<vmem>>) dst(%dma_wait3A_70 : memref<16x2048xf32, #tpu.memory_space<hbm>>)
      tpu.yield
    }) : () -> ()
    "tpu.region"() ({
      %run_scoped3A = tpu.sem_alloc : memref<!tpu.dma_semaphore, #tpu.memory_space<semaphore_mem>>
      %dma_start3A_63 = arith.constant 0 : i32
      %dma_start3A_64 = tpu.memref_slice %arg6[%add3A_4, %dma_start3A_63] : memref<2048x2048xf32, #tpu.memory_space<hbm>> -> memref<16x2048xf32, #tpu.memory_space<hbm>>
      %dma_start3A_65 = arith.constant 0 : i32
      %dma_start3A_66 = tpu.memref_slice %arg6[%add3A_4, %dma_start3A_65] : memref<2048x2048xf32, #tpu.memory_space<hbm>> -> memref<16x2048xf32, #tpu.memory_space<hbm>>
      tpu.enqueue_dma source(%arg10 : memref<16x2048xf32, #tpu.memory_space<vmem>>) target(%dma_start3A_66 : memref<16x2048xf32, #tpu.memory_space<hbm>>) target_semaphore(%run_scoped3A : memref<!tpu.dma_semaphore, #tpu.memory_space<semaphore_mem>>)
      %dma_wait3A_67 = arith.constant 0 : i32
      %dma_wait3A_68 = tpu.memref_slice %arg6[%add3A_4, %dma_wait3A_67] : memref<2048x2048xf32, #tpu.memory_space<hbm>> -> memref<16x2048xf32, #tpu.memory_space<hbm>>
      %dma_wait3A_69 = arith.constant 0 : i32
      %dma_wait3A_70 = tpu.memref_slice %arg6[%add3A_4, %dma_wait3A_69] : memref<2048x2048xf32, #tpu.memory_space<hbm>> -> memref<16x2048xf32, #tpu.memory_space<hbm>>
      tpu.wait_dma2 semaphore(%run_scoped3A : memref<!tpu.dma_semaphore, #tpu.memory_space<semaphore_mem>>) src(%arg10 : memref<16x2048xf32, #tpu.memory_space<vmem>>) dst(%dma_wait3A_70 : memref<16x2048xf32, #tpu.memory_space<hbm>>)
      tpu.yield
    }) : () -> ()
    %mul3A_15 = arith.constant 64 : i32
    %mul3A_16 = arith.muli %add3A, %mul3A_15 : i32
    %add3A_17 = arith.constant 16 : i32
    %add3A_18 = arith.addi %mul3A_16, %add3A_17 : i32
    "tpu.region"() ({
      %run_scoped3A = tpu.sem_alloc : memref<!tpu.dma_semaphore, #tpu.memory_space<semaphore_mem>>
      %dma_start3A_63 = tpu.memref_slice %arg3[%add3A_18] : memref<2048xi32, #tpu.memory_space<hbm>> -> memref<16xi32, #tpu.memory_space<hbm>>
      %dma_start3A_64 = tpu.memref_slice %arg3[%add3A_18] : memref<2048xi32, #tpu.memory_space<hbm>> -> memref<16xi32, #tpu.memory_space<hbm>>
      tpu.enqueue_dma source(%dma_start3A_64 : memref<16xi32, #tpu.memory_space<hbm>>) target(%arg7 : memref<16xi32, #tpu.memory_space<vmem>>) target_semaphore(%run_scoped3A : memref<!tpu.dma_semaphore, #tpu.memory_space<semaphore_mem>>)
      %dma_wait3A_65 = tpu.memref_slice %arg3[%add3A_18] : memref<2048xi32, #tpu.memory_space<hbm>> -> memref<16xi32, #tpu.memory_space<hbm>>
      %dma_wait3A_66 = tpu.memref_slice %arg3[%add3A_18] : memref<2048xi32, #tpu.memory_space<hbm>> -> memref<16xi32, #tpu.memory_space<hbm>>
      tpu.wait_dma2 semaphore(%run_scoped3A : memref<!tpu.dma_semaphore, #tpu.memory_space<semaphore_mem>>) src(%dma_wait3A_66 : memref<16xi32, #tpu.memory_space<hbm>>) dst(%arg7 : memref<16xi32, #tpu.memory_space<vmem>>)
      tpu.yield
    }) : () -> ()
    "tpu.region"() ({
      %run_scoped3A = tpu.sem_alloc : memref<!tpu.dma_semaphore, #tpu.memory_space<semaphore_mem>>
      %dma_start3A_63 = tpu.memref_slice %arg4[%add3A_18] : memref<2048xi32, #tpu.memory_space<hbm>> -> memref<16xi32, #tpu.memory_space<hbm>>
      %dma_start3A_64 = tpu.memref_slice %arg4[%add3A_18] : memref<2048xi32, #tpu.memory_space<hbm>> -> memref<16xi32, #tpu.memory_space<hbm>>
      tpu.enqueue_dma source(%dma_start3A_64 : memref<16xi32, #tpu.memory_space<hbm>>) target(%arg8 : memref<16xi32, #tpu.memory_space<vmem>>) target_semaphore(%run_scoped3A : memref<!tpu.dma_semaphore, #tpu.memory_space<semaphore_mem>>)
      %dma_wait3A_65 = tpu.memref_slice %arg4[%add3A_18] : memref<2048xi32, #tpu.memory_space<hbm>> -> memref<16xi32, #tpu.memory_space<hbm>>
      %dma_wait3A_66 = tpu.memref_slice %arg4[%add3A_18] : memref<2048xi32, #tpu.memory_space<hbm>> -> memref<16xi32, #tpu.memory_space<hbm>>
      tpu.wait_dma2 semaphore(%run_scoped3A : memref<!tpu.dma_semaphore, #tpu.memory_space<semaphore_mem>>) src(%dma_wait3A_66 : memref<16xi32, #tpu.memory_space<hbm>>) dst(%arg8 : memref<16xi32, #tpu.memory_space<vmem>>)
      tpu.yield
    }) : () -> ()
    %dma_start3A_19 = arith.constant 0 : i32
    %dma_start3A_20 = arith.constant 0 : i32
    %dma_start3A_21 = tpu.memref_slice %arg2[%dma_start3A_19, %dma_start3A_20] : memref<6144x2048xf32, #tpu.memory_space<hbm>> -> memref<6144x2048xf32, #tpu.memory_space<hbm>>
    tpu.enqueue_indirect_dma source(%dma_start3A_21 : memref<6144x2048xf32, #tpu.memory_space<hbm>>) target(%arg9 : memref<16x2048xf32, #tpu.memory_space<vmem>>) offsets(%arg7 : memref<16xi32, #tpu.memory_space<vmem>>) semaphore(%arg11 : memref<!tpu.dma_semaphore, #tpu.memory_space<semaphore_mem>>)
    %dma_start3A_22 = arith.constant 0 : i32
    %dma_start3A_23 = arith.constant 0 : i32
    %dma_start3A_24 = tpu.memref_slice %arg2[%dma_start3A_22, %dma_start3A_23] : memref<6144x2048xf32, #tpu.memory_space<hbm>> -> memref<6144x2048xf32, #tpu.memory_space<hbm>>
    tpu.enqueue_indirect_dma source(%dma_start3A_24 : memref<6144x2048xf32, #tpu.memory_space<hbm>>) target(%arg10 : memref<16x2048xf32, #tpu.memory_space<vmem>>) offsets(%arg8 : memref<16xi32, #tpu.memory_space<vmem>>) semaphore(%arg12 : memref<!tpu.dma_semaphore, #tpu.memory_space<semaphore_mem>>)
    %dma_wait3A_25 = arith.constant 0 : i32
    %dma_wait3A_26 = arith.constant 0 : i32
    %dma_wait3A_27 = tpu.memref_slice %arg2[%dma_wait3A_25, %dma_wait3A_26] : memref<6144x2048xf32, #tpu.memory_space<hbm>> -> memref<6144x2048xf32, #tpu.memory_space<hbm>>
    tpu.wait_indirect_dma semaphore(%arg11 : memref<!tpu.dma_semaphore, #tpu.memory_space<semaphore_mem>>) src(%dma_wait3A_27 : memref<6144x2048xf32, #tpu.memory_space<hbm>>) dst(%arg9 : memref<16x2048xf32, #tpu.memory_space<vmem>>)
    %dma_wait3A_28 = arith.constant 0 : i32
    %dma_wait3A_29 = arith.constant 0 : i32
    %dma_wait3A_30 = tpu.memref_slice %arg2[%dma_wait3A_28, %dma_wait3A_29] : memref<6144x2048xf32, #tpu.memory_space<hbm>> -> memref<6144x2048xf32, #tpu.memory_space<hbm>>
    tpu.wait_indirect_dma semaphore(%arg12 : memref<!tpu.dma_semaphore, #tpu.memory_space<semaphore_mem>>) src(%dma_wait3A_30 : memref<6144x2048xf32, #tpu.memory_space<hbm>>) dst(%arg10 : memref<16x2048xf32, #tpu.memory_space<vmem>>)
    "tpu.region"() ({
      %run_scoped3A = tpu.sem_alloc : memref<!tpu.dma_semaphore, #tpu.memory_space<semaphore_mem>>
      %dma_start3A_63 = arith.constant 0 : i32
      %dma_start3A_64 = tpu.memref_slice %arg5[%add3A_18, %dma_start3A_63] : memref<2048x2048xf32, #tpu.memory_space<hbm>> -> memref<16x2048xf32, #tpu.memory_space<hbm>>
      %dma_start3A_65 = arith.constant 0 : i32
      %dma_start3A_66 = tpu.memref_slice %arg5[%add3A_18, %dma_start3A_65] : memref<2048x2048xf32, #tpu.memory_space<hbm>> -> memref<16x2048xf32, #tpu.memory_space<hbm>>
      tpu.enqueue_dma source(%arg9 : memref<16x2048xf32, #tpu.memory_space<vmem>>) target(%dma_start3A_66 : memref<16x2048xf32, #tpu.memory_space<hbm>>) target_semaphore(%run_scoped3A : memref<!tpu.dma_semaphore, #tpu.memory_space<semaphore_mem>>)
      %dma_wait3A_67 = arith.constant 0 : i32
      %dma_wait3A_68 = tpu.memref_slice %arg5[%add3A_18, %dma_wait3A_67] : memref<2048x2048xf32, #tpu.memory_space<hbm>> -> memref<16x2048xf32, #tpu.memory_space<hbm>>
      %dma_wait3A_69 = arith.constant 0 : i32
      %dma_wait3A_70 = tpu.memref_slice %arg5[%add3A_18, %dma_wait3A_69] : memref<2048x2048xf32, #tpu.memory_space<hbm>> -> memref<16x2048xf32, #tpu.memory_space<hbm>>
      tpu.wait_dma2 semaphore(%run_scoped3A : memref<!tpu.dma_semaphore, #tpu.memory_space<semaphore_mem>>) src(%arg9 : memref<16x2048xf32, #tpu.memory_space<vmem>>) dst(%dma_wait3A_70 : memref<16x2048xf32, #tpu.memory_space<hbm>>)
      tpu.yield
    }) : () -> ()
    "tpu.region"() ({
      %run_scoped3A = tpu.sem_alloc : memref<!tpu.dma_semaphore, #tpu.memory_space<semaphore_mem>>
      %dma_start3A_63 = arith.constant 0 : i32
      %dma_start3A_64 = tpu.memref_slice %arg6[%add3A_18, %dma_start3A_63] : memref<2048x2048xf32, #tpu.memory_space<hbm>> -> memref<16x2048xf32, #tpu.memory_space<hbm>>
      %dma_start3A_65 = arith.constant 0 : i32
      %dma_start3A_66 = tpu.memref_slice %arg6[%add3A_18, %dma_start3A_65] : memref<2048x2048xf32, #tpu.memory_space<hbm>> -> memref<16x2048xf32, #tpu.memory_space<hbm>>
      tpu.enqueue_dma source(%arg10 : memref<16x2048xf32, #tpu.memory_space<vmem>>) target(%dma_start3A_66 : memref<16x2048xf32, #tpu.memory_space<hbm>>) target_semaphore(%run_scoped3A : memref<!tpu.dma_semaphore, #tpu.memory_space<semaphore_mem>>)
      %dma_wait3A_67 = arith.constant 0 : i32
      %dma_wait3A_68 = tpu.memref_slice %arg6[%add3A_18, %dma_wait3A_67] : memref<2048x2048xf32, #tpu.memory_space<hbm>> -> memref<16x2048xf32, #tpu.memory_space<hbm>>
      %dma_wait3A_69 = arith.constant 0 : i32
      %dma_wait3A_70 = tpu.memref_slice %arg6[%add3A_18, %dma_wait3A_69] : memref<2048x2048xf32, #tpu.memory_space<hbm>> -> memref<16x2048xf32, #tpu.memory_space<hbm>>
      tpu.wait_dma2 semaphore(%run_scoped3A : memref<!tpu.dma_semaphore, #tpu.memory_space<semaphore_mem>>) src(%arg10 : memref<16x2048xf32, #tpu.memory_space<vmem>>) dst(%dma_wait3A_70 : memref<16x2048xf32, #tpu.memory_space<hbm>>)
      tpu.yield
    }) : () -> ()
    %mul3A_31 = arith.constant 64 : i32
    %mul3A_32 = arith.muli %add3A, %mul3A_31 : i32
    %add3A_33 = arith.constant 32 : i32
    %add3A_34 = arith.addi %mul3A_32, %add3A_33 : i32
    "tpu.region"() ({
      %run_scoped3A = tpu.sem_alloc : memref<!tpu.dma_semaphore, #tpu.memory_space<semaphore_mem>>
      %dma_start3A_63 = tpu.memref_slice %arg3[%add3A_34] : memref<2048xi32, #tpu.memory_space<hbm>> -> memref<16xi32, #tpu.memory_space<hbm>>
      %dma_start3A_64 = tpu.memref_slice %arg3[%add3A_34] : memref<2048xi32, #tpu.memory_space<hbm>> -> memref<16xi32, #tpu.memory_space<hbm>>
      tpu.enqueue_dma source(%dma_start3A_64 : memref<16xi32, #tpu.memory_space<hbm>>) target(%arg7 : memref<16xi32, #tpu.memory_space<vmem>>) target_semaphore(%run_scoped3A : memref<!tpu.dma_semaphore, #tpu.memory_space<semaphore_mem>>)
      %dma_wait3A_65 = tpu.memref_slice %arg3[%add3A_34] : memref<2048xi32, #tpu.memory_space<hbm>> -> memref<16xi32, #tpu.memory_space<hbm>>
      %dma_wait3A_66 = tpu.memref_slice %arg3[%add3A_34] : memref<2048xi32, #tpu.memory_space<hbm>> -> memref<16xi32, #tpu.memory_space<hbm>>
      tpu.wait_dma2 semaphore(%run_scoped3A : memref<!tpu.dma_semaphore, #tpu.memory_space<semaphore_mem>>) src(%dma_wait3A_66 : memref<16xi32, #tpu.memory_space<hbm>>) dst(%arg7 : memref<16xi32, #tpu.memory_space<vmem>>)
      tpu.yield
    }) : () -> ()
    "tpu.region"() ({
      %run_scoped3A = tpu.sem_alloc : memref<!tpu.dma_semaphore, #tpu.memory_space<semaphore_mem>>
      %dma_start3A_63 = tpu.memref_slice %arg4[%add3A_34] : memref<2048xi32, #tpu.memory_space<hbm>> -> memref<16xi32, #tpu.memory_space<hbm>>
      %dma_start3A_64 = tpu.memref_slice %arg4[%add3A_34] : memref<2048xi32, #tpu.memory_space<hbm>> -> memref<16xi32, #tpu.memory_space<hbm>>
      tpu.enqueue_dma source(%dma_start3A_64 : memref<16xi32, #tpu.memory_space<hbm>>) target(%arg8 : memref<16xi32, #tpu.memory_space<vmem>>) target_semaphore(%run_scoped3A : memref<!tpu.dma_semaphore, #tpu.memory_space<semaphore_mem>>)
      %dma_wait3A_65 = tpu.memref_slice %arg4[%add3A_34] : memref<2048xi32, #tpu.memory_space<hbm>> -> memref<16xi32, #tpu.memory_space<hbm>>
      %dma_wait3A_66 = tpu.memref_slice %arg4[%add3A_34] : memref<2048xi32, #tpu.memory_space<hbm>> -> memref<16xi32, #tpu.memory_space<hbm>>
      tpu.wait_dma2 semaphore(%run_scoped3A : memref<!tpu.dma_semaphore, #tpu.memory_space<semaphore_mem>>) src(%dma_wait3A_66 : memref<16xi32, #tpu.memory_space<hbm>>) dst(%arg8 : memref<16xi32, #tpu.memory_space<vmem>>)
      tpu.yield
    }) : () -> ()
    %dma_start3A_35 = arith.constant 0 : i32
    %dma_start3A_36 = arith.constant 0 : i32
    %dma_start3A_37 = tpu.memref_slice %arg2[%dma_start3A_35, %dma_start3A_36] : memref<6144x2048xf32, #tpu.memory_space<hbm>> -> memref<6144x2048xf32, #tpu.memory_space<hbm>>
    tpu.enqueue_indirect_dma source(%dma_start3A_37 : memref<6144x2048xf32, #tpu.memory_space<hbm>>) target(%arg9 : memref<16x2048xf32, #tpu.memory_space<vmem>>) offsets(%arg7 : memref<16xi32, #tpu.memory_space<vmem>>) semaphore(%arg11 : memref<!tpu.dma_semaphore, #tpu.memory_space<semaphore_mem>>)
    %dma_start3A_38 = arith.constant 0 : i32
    %dma_start3A_39 = arith.constant 0 : i32
    %dma_start3A_40 = tpu.memref_slice %arg2[%dma_start3A_38, %dma_start3A_39] : memref<6144x2048xf32, #tpu.memory_space<hbm>> -> memref<6144x2048xf32, #tpu.memory_space<hbm>>
    tpu.enqueue_indirect_dma source(%dma_start3A_40 : memref<6144x2048xf32, #tpu.memory_space<hbm>>) target(%arg10 : memref<16x2048xf32, #tpu.memory_space<vmem>>) offsets(%arg8 : memref<16xi32, #tpu.memory_space<vmem>>) semaphore(%arg12 : memref<!tpu.dma_semaphore, #tpu.memory_space<semaphore_mem>>)
    %dma_wait3A_41 = arith.constant 0 : i32
    %dma_wait3A_42 = arith.constant 0 : i32
    %dma_wait3A_43 = tpu.memref_slice %arg2[%dma_wait3A_41, %dma_wait3A_42] : memref<6144x2048xf32, #tpu.memory_space<hbm>> -> memref<6144x2048xf32, #tpu.memory_space<hbm>>
    tpu.wait_indirect_dma semaphore(%arg11 : memref<!tpu.dma_semaphore, #tpu.memory_space<semaphore_mem>>) src(%dma_wait3A_43 : memref<6144x2048xf32, #tpu.memory_space<hbm>>) dst(%arg9 : memref<16x2048xf32, #tpu.memory_space<vmem>>)
    %dma_wait3A_44 = arith.constant 0 : i32
    %dma_wait3A_45 = arith.constant 0 : i32
    %dma_wait3A_46 = tpu.memref_slice %arg2[%dma_wait3A_44, %dma_wait3A_45] : memref<6144x2048xf32, #tpu.memory_space<hbm>> -> memref<6144x2048xf32, #tpu.memory_space<hbm>>
    tpu.wait_indirect_dma semaphore(%arg12 : memref<!tpu.dma_semaphore, #tpu.memory_space<semaphore_mem>>) src(%dma_wait3A_46 : memref<6144x2048xf32, #tpu.memory_space<hbm>>) dst(%arg10 : memref<16x2048xf32, #tpu.memory_space<vmem>>)
    "tpu.region"() ({
      %run_scoped3A = tpu.sem_alloc : memref<!tpu.dma_semaphore, #tpu.memory_space<semaphore_mem>>
      %dma_start3A_63 = arith.constant 0 : i32
      %dma_start3A_64 = tpu.memref_slice %arg5[%add3A_34, %dma_start3A_63] : memref<2048x2048xf32, #tpu.memory_space<hbm>> -> memref<16x2048xf32, #tpu.memory_space<hbm>>
      %dma_start3A_65 = arith.constant 0 : i32
      %dma_start3A_66 = tpu.memref_slice %arg5[%add3A_34, %dma_start3A_65] : memref<2048x2048xf32, #tpu.memory_space<hbm>> -> memref<16x2048xf32, #tpu.memory_space<hbm>>
      tpu.enqueue_dma source(%arg9 : memref<16x2048xf32, #tpu.memory_space<vmem>>) target(%dma_start3A_66 : memref<16x2048xf32, #tpu.memory_space<hbm>>) target_semaphore(%run_scoped3A : memref<!tpu.dma_semaphore, #tpu.memory_space<semaphore_mem>>)
      %dma_wait3A_67 = arith.constant 0 : i32
      %dma_wait3A_68 = tpu.memref_slice %arg5[%add3A_34, %dma_wait3A_67] : memref<2048x2048xf32, #tpu.memory_space<hbm>> -> memref<16x2048xf32, #tpu.memory_space<hbm>>
      %dma_wait3A_69 = arith.constant 0 : i32
      %dma_wait3A_70 = tpu.memref_slice %arg5[%add3A_34, %dma_wait3A_69] : memref<2048x2048xf32, #tpu.memory_space<hbm>> -> memref<16x2048xf32, #tpu.memory_space<hbm>>
      tpu.wait_dma2 semaphore(%run_scoped3A : memref<!tpu.dma_semaphore, #tpu.memory_space<semaphore_mem>>) src(%arg9 : memref<16x2048xf32, #tpu.memory_space<vmem>>) dst(%dma_wait3A_70 : memref<16x2048xf32, #tpu.memory_space<hbm>>)
      tpu.yield
    }) : () -> ()
    "tpu.region"() ({
      %run_scoped3A = tpu.sem_alloc : memref<!tpu.dma_semaphore, #tpu.memory_space<semaphore_mem>>
      %dma_start3A_63 = arith.constant 0 : i32
      %dma_start3A_64 = tpu.memref_slice %arg6[%add3A_34, %dma_start3A_63] : memref<2048x2048xf32, #tpu.memory_space<hbm>> -> memref<16x2048xf32, #tpu.memory_space<hbm>>
      %dma_start3A_65 = arith.constant 0 : i32
      %dma_start3A_66 = tpu.memref_slice %arg6[%add3A_34, %dma_start3A_65] : memref<2048x2048xf32, #tpu.memory_space<hbm>> -> memref<16x2048xf32, #tpu.memory_space<hbm>>
      tpu.enqueue_dma source(%arg10 : memref<16x2048xf32, #tpu.memory_space<vmem>>) target(%dma_start3A_66 : memref<16x2048xf32, #tpu.memory_space<hbm>>) target_semaphore(%run_scoped3A : memref<!tpu.dma_semaphore, #tpu.memory_space<semaphore_mem>>)
      %dma_wait3A_67 = arith.constant 0 : i32
      %dma_wait3A_68 = tpu.memref_slice %arg6[%add3A_34, %dma_wait3A_67] : memref<2048x2048xf32, #tpu.memory_space<hbm>> -> memref<16x2048xf32, #tpu.memory_space<hbm>>
      %dma_wait3A_69 = arith.constant 0 : i32
      %dma_wait3A_70 = tpu.memref_slice %arg6[%add3A_34, %dma_wait3A_69] : memref<2048x2048xf32, #tpu.memory_space<hbm>> -> memref<16x2048xf32, #tpu.memory_space<hbm>>
      tpu.wait_dma2 semaphore(%run_scoped3A : memref<!tpu.dma_semaphore, #tpu.memory_space<semaphore_mem>>) src(%arg10 : memref<16x2048xf32, #tpu.memory_space<vmem>>) dst(%dma_wait3A_70 : memref<16x2048xf32, #tpu.memory_space<hbm>>)
      tpu.yield
    }) : () -> ()
    %mul3A_47 = arith.constant 64 : i32
    %mul3A_48 = arith.muli %add3A, %mul3A_47 : i32
    %add3A_49 = arith.constant 48 : i32
    %add3A_50 = arith.addi %mul3A_48, %add3A_49 : i32
    "tpu.region"() ({
      %run_scoped3A = tpu.sem_alloc : memref<!tpu.dma_semaphore, #tpu.memory_space<semaphore_mem>>
      %dma_start3A_63 = tpu.memref_slice %arg3[%add3A_50] : memref<2048xi32, #tpu.memory_space<hbm>> -> memref<16xi32, #tpu.memory_space<hbm>>
      %dma_start3A_64 = tpu.memref_slice %arg3[%add3A_50] : memref<2048xi32, #tpu.memory_space<hbm>> -> memref<16xi32, #tpu.memory_space<hbm>>
      tpu.enqueue_dma source(%dma_start3A_64 : memref<16xi32, #tpu.memory_space<hbm>>) target(%arg7 : memref<16xi32, #tpu.memory_space<vmem>>) target_semaphore(%run_scoped3A : memref<!tpu.dma_semaphore, #tpu.memory_space<semaphore_mem>>)
      %dma_wait3A_65 = tpu.memref_slice %arg3[%add3A_50] : memref<2048xi32, #tpu.memory_space<hbm>> -> memref<16xi32, #tpu.memory_space<hbm>>
      %dma_wait3A_66 = tpu.memref_slice %arg3[%add3A_50] : memref<2048xi32, #tpu.memory_space<hbm>> -> memref<16xi32, #tpu.memory_space<hbm>>
      tpu.wait_dma2 semaphore(%run_scoped3A : memref<!tpu.dma_semaphore, #tpu.memory_space<semaphore_mem>>) src(%dma_wait3A_66 : memref<16xi32, #tpu.memory_space<hbm>>) dst(%arg7 : memref<16xi32, #tpu.memory_space<vmem>>)
      tpu.yield
    }) : () -> ()
    "tpu.region"() ({
      %run_scoped3A = tpu.sem_alloc : memref<!tpu.dma_semaphore, #tpu.memory_space<semaphore_mem>>
      %dma_start3A_63 = tpu.memref_slice %arg4[%add3A_50] : memref<2048xi32, #tpu.memory_space<hbm>> -> memref<16xi32, #tpu.memory_space<hbm>>
      %dma_start3A_64 = tpu.memref_slice %arg4[%add3A_50] : memref<2048xi32, #tpu.memory_space<hbm>> -> memref<16xi32, #tpu.memory_space<hbm>>
      tpu.enqueue_dma source(%dma_start3A_64 : memref<16xi32, #tpu.memory_space<hbm>>) target(%arg8 : memref<16xi32, #tpu.memory_space<vmem>>) target_semaphore(%run_scoped3A : memref<!tpu.dma_semaphore, #tpu.memory_space<semaphore_mem>>)
      %dma_wait3A_65 = tpu.memref_slice %arg4[%add3A_50] : memref<2048xi32, #tpu.memory_space<hbm>> -> memref<16xi32, #tpu.memory_space<hbm>>
      %dma_wait3A_66 = tpu.memref_slice %arg4[%add3A_50] : memref<2048xi32, #tpu.memory_space<hbm>> -> memref<16xi32, #tpu.memory_space<hbm>>
      tpu.wait_dma2 semaphore(%run_scoped3A : memref<!tpu.dma_semaphore, #tpu.memory_space<semaphore_mem>>) src(%dma_wait3A_66 : memref<16xi32, #tpu.memory_space<hbm>>) dst(%arg8 : memref<16xi32, #tpu.memory_space<vmem>>)
      tpu.yield
    }) : () -> ()
    %dma_start3A_51 = arith.constant 0 : i32
    %dma_start3A_52 = arith.constant 0 : i32
    %dma_start3A_53 = tpu.memref_slice %arg2[%dma_start3A_51, %dma_start3A_52] : memref<6144x2048xf32, #tpu.memory_space<hbm>> -> memref<6144x2048xf32, #tpu.memory_space<hbm>>
    tpu.enqueue_indirect_dma source(%dma_start3A_53 : memref<6144x2048xf32, #tpu.memory_space<hbm>>) target(%arg9 : memref<16x2048xf32, #tpu.memory_space<vmem>>) offsets(%arg7 : memref<16xi32, #tpu.memory_space<vmem>>) semaphore(%arg11 : memref<!tpu.dma_semaphore, #tpu.memory_space<semaphore_mem>>)
    %dma_start3A_54 = arith.constant 0 : i32
    %dma_start3A_55 = arith.constant 0 : i32
    %dma_start3A_56 = tpu.memref_slice %arg2[%dma_start3A_54, %dma_start3A_55] : memref<6144x2048xf32, #tpu.memory_space<hbm>> -> memref<6144x2048xf32, #tpu.memory_space<hbm>>
    tpu.enqueue_indirect_dma source(%dma_start3A_56 : memref<6144x2048xf32, #tpu.memory_space<hbm>>) target(%arg10 : memref<16x2048xf32, #tpu.memory_space<vmem>>) offsets(%arg8 : memref<16xi32, #tpu.memory_space<vmem>>) semaphore(%arg12 : memref<!tpu.dma_semaphore, #tpu.memory_space<semaphore_mem>>)
    %dma_wait3A_57 = arith.constant 0 : i32
    %dma_wait3A_58 = arith.constant 0 : i32
    %dma_wait3A_59 = tpu.memref_slice %arg2[%dma_wait3A_57, %dma_wait3A_58] : memref<6144x2048xf32, #tpu.memory_space<hbm>> -> memref<6144x2048xf32, #tpu.memory_space<hbm>>
    tpu.wait_indirect_dma semaphore(%arg11 : memref<!tpu.dma_semaphore, #tpu.memory_space<semaphore_mem>>) src(%dma_wait3A_59 : memref<6144x2048xf32, #tpu.memory_space<hbm>>) dst(%arg9 : memref<16x2048xf32, #tpu.memory_space<vmem>>)
    %dma_wait3A_60 = arith.constant 0 : i32
    %dma_wait3A_61 = arith.constant 0 : i32
    %dma_wait3A_62 = tpu.memref_slice %arg2[%dma_wait3A_60, %dma_wait3A_61] : memref<6144x2048xf32, #tpu.memory_space<hbm>> -> memref<6144x2048xf32, #tpu.memory_space<hbm>>
    tpu.wait_indirect_dma semaphore(%arg12 : memref<!tpu.dma_semaphore, #tpu.memory_space<semaphore_mem>>) src(%dma_wait3A_62 : memref<6144x2048xf32, #tpu.memory_space<hbm>>) dst(%arg10 : memref<16x2048xf32, #tpu.memory_space<vmem>>)
    "tpu.region"() ({
      %run_scoped3A = tpu.sem_alloc : memref<!tpu.dma_semaphore, #tpu.memory_space<semaphore_mem>>
      %dma_start3A_63 = arith.constant 0 : i32
      %dma_start3A_64 = tpu.memref_slice %arg5[%add3A_50, %dma_start3A_63] : memref<2048x2048xf32, #tpu.memory_space<hbm>> -> memref<16x2048xf32, #tpu.memory_space<hbm>>
      %dma_start3A_65 = arith.constant 0 : i32
      %dma_start3A_66 = tpu.memref_slice %arg5[%add3A_50, %dma_start3A_65] : memref<2048x2048xf32, #tpu.memory_space<hbm>> -> memref<16x2048xf32, #tpu.memory_space<hbm>>
      tpu.enqueue_dma source(%arg9 : memref<16x2048xf32, #tpu.memory_space<vmem>>) target(%dma_start3A_66 : memref<16x2048xf32, #tpu.memory_space<hbm>>) target_semaphore(%run_scoped3A : memref<!tpu.dma_semaphore, #tpu.memory_space<semaphore_mem>>)
      %dma_wait3A_67 = arith.constant 0 : i32
      %dma_wait3A_68 = tpu.memref_slice %arg5[%add3A_50, %dma_wait3A_67] : memref<2048x2048xf32, #tpu.memory_space<hbm>> -> memref<16x2048xf32, #tpu.memory_space<hbm>>
      %dma_wait3A_69 = arith.constant 0 : i32
      %dma_wait3A_70 = tpu.memref_slice %arg5[%add3A_50, %dma_wait3A_69] : memref<2048x2048xf32, #tpu.memory_space<hbm>> -> memref<16x2048xf32, #tpu.memory_space<hbm>>
      tpu.wait_dma2 semaphore(%run_scoped3A : memref<!tpu.dma_semaphore, #tpu.memory_space<semaphore_mem>>) src(%arg9 : memref<16x2048xf32, #tpu.memory_space<vmem>>) dst(%dma_wait3A_70 : memref<16x2048xf32, #tpu.memory_space<hbm>>)
      tpu.yield
    }) : () -> ()
    "tpu.region"() ({
      %run_scoped3A = tpu.sem_alloc : memref<!tpu.dma_semaphore, #tpu.memory_space<semaphore_mem>>
      %dma_start3A_63 = arith.constant 0 : i32
      %dma_start3A_64 = tpu.memref_slice %arg6[%add3A_50, %dma_start3A_63] : memref<2048x2048xf32, #tpu.memory_space<hbm>> -> memref<16x2048xf32, #tpu.memory_space<hbm>>
      %dma_start3A_65 = arith.constant 0 : i32
      %dma_start3A_66 = tpu.memref_slice %arg6[%add3A_50, %dma_start3A_65] : memref<2048x2048xf32, #tpu.memory_space<hbm>> -> memref<16x2048xf32, #tpu.memory_space<hbm>>
      tpu.enqueue_dma source(%arg10 : memref<16x2048xf32, #tpu.memory_space<vmem>>) target(%dma_start3A_66 : memref<16x2048xf32, #tpu.memory_space<hbm>>) target_semaphore(%run_scoped3A : memref<!tpu.dma_semaphore, #tpu.memory_space<semaphore_mem>>)
      %dma_wait3A_67 = arith.constant 0 : i32
      %dma_wait3A_68 = tpu.memref_slice %arg6[%add3A_50, %dma_wait3A_67] : memref<2048x2048xf32, #tpu.memory_space<hbm>> -> memref<16x2048xf32, #tpu.memory_space<hbm>>
      %dma_wait3A_69 = arith.constant 0 : i32
      %dma_wait3A_70 = tpu.memref_slice %arg6[%add3A_50, %dma_wait3A_69] : memref<2048x2048xf32, #tpu.memory_space<hbm>> -> memref<16x2048xf32, #tpu.memory_space<hbm>>
      tpu.wait_dma2 semaphore(%run_scoped3A : memref<!tpu.dma_semaphore, #tpu.memory_space<semaphore_mem>>) src(%arg10 : memref<16x2048xf32, #tpu.memory_space<vmem>>) dst(%dma_wait3A_70 : memref<16x2048xf32, #tpu.memory_space<hbm>>)
      tpu.yield
    }) : () -> ()
    return
  }
}

#map = affine_map<(d0, d1) -> (0, 0)>
#map1 = affine_map<(d0, d1) -> (0)>
module attributes {stable_mosaic.version = 14 : i64} {
  func.func @disp(%arg0: i32, %arg1: i32, %arg2: memref<2048x1024xi32, #tpu.memory_space<hbm>>, %arg3: memref<2048xi32, #tpu.memory_space<hbm>>, %arg4: memref<2048xi32, #tpu.memory_space<hbm>>, %arg5: memref<6144x1024xi32, #tpu.memory_space<hbm>>, %arg6: memref<16xi32, #tpu.memory_space<vmem>>, %arg7: memref<16xi32, #tpu.memory_space<vmem>>, %arg8: memref<16x1024xi32, #tpu.memory_space<vmem>>, %arg9: memref<!tpu.dma_semaphore, #tpu.memory_space<semaphore_mem>>, %arg10: memref<!tpu.dma_semaphore, #tpu.memory_space<semaphore_mem>>) attributes {dimension_semantics = [#tpu.dimension_semantics<core_parallel>, #tpu.dimension_semantics<subcore_parallel>], iteration_bounds = array<i64: 2, 16>, scalar_prefetch = 0 : i64, scratch_operands = 5 : i64, tpu.core_type = #tpu.core_type<sc_vector_subcore>, window_params = [{transform_indices = #map}, {transform_indices = #map1}, {transform_indices = #map1}, {transform_indices = #map}]} {
    %mul3A = arith.constant 2 : i32
    %mul3A_0 = arith.muli %arg1, %mul3A : i32
    %add3A = arith.addi %mul3A_0, %arg0 : i32
    %mul3A_1 = arith.constant 64 : i32
    %mul3A_2 = arith.muli %add3A, %mul3A_1 : i32
    %add3A_3 = arith.constant 0 : i32
    %add3A_4 = arith.addi %mul3A_2, %add3A_3 : i32
    "tpu.region"() ({
      %run_scoped3A = tpu.sem_alloc : memref<!tpu.dma_semaphore, #tpu.memory_space<semaphore_mem>>
      %dma_start3A_63 = tpu.memref_slice %arg3[%add3A_4] : memref<2048xi32, #tpu.memory_space<hbm>> -> memref<16xi32, #tpu.memory_space<hbm>>
      %dma_start3A_64 = tpu.memref_slice %arg3[%add3A_4] : memref<2048xi32, #tpu.memory_space<hbm>> -> memref<16xi32, #tpu.memory_space<hbm>>
      tpu.enqueue_dma source(%dma_start3A_64 : memref<16xi32, #tpu.memory_space<hbm>>) target(%arg6 : memref<16xi32, #tpu.memory_space<vmem>>) target_semaphore(%run_scoped3A : memref<!tpu.dma_semaphore, #tpu.memory_space<semaphore_mem>>)
      %dma_wait3A_65 = tpu.memref_slice %arg3[%add3A_4] : memref<2048xi32, #tpu.memory_space<hbm>> -> memref<16xi32, #tpu.memory_space<hbm>>
      %dma_wait3A_66 = tpu.memref_slice %arg3[%add3A_4] : memref<2048xi32, #tpu.memory_space<hbm>> -> memref<16xi32, #tpu.memory_space<hbm>>
      tpu.wait_dma2 semaphore(%run_scoped3A : memref<!tpu.dma_semaphore, #tpu.memory_space<semaphore_mem>>) src(%dma_wait3A_66 : memref<16xi32, #tpu.memory_space<hbm>>) dst(%arg6 : memref<16xi32, #tpu.memory_space<vmem>>)
      tpu.yield
    }) : () -> ()
    "tpu.region"() ({
      %run_scoped3A = tpu.sem_alloc : memref<!tpu.dma_semaphore, #tpu.memory_space<semaphore_mem>>
      %dma_start3A_63 = tpu.memref_slice %arg4[%add3A_4] : memref<2048xi32, #tpu.memory_space<hbm>> -> memref<16xi32, #tpu.memory_space<hbm>>
      %dma_start3A_64 = tpu.memref_slice %arg4[%add3A_4] : memref<2048xi32, #tpu.memory_space<hbm>> -> memref<16xi32, #tpu.memory_space<hbm>>
      tpu.enqueue_dma source(%dma_start3A_64 : memref<16xi32, #tpu.memory_space<hbm>>) target(%arg7 : memref<16xi32, #tpu.memory_space<vmem>>) target_semaphore(%run_scoped3A : memref<!tpu.dma_semaphore, #tpu.memory_space<semaphore_mem>>)
      %dma_wait3A_65 = tpu.memref_slice %arg4[%add3A_4] : memref<2048xi32, #tpu.memory_space<hbm>> -> memref<16xi32, #tpu.memory_space<hbm>>
      %dma_wait3A_66 = tpu.memref_slice %arg4[%add3A_4] : memref<2048xi32, #tpu.memory_space<hbm>> -> memref<16xi32, #tpu.memory_space<hbm>>
      tpu.wait_dma2 semaphore(%run_scoped3A : memref<!tpu.dma_semaphore, #tpu.memory_space<semaphore_mem>>) src(%dma_wait3A_66 : memref<16xi32, #tpu.memory_space<hbm>>) dst(%arg7 : memref<16xi32, #tpu.memory_space<vmem>>)
      tpu.yield
    }) : () -> ()
    "tpu.region"() ({
      %run_scoped3A = tpu.sem_alloc : memref<!tpu.dma_semaphore, #tpu.memory_space<semaphore_mem>>
      %dma_start3A_63 = arith.constant 0 : i32
      %dma_start3A_64 = tpu.memref_slice %arg2[%add3A_4, %dma_start3A_63] : memref<2048x1024xi32, #tpu.memory_space<hbm>> -> memref<16x1024xi32, #tpu.memory_space<hbm>>
      %dma_start3A_65 = arith.constant 0 : i32
      %dma_start3A_66 = tpu.memref_slice %arg2[%add3A_4, %dma_start3A_65] : memref<2048x1024xi32, #tpu.memory_space<hbm>> -> memref<16x1024xi32, #tpu.memory_space<hbm>>
      tpu.enqueue_dma source(%dma_start3A_66 : memref<16x1024xi32, #tpu.memory_space<hbm>>) target(%arg8 : memref<16x1024xi32, #tpu.memory_space<vmem>>) target_semaphore(%run_scoped3A : memref<!tpu.dma_semaphore, #tpu.memory_space<semaphore_mem>>)
      %dma_wait3A_67 = arith.constant 0 : i32
      %dma_wait3A_68 = tpu.memref_slice %arg2[%add3A_4, %dma_wait3A_67] : memref<2048x1024xi32, #tpu.memory_space<hbm>> -> memref<16x1024xi32, #tpu.memory_space<hbm>>
      %dma_wait3A_69 = arith.constant 0 : i32
      %dma_wait3A_70 = tpu.memref_slice %arg2[%add3A_4, %dma_wait3A_69] : memref<2048x1024xi32, #tpu.memory_space<hbm>> -> memref<16x1024xi32, #tpu.memory_space<hbm>>
      tpu.wait_dma2 semaphore(%run_scoped3A : memref<!tpu.dma_semaphore, #tpu.memory_space<semaphore_mem>>) src(%dma_wait3A_70 : memref<16x1024xi32, #tpu.memory_space<hbm>>) dst(%arg8 : memref<16x1024xi32, #tpu.memory_space<vmem>>)
      tpu.yield
    }) : () -> ()
    %dma_start3A = arith.constant 0 : i32
    %dma_start3A_5 = arith.constant 0 : i32
    %dma_start3A_6 = tpu.memref_slice %arg5[%dma_start3A, %dma_start3A_5] : memref<6144x1024xi32, #tpu.memory_space<hbm>> -> memref<6144x1024xi32, #tpu.memory_space<hbm>>
    tpu.enqueue_indirect_dma source(%arg8 : memref<16x1024xi32, #tpu.memory_space<vmem>>) target(%dma_start3A_6 : memref<6144x1024xi32, #tpu.memory_space<hbm>>) offsets(%arg6 : memref<16xi32, #tpu.memory_space<vmem>>) semaphore(%arg9 : memref<!tpu.dma_semaphore, #tpu.memory_space<semaphore_mem>>)
    %dma_start3A_7 = arith.constant 0 : i32
    %dma_start3A_8 = arith.constant 0 : i32
    %dma_start3A_9 = tpu.memref_slice %arg5[%dma_start3A_7, %dma_start3A_8] : memref<6144x1024xi32, #tpu.memory_space<hbm>> -> memref<6144x1024xi32, #tpu.memory_space<hbm>>
    tpu.enqueue_indirect_dma source(%arg8 : memref<16x1024xi32, #tpu.memory_space<vmem>>) target(%dma_start3A_9 : memref<6144x1024xi32, #tpu.memory_space<hbm>>) offsets(%arg7 : memref<16xi32, #tpu.memory_space<vmem>>) semaphore(%arg10 : memref<!tpu.dma_semaphore, #tpu.memory_space<semaphore_mem>>)
    %dma_wait3A = arith.constant 0 : i32
    %dma_wait3A_10 = arith.constant 0 : i32
    %dma_wait3A_11 = tpu.memref_slice %arg5[%dma_wait3A, %dma_wait3A_10] : memref<6144x1024xi32, #tpu.memory_space<hbm>> -> memref<6144x1024xi32, #tpu.memory_space<hbm>>
    tpu.wait_indirect_dma semaphore(%arg9 : memref<!tpu.dma_semaphore, #tpu.memory_space<semaphore_mem>>) src(%arg8 : memref<16x1024xi32, #tpu.memory_space<vmem>>) dst(%dma_wait3A_11 : memref<6144x1024xi32, #tpu.memory_space<hbm>>)
    %dma_wait3A_12 = arith.constant 0 : i32
    %dma_wait3A_13 = arith.constant 0 : i32
    %dma_wait3A_14 = tpu.memref_slice %arg5[%dma_wait3A_12, %dma_wait3A_13] : memref<6144x1024xi32, #tpu.memory_space<hbm>> -> memref<6144x1024xi32, #tpu.memory_space<hbm>>
    tpu.wait_indirect_dma semaphore(%arg10 : memref<!tpu.dma_semaphore, #tpu.memory_space<semaphore_mem>>) src(%arg8 : memref<16x1024xi32, #tpu.memory_space<vmem>>) dst(%dma_wait3A_14 : memref<6144x1024xi32, #tpu.memory_space<hbm>>)
    %mul3A_15 = arith.constant 64 : i32
    %mul3A_16 = arith.muli %add3A, %mul3A_15 : i32
    %add3A_17 = arith.constant 16 : i32
    %add3A_18 = arith.addi %mul3A_16, %add3A_17 : i32
    "tpu.region"() ({
      %run_scoped3A = tpu.sem_alloc : memref<!tpu.dma_semaphore, #tpu.memory_space<semaphore_mem>>
      %dma_start3A_63 = tpu.memref_slice %arg3[%add3A_18] : memref<2048xi32, #tpu.memory_space<hbm>> -> memref<16xi32, #tpu.memory_space<hbm>>
      %dma_start3A_64 = tpu.memref_slice %arg3[%add3A_18] : memref<2048xi32, #tpu.memory_space<hbm>> -> memref<16xi32, #tpu.memory_space<hbm>>
      tpu.enqueue_dma source(%dma_start3A_64 : memref<16xi32, #tpu.memory_space<hbm>>) target(%arg6 : memref<16xi32, #tpu.memory_space<vmem>>) target_semaphore(%run_scoped3A : memref<!tpu.dma_semaphore, #tpu.memory_space<semaphore_mem>>)
      %dma_wait3A_65 = tpu.memref_slice %arg3[%add3A_18] : memref<2048xi32, #tpu.memory_space<hbm>> -> memref<16xi32, #tpu.memory_space<hbm>>
      %dma_wait3A_66 = tpu.memref_slice %arg3[%add3A_18] : memref<2048xi32, #tpu.memory_space<hbm>> -> memref<16xi32, #tpu.memory_space<hbm>>
      tpu.wait_dma2 semaphore(%run_scoped3A : memref<!tpu.dma_semaphore, #tpu.memory_space<semaphore_mem>>) src(%dma_wait3A_66 : memref<16xi32, #tpu.memory_space<hbm>>) dst(%arg6 : memref<16xi32, #tpu.memory_space<vmem>>)
      tpu.yield
    }) : () -> ()
    "tpu.region"() ({
      %run_scoped3A = tpu.sem_alloc : memref<!tpu.dma_semaphore, #tpu.memory_space<semaphore_mem>>
      %dma_start3A_63 = tpu.memref_slice %arg4[%add3A_18] : memref<2048xi32, #tpu.memory_space<hbm>> -> memref<16xi32, #tpu.memory_space<hbm>>
      %dma_start3A_64 = tpu.memref_slice %arg4[%add3A_18] : memref<2048xi32, #tpu.memory_space<hbm>> -> memref<16xi32, #tpu.memory_space<hbm>>
      tpu.enqueue_dma source(%dma_start3A_64 : memref<16xi32, #tpu.memory_space<hbm>>) target(%arg7 : memref<16xi32, #tpu.memory_space<vmem>>) target_semaphore(%run_scoped3A : memref<!tpu.dma_semaphore, #tpu.memory_space<semaphore_mem>>)
      %dma_wait3A_65 = tpu.memref_slice %arg4[%add3A_18] : memref<2048xi32, #tpu.memory_space<hbm>> -> memref<16xi32, #tpu.memory_space<hbm>>
      %dma_wait3A_66 = tpu.memref_slice %arg4[%add3A_18] : memref<2048xi32, #tpu.memory_space<hbm>> -> memref<16xi32, #tpu.memory_space<hbm>>
      tpu.wait_dma2 semaphore(%run_scoped3A : memref<!tpu.dma_semaphore, #tpu.memory_space<semaphore_mem>>) src(%dma_wait3A_66 : memref<16xi32, #tpu.memory_space<hbm>>) dst(%arg7 : memref<16xi32, #tpu.memory_space<vmem>>)
      tpu.yield
    }) : () -> ()
    "tpu.region"() ({
      %run_scoped3A = tpu.sem_alloc : memref<!tpu.dma_semaphore, #tpu.memory_space<semaphore_mem>>
      %dma_start3A_63 = arith.constant 0 : i32
      %dma_start3A_64 = tpu.memref_slice %arg2[%add3A_18, %dma_start3A_63] : memref<2048x1024xi32, #tpu.memory_space<hbm>> -> memref<16x1024xi32, #tpu.memory_space<hbm>>
      %dma_start3A_65 = arith.constant 0 : i32
      %dma_start3A_66 = tpu.memref_slice %arg2[%add3A_18, %dma_start3A_65] : memref<2048x1024xi32, #tpu.memory_space<hbm>> -> memref<16x1024xi32, #tpu.memory_space<hbm>>
      tpu.enqueue_dma source(%dma_start3A_66 : memref<16x1024xi32, #tpu.memory_space<hbm>>) target(%arg8 : memref<16x1024xi32, #tpu.memory_space<vmem>>) target_semaphore(%run_scoped3A : memref<!tpu.dma_semaphore, #tpu.memory_space<semaphore_mem>>)
      %dma_wait3A_67 = arith.constant 0 : i32
      %dma_wait3A_68 = tpu.memref_slice %arg2[%add3A_18, %dma_wait3A_67] : memref<2048x1024xi32, #tpu.memory_space<hbm>> -> memref<16x1024xi32, #tpu.memory_space<hbm>>
      %dma_wait3A_69 = arith.constant 0 : i32
      %dma_wait3A_70 = tpu.memref_slice %arg2[%add3A_18, %dma_wait3A_69] : memref<2048x1024xi32, #tpu.memory_space<hbm>> -> memref<16x1024xi32, #tpu.memory_space<hbm>>
      tpu.wait_dma2 semaphore(%run_scoped3A : memref<!tpu.dma_semaphore, #tpu.memory_space<semaphore_mem>>) src(%dma_wait3A_70 : memref<16x1024xi32, #tpu.memory_space<hbm>>) dst(%arg8 : memref<16x1024xi32, #tpu.memory_space<vmem>>)
      tpu.yield
    }) : () -> ()
    %dma_start3A_19 = arith.constant 0 : i32
    %dma_start3A_20 = arith.constant 0 : i32
    %dma_start3A_21 = tpu.memref_slice %arg5[%dma_start3A_19, %dma_start3A_20] : memref<6144x1024xi32, #tpu.memory_space<hbm>> -> memref<6144x1024xi32, #tpu.memory_space<hbm>>
    tpu.enqueue_indirect_dma source(%arg8 : memref<16x1024xi32, #tpu.memory_space<vmem>>) target(%dma_start3A_21 : memref<6144x1024xi32, #tpu.memory_space<hbm>>) offsets(%arg6 : memref<16xi32, #tpu.memory_space<vmem>>) semaphore(%arg9 : memref<!tpu.dma_semaphore, #tpu.memory_space<semaphore_mem>>)
    %dma_start3A_22 = arith.constant 0 : i32
    %dma_start3A_23 = arith.constant 0 : i32
    %dma_start3A_24 = tpu.memref_slice %arg5[%dma_start3A_22, %dma_start3A_23] : memref<6144x1024xi32, #tpu.memory_space<hbm>> -> memref<6144x1024xi32, #tpu.memory_space<hbm>>
    tpu.enqueue_indirect_dma source(%arg8 : memref<16x1024xi32, #tpu.memory_space<vmem>>) target(%dma_start3A_24 : memref<6144x1024xi32, #tpu.memory_space<hbm>>) offsets(%arg7 : memref<16xi32, #tpu.memory_space<vmem>>) semaphore(%arg10 : memref<!tpu.dma_semaphore, #tpu.memory_space<semaphore_mem>>)
    %dma_wait3A_25 = arith.constant 0 : i32
    %dma_wait3A_26 = arith.constant 0 : i32
    %dma_wait3A_27 = tpu.memref_slice %arg5[%dma_wait3A_25, %dma_wait3A_26] : memref<6144x1024xi32, #tpu.memory_space<hbm>> -> memref<6144x1024xi32, #tpu.memory_space<hbm>>
    tpu.wait_indirect_dma semaphore(%arg9 : memref<!tpu.dma_semaphore, #tpu.memory_space<semaphore_mem>>) src(%arg8 : memref<16x1024xi32, #tpu.memory_space<vmem>>) dst(%dma_wait3A_27 : memref<6144x1024xi32, #tpu.memory_space<hbm>>)
    %dma_wait3A_28 = arith.constant 0 : i32
    %dma_wait3A_29 = arith.constant 0 : i32
    %dma_wait3A_30 = tpu.memref_slice %arg5[%dma_wait3A_28, %dma_wait3A_29] : memref<6144x1024xi32, #tpu.memory_space<hbm>> -> memref<6144x1024xi32, #tpu.memory_space<hbm>>
    tpu.wait_indirect_dma semaphore(%arg10 : memref<!tpu.dma_semaphore, #tpu.memory_space<semaphore_mem>>) src(%arg8 : memref<16x1024xi32, #tpu.memory_space<vmem>>) dst(%dma_wait3A_30 : memref<6144x1024xi32, #tpu.memory_space<hbm>>)
    %mul3A_31 = arith.constant 64 : i32
    %mul3A_32 = arith.muli %add3A, %mul3A_31 : i32
    %add3A_33 = arith.constant 32 : i32
    %add3A_34 = arith.addi %mul3A_32, %add3A_33 : i32
    "tpu.region"() ({
      %run_scoped3A = tpu.sem_alloc : memref<!tpu.dma_semaphore, #tpu.memory_space<semaphore_mem>>
      %dma_start3A_63 = tpu.memref_slice %arg3[%add3A_34] : memref<2048xi32, #tpu.memory_space<hbm>> -> memref<16xi32, #tpu.memory_space<hbm>>
      %dma_start3A_64 = tpu.memref_slice %arg3[%add3A_34] : memref<2048xi32, #tpu.memory_space<hbm>> -> memref<16xi32, #tpu.memory_space<hbm>>
      tpu.enqueue_dma source(%dma_start3A_64 : memref<16xi32, #tpu.memory_space<hbm>>) target(%arg6 : memref<16xi32, #tpu.memory_space<vmem>>) target_semaphore(%run_scoped3A : memref<!tpu.dma_semaphore, #tpu.memory_space<semaphore_mem>>)
      %dma_wait3A_65 = tpu.memref_slice %arg3[%add3A_34] : memref<2048xi32, #tpu.memory_space<hbm>> -> memref<16xi32, #tpu.memory_space<hbm>>
      %dma_wait3A_66 = tpu.memref_slice %arg3[%add3A_34] : memref<2048xi32, #tpu.memory_space<hbm>> -> memref<16xi32, #tpu.memory_space<hbm>>
      tpu.wait_dma2 semaphore(%run_scoped3A : memref<!tpu.dma_semaphore, #tpu.memory_space<semaphore_mem>>) src(%dma_wait3A_66 : memref<16xi32, #tpu.memory_space<hbm>>) dst(%arg6 : memref<16xi32, #tpu.memory_space<vmem>>)
      tpu.yield
    }) : () -> ()
    "tpu.region"() ({
      %run_scoped3A = tpu.sem_alloc : memref<!tpu.dma_semaphore, #tpu.memory_space<semaphore_mem>>
      %dma_start3A_63 = tpu.memref_slice %arg4[%add3A_34] : memref<2048xi32, #tpu.memory_space<hbm>> -> memref<16xi32, #tpu.memory_space<hbm>>
      %dma_start3A_64 = tpu.memref_slice %arg4[%add3A_34] : memref<2048xi32, #tpu.memory_space<hbm>> -> memref<16xi32, #tpu.memory_space<hbm>>
      tpu.enqueue_dma source(%dma_start3A_64 : memref<16xi32, #tpu.memory_space<hbm>>) target(%arg7 : memref<16xi32, #tpu.memory_space<vmem>>) target_semaphore(%run_scoped3A : memref<!tpu.dma_semaphore, #tpu.memory_space<semaphore_mem>>)
      %dma_wait3A_65 = tpu.memref_slice %arg4[%add3A_34] : memref<2048xi32, #tpu.memory_space<hbm>> -> memref<16xi32, #tpu.memory_space<hbm>>
      %dma_wait3A_66 = tpu.memref_slice %arg4[%add3A_34] : memref<2048xi32, #tpu.memory_space<hbm>> -> memref<16xi32, #tpu.memory_space<hbm>>
      tpu.wait_dma2 semaphore(%run_scoped3A : memref<!tpu.dma_semaphore, #tpu.memory_space<semaphore_mem>>) src(%dma_wait3A_66 : memref<16xi32, #tpu.memory_space<hbm>>) dst(%arg7 : memref<16xi32, #tpu.memory_space<vmem>>)
      tpu.yield
    }) : () -> ()
    "tpu.region"() ({
      %run_scoped3A = tpu.sem_alloc : memref<!tpu.dma_semaphore, #tpu.memory_space<semaphore_mem>>
      %dma_start3A_63 = arith.constant 0 : i32
      %dma_start3A_64 = tpu.memref_slice %arg2[%add3A_34, %dma_start3A_63] : memref<2048x1024xi32, #tpu.memory_space<hbm>> -> memref<16x1024xi32, #tpu.memory_space<hbm>>
      %dma_start3A_65 = arith.constant 0 : i32
      %dma_start3A_66 = tpu.memref_slice %arg2[%add3A_34, %dma_start3A_65] : memref<2048x1024xi32, #tpu.memory_space<hbm>> -> memref<16x1024xi32, #tpu.memory_space<hbm>>
      tpu.enqueue_dma source(%dma_start3A_66 : memref<16x1024xi32, #tpu.memory_space<hbm>>) target(%arg8 : memref<16x1024xi32, #tpu.memory_space<vmem>>) target_semaphore(%run_scoped3A : memref<!tpu.dma_semaphore, #tpu.memory_space<semaphore_mem>>)
      %dma_wait3A_67 = arith.constant 0 : i32
      %dma_wait3A_68 = tpu.memref_slice %arg2[%add3A_34, %dma_wait3A_67] : memref<2048x1024xi32, #tpu.memory_space<hbm>> -> memref<16x1024xi32, #tpu.memory_space<hbm>>
      %dma_wait3A_69 = arith.constant 0 : i32
      %dma_wait3A_70 = tpu.memref_slice %arg2[%add3A_34, %dma_wait3A_69] : memref<2048x1024xi32, #tpu.memory_space<hbm>> -> memref<16x1024xi32, #tpu.memory_space<hbm>>
      tpu.wait_dma2 semaphore(%run_scoped3A : memref<!tpu.dma_semaphore, #tpu.memory_space<semaphore_mem>>) src(%dma_wait3A_70 : memref<16x1024xi32, #tpu.memory_space<hbm>>) dst(%arg8 : memref<16x1024xi32, #tpu.memory_space<vmem>>)
      tpu.yield
    }) : () -> ()
    %dma_start3A_35 = arith.constant 0 : i32
    %dma_start3A_36 = arith.constant 0 : i32
    %dma_start3A_37 = tpu.memref_slice %arg5[%dma_start3A_35, %dma_start3A_36] : memref<6144x1024xi32, #tpu.memory_space<hbm>> -> memref<6144x1024xi32, #tpu.memory_space<hbm>>
    tpu.enqueue_indirect_dma source(%arg8 : memref<16x1024xi32, #tpu.memory_space<vmem>>) target(%dma_start3A_37 : memref<6144x1024xi32, #tpu.memory_space<hbm>>) offsets(%arg6 : memref<16xi32, #tpu.memory_space<vmem>>) semaphore(%arg9 : memref<!tpu.dma_semaphore, #tpu.memory_space<semaphore_mem>>)
    %dma_start3A_38 = arith.constant 0 : i32
    %dma_start3A_39 = arith.constant 0 : i32
    %dma_start3A_40 = tpu.memref_slice %arg5[%dma_start3A_38, %dma_start3A_39] : memref<6144x1024xi32, #tpu.memory_space<hbm>> -> memref<6144x1024xi32, #tpu.memory_space<hbm>>
    tpu.enqueue_indirect_dma source(%arg8 : memref<16x1024xi32, #tpu.memory_space<vmem>>) target(%dma_start3A_40 : memref<6144x1024xi32, #tpu.memory_space<hbm>>) offsets(%arg7 : memref<16xi32, #tpu.memory_space<vmem>>) semaphore(%arg10 : memref<!tpu.dma_semaphore, #tpu.memory_space<semaphore_mem>>)
    %dma_wait3A_41 = arith.constant 0 : i32
    %dma_wait3A_42 = arith.constant 0 : i32
    %dma_wait3A_43 = tpu.memref_slice %arg5[%dma_wait3A_41, %dma_wait3A_42] : memref<6144x1024xi32, #tpu.memory_space<hbm>> -> memref<6144x1024xi32, #tpu.memory_space<hbm>>
    tpu.wait_indirect_dma semaphore(%arg9 : memref<!tpu.dma_semaphore, #tpu.memory_space<semaphore_mem>>) src(%arg8 : memref<16x1024xi32, #tpu.memory_space<vmem>>) dst(%dma_wait3A_43 : memref<6144x1024xi32, #tpu.memory_space<hbm>>)
    %dma_wait3A_44 = arith.constant 0 : i32
    %dma_wait3A_45 = arith.constant 0 : i32
    %dma_wait3A_46 = tpu.memref_slice %arg5[%dma_wait3A_44, %dma_wait3A_45] : memref<6144x1024xi32, #tpu.memory_space<hbm>> -> memref<6144x1024xi32, #tpu.memory_space<hbm>>
    tpu.wait_indirect_dma semaphore(%arg10 : memref<!tpu.dma_semaphore, #tpu.memory_space<semaphore_mem>>) src(%arg8 : memref<16x1024xi32, #tpu.memory_space<vmem>>) dst(%dma_wait3A_46 : memref<6144x1024xi32, #tpu.memory_space<hbm>>)
    %mul3A_47 = arith.constant 64 : i32
    %mul3A_48 = arith.muli %add3A, %mul3A_47 : i32
    %add3A_49 = arith.constant 48 : i32
    %add3A_50 = arith.addi %mul3A_48, %add3A_49 : i32
    "tpu.region"() ({
      %run_scoped3A = tpu.sem_alloc : memref<!tpu.dma_semaphore, #tpu.memory_space<semaphore_mem>>
      %dma_start3A_63 = tpu.memref_slice %arg3[%add3A_50] : memref<2048xi32, #tpu.memory_space<hbm>> -> memref<16xi32, #tpu.memory_space<hbm>>
      %dma_start3A_64 = tpu.memref_slice %arg3[%add3A_50] : memref<2048xi32, #tpu.memory_space<hbm>> -> memref<16xi32, #tpu.memory_space<hbm>>
      tpu.enqueue_dma source(%dma_start3A_64 : memref<16xi32, #tpu.memory_space<hbm>>) target(%arg6 : memref<16xi32, #tpu.memory_space<vmem>>) target_semaphore(%run_scoped3A : memref<!tpu.dma_semaphore, #tpu.memory_space<semaphore_mem>>)
      %dma_wait3A_65 = tpu.memref_slice %arg3[%add3A_50] : memref<2048xi32, #tpu.memory_space<hbm>> -> memref<16xi32, #tpu.memory_space<hbm>>
      %dma_wait3A_66 = tpu.memref_slice %arg3[%add3A_50] : memref<2048xi32, #tpu.memory_space<hbm>> -> memref<16xi32, #tpu.memory_space<hbm>>
      tpu.wait_dma2 semaphore(%run_scoped3A : memref<!tpu.dma_semaphore, #tpu.memory_space<semaphore_mem>>) src(%dma_wait3A_66 : memref<16xi32, #tpu.memory_space<hbm>>) dst(%arg6 : memref<16xi32, #tpu.memory_space<vmem>>)
      tpu.yield
    }) : () -> ()
    "tpu.region"() ({
      %run_scoped3A = tpu.sem_alloc : memref<!tpu.dma_semaphore, #tpu.memory_space<semaphore_mem>>
      %dma_start3A_63 = tpu.memref_slice %arg4[%add3A_50] : memref<2048xi32, #tpu.memory_space<hbm>> -> memref<16xi32, #tpu.memory_space<hbm>>
      %dma_start3A_64 = tpu.memref_slice %arg4[%add3A_50] : memref<2048xi32, #tpu.memory_space<hbm>> -> memref<16xi32, #tpu.memory_space<hbm>>
      tpu.enqueue_dma source(%dma_start3A_64 : memref<16xi32, #tpu.memory_space<hbm>>) target(%arg7 : memref<16xi32, #tpu.memory_space<vmem>>) target_semaphore(%run_scoped3A : memref<!tpu.dma_semaphore, #tpu.memory_space<semaphore_mem>>)
      %dma_wait3A_65 = tpu.memref_slice %arg4[%add3A_50] : memref<2048xi32, #tpu.memory_space<hbm>> -> memref<16xi32, #tpu.memory_space<hbm>>
      %dma_wait3A_66 = tpu.memref_slice %arg4[%add3A_50] : memref<2048xi32, #tpu.memory_space<hbm>> -> memref<16xi32, #tpu.memory_space<hbm>>
      tpu.wait_dma2 semaphore(%run_scoped3A : memref<!tpu.dma_semaphore, #tpu.memory_space<semaphore_mem>>) src(%dma_wait3A_66 : memref<16xi32, #tpu.memory_space<hbm>>) dst(%arg7 : memref<16xi32, #tpu.memory_space<vmem>>)
      tpu.yield
    }) : () -> ()
    "tpu.region"() ({
      %run_scoped3A = tpu.sem_alloc : memref<!tpu.dma_semaphore, #tpu.memory_space<semaphore_mem>>
      %dma_start3A_63 = arith.constant 0 : i32
      %dma_start3A_64 = tpu.memref_slice %arg2[%add3A_50, %dma_start3A_63] : memref<2048x1024xi32, #tpu.memory_space<hbm>> -> memref<16x1024xi32, #tpu.memory_space<hbm>>
      %dma_start3A_65 = arith.constant 0 : i32
      %dma_start3A_66 = tpu.memref_slice %arg2[%add3A_50, %dma_start3A_65] : memref<2048x1024xi32, #tpu.memory_space<hbm>> -> memref<16x1024xi32, #tpu.memory_space<hbm>>
      tpu.enqueue_dma source(%dma_start3A_66 : memref<16x1024xi32, #tpu.memory_space<hbm>>) target(%arg8 : memref<16x1024xi32, #tpu.memory_space<vmem>>) target_semaphore(%run_scoped3A : memref<!tpu.dma_semaphore, #tpu.memory_space<semaphore_mem>>)
      %dma_wait3A_67 = arith.constant 0 : i32
      %dma_wait3A_68 = tpu.memref_slice %arg2[%add3A_50, %dma_wait3A_67] : memref<2048x1024xi32, #tpu.memory_space<hbm>> -> memref<16x1024xi32, #tpu.memory_space<hbm>>
      %dma_wait3A_69 = arith.constant 0 : i32
      %dma_wait3A_70 = tpu.memref_slice %arg2[%add3A_50, %dma_wait3A_69] : memref<2048x1024xi32, #tpu.memory_space<hbm>> -> memref<16x1024xi32, #tpu.memory_space<hbm>>
      tpu.wait_dma2 semaphore(%run_scoped3A : memref<!tpu.dma_semaphore, #tpu.memory_space<semaphore_mem>>) src(%dma_wait3A_70 : memref<16x1024xi32, #tpu.memory_space<hbm>>) dst(%arg8 : memref<16x1024xi32, #tpu.memory_space<vmem>>)
      tpu.yield
    }) : () -> ()
    %dma_start3A_51 = arith.constant 0 : i32
    %dma_start3A_52 = arith.constant 0 : i32
    %dma_start3A_53 = tpu.memref_slice %arg5[%dma_start3A_51, %dma_start3A_52] : memref<6144x1024xi32, #tpu.memory_space<hbm>> -> memref<6144x1024xi32, #tpu.memory_space<hbm>>
    tpu.enqueue_indirect_dma source(%arg8 : memref<16x1024xi32, #tpu.memory_space<vmem>>) target(%dma_start3A_53 : memref<6144x1024xi32, #tpu.memory_space<hbm>>) offsets(%arg6 : memref<16xi32, #tpu.memory_space<vmem>>) semaphore(%arg9 : memref<!tpu.dma_semaphore, #tpu.memory_space<semaphore_mem>>)
    %dma_start3A_54 = arith.constant 0 : i32
    %dma_start3A_55 = arith.constant 0 : i32
    %dma_start3A_56 = tpu.memref_slice %arg5[%dma_start3A_54, %dma_start3A_55] : memref<6144x1024xi32, #tpu.memory_space<hbm>> -> memref<6144x1024xi32, #tpu.memory_space<hbm>>
    tpu.enqueue_indirect_dma source(%arg8 : memref<16x1024xi32, #tpu.memory_space<vmem>>) target(%dma_start3A_56 : memref<6144x1024xi32, #tpu.memory_space<hbm>>) offsets(%arg7 : memref<16xi32, #tpu.memory_space<vmem>>) semaphore(%arg10 : memref<!tpu.dma_semaphore, #tpu.memory_space<semaphore_mem>>)
    %dma_wait3A_57 = arith.constant 0 : i32
    %dma_wait3A_58 = arith.constant 0 : i32
    %dma_wait3A_59 = tpu.memref_slice %arg5[%dma_wait3A_57, %dma_wait3A_58] : memref<6144x1024xi32, #tpu.memory_space<hbm>> -> memref<6144x1024xi32, #tpu.memory_space<hbm>>
    tpu.wait_indirect_dma semaphore(%arg9 : memref<!tpu.dma_semaphore, #tpu.memory_space<semaphore_mem>>) src(%arg8 : memref<16x1024xi32, #tpu.memory_space<vmem>>) dst(%dma_wait3A_59 : memref<6144x1024xi32, #tpu.memory_space<hbm>>)
    %dma_wait3A_60 = arith.constant 0 : i32
    %dma_wait3A_61 = arith.constant 0 : i32
    %dma_wait3A_62 = tpu.memref_slice %arg5[%dma_wait3A_60, %dma_wait3A_61] : memref<6144x1024xi32, #tpu.memory_space<hbm>> -> memref<6144x1024xi32, #tpu.memory_space<hbm>>
    tpu.wait_indirect_dma semaphore(%arg10 : memref<!tpu.dma_semaphore, #tpu.memory_space<semaphore_mem>>) src(%arg8 : memref<16x1024xi32, #tpu.memory_space<vmem>>) dst(%dma_wait3A_62 : memref<6144x1024xi32, #tpu.memory_space<hbm>>)
    return
  }
}

module attributes {stable_mosaic.version = 14 : i64} {
  func.func @_qkv_body(%arg0: i32, %arg1: i32, %arg2: memref<256x2048xf32, #tpu.memory_space<vmem>>, %arg3: memref<2048x512xf32, #tpu.memory_space<vmem>>, %arg4: memref<1x2048xf32, #tpu.memory_space<vmem>>, %arg5: memref<256x512xf32, #tpu.memory_space<vmem>>) attributes {dimension_semantics = [#tpu.dimension_semantics<arbitrary>, #tpu.dimension_semantics<arbitrary>], iteration_bounds = array<i64: 8, 12>, scalar_prefetch = 0 : i64, scratch_operands = 0 : i64, tpu.core_type = #tpu.core_type<tc>, window_params = [{transform_indices = @transform_0, window_bounds = array<i64: 256, 2048>}, {transform_indices = @transform_1, window_bounds = array<i64: 2048, 512>}, {pipeline_mode = #tpu.pipeline_mode<synchronous>, transform_indices = @transform_2, window_bounds = array<i64: 1, 2048>}, {transform_indices = @transform_3, window_bounds = array<i64: 256, 512>}]} {
    %get3A = arith.constant 0 : index
    %get3A_0 = arith.constant 0 : index
    %get3A_1 = vector.load %arg2[%get3A, %get3A_0] : memref<256x2048xf32, #tpu.memory_space<vmem>>, vector<256x2048xf32>
    %mul3A = arith.mulf %get3A_1, %get3A_1 : vector<256x2048xf32>
    %reduce_sum3A = arith.constant dense<0.000000e+00> : vector<256xf32>
    %reduce_sum3A_2 = vector.multi_reduction <add>, %mul3A, %reduce_sum3A [1] : vector<256x2048xf32> to vector<256xf32>
    %broadcast_in_dim3A = vector.shape_cast %reduce_sum3A_2 : vector<256xf32> to vector<256x1xf32>
    %div3A = arith.constant 2.048000e+03 : f32
    %div3A_3 = vector.broadcast %div3A : f32 to vector<256x1xf32>
    %div3A_4 = arith.divf %broadcast_in_dim3A, %div3A_3 : vector<256x1xf32>
    %add3A = arith.constant 9.99999997E-7 : f32
    %add3A_5 = vector.broadcast %add3A : f32 to vector<256x1xf32>
    %add3A_6 = arith.addf %div3A_4, %add3A_5 : vector<256x1xf32>
    %rsqrt3A = math.rsqrt %add3A_6 : vector<256x1xf32>
    %mul3A_7 = vector.broadcast %rsqrt3A : vector<256x1xf32> to vector<256x2048xf32>
    %mul3A_8 = arith.mulf %get3A_1, %mul3A_7 : vector<256x2048xf32>
    %get3A_9 = arith.constant 0 : index
    %get3A_10 = arith.constant 0 : index
    %get3A_11 = vector.load %arg4[%get3A_9, %get3A_10] : memref<1x2048xf32, #tpu.memory_space<vmem>>, vector<1x2048xf32>
    %mul3A_12 = vector.broadcast %get3A_11 : vector<1x2048xf32> to vector<256x2048xf32>
    %mul3A_13 = arith.mulf %mul3A_8, %mul3A_12 : vector<256x2048xf32>
    %get3A_14 = arith.constant 0 : index
    %get3A_15 = arith.constant 0 : index
    %get3A_16 = vector.load %arg3[%get3A_14, %get3A_15] : memref<2048x512xf32, #tpu.memory_space<vmem>>, vector<2048x512xf32>
    %dot_general3A = arith.constant dense<0.000000e+00> : vector<256x512xf32>
    %dot_general3A_17 = tpu.matmul %mul3A_13, %get3A_16, %dot_general3A {dimension_numbers = #tpu.dot_dimension_numbers<[1], [0], [0], [1], [0, 0, 1, 1], [], []>, transpose_lhs_hint = false} : vector<256x2048xf32>, vector<2048x512xf32>, vector<256x512xf32> -> vector<256x512xf32>
    %swap3A = arith.constant 0 : index
    %swap3A_18 = arith.constant 0 : index
    %swap3A_19 = vector.load %arg5[%swap3A, %swap3A_18] : memref<256x512xf32, #tpu.memory_space<vmem>>, vector<256x512xf32>
    tpu.vector_store %arg5[%swap3A, %swap3A_18], %dot_general3A_17 {strides = array<i32>} : memref<256x512xf32, #tpu.memory_space<vmem>>, vector<256x512xf32>,
    return
  }
  func.func @transform_0(%arg0: i32, %arg1: i32) -> (i32, i32) {
    %c0_i32 = arith.constant 0 : i32
    %c0_i32_0 = arith.constant 0 : i32
    return %arg0, %c0_i32 : i32, i32
  }
  func.func @transform_1(%arg0: i32, %arg1: i32) -> (i32, i32) {
    %c0_i32 = arith.constant 0 : i32
    %c0_i32_0 = arith.constant 0 : i32
    return %c0_i32, %arg1 : i32, i32
  }
  func.func @transform_2(%arg0: i32, %arg1: i32) -> (i32, i32) {
    %c0_i32 = arith.constant 0 : i32
    %c0_i32_0 = arith.constant 0 : i32
    %c0_i32_1 = arith.constant 0 : i32
    return %c0_i32, %c0_i32_0 : i32, i32
  }
  func.func @transform_3(%arg0: i32, %arg1: i32) -> (i32, i32) {
    %c0_i32 = arith.constant 0 : i32
    return %arg0, %arg1 : i32, i32
  }
}

module attributes {stable_mosaic.version = 14 : i64} {
  func.func @_rope_body(%arg0: i32, %arg1: i32, %arg2: memref<1x256x128xf32, #tpu.memory_space<vmem>>, %arg3: memref<1x256x128xf32, #tpu.memory_space<vmem>>, %arg4: memref<256x128xf32, #tpu.memory_space<vmem>>, %arg5: memref<256x128xf32, #tpu.memory_space<vmem>>, %arg6: memref<1x256x128xf32, #tpu.memory_space<vmem>>, %arg7: memref<1x256x128xf32, #tpu.memory_space<vmem>>) attributes {dimension_semantics = [#tpu.dimension_semantics<arbitrary>, #tpu.dimension_semantics<arbitrary>], iteration_bounds = array<i64: 16, 8>, scalar_prefetch = 0 : i64, scratch_operands = 0 : i64, tpu.core_type = #tpu.core_type<tc>, window_params = [{transform_indices = @transform_0, window_bounds = array<i64: 1, 256, 128>}, {transform_indices = @transform_1, window_bounds = array<i64: 1, 256, 128>}, {transform_indices = @transform_2, window_bounds = array<i64: 256, 128>}, {transform_indices = @transform_3, window_bounds = array<i64: 256, 128>}, {transform_indices = @transform_4, window_bounds = array<i64: 1, 256, 128>}, {transform_indices = @transform_5, window_bounds = array<i64: 1, 256, 128>}]} {
    %get3A = arith.constant 0 : index
    %get3A_0 = arith.constant 0 : index
    %get3A_1 = vector.load %arg4[%get3A, %get3A_0] : memref<256x128xf32, #tpu.memory_space<vmem>>, vector<256x128xf32>
    %broadcast_in_dim3A = vector.shape_cast %get3A_1 : vector<256x128xf32> to vector<1x256x128xf32>
    %get3A_2 = arith.constant 0 : index
    %get3A_3 = arith.constant 0 : index
    %get3A_4 = vector.load %arg5[%get3A_2, %get3A_3] : memref<256x128xf32, #tpu.memory_space<vmem>>, vector<256x128xf32>
    %broadcast_in_dim3A_5 = vector.shape_cast %get3A_4 : vector<256x128xf32> to vector<1x256x128xf32>
    %get3A_6 = arith.constant 0 : index
    %get3A_7 = arith.constant 0 : index
    %get3A_8 = arith.constant 0 : index
    %get3A_9 = vector.load %arg2[%get3A_6, %get3A_7, %get3A_8] : memref<1x256x128xf32, #tpu.memory_space<vmem>>, vector<1x256x128xf32>
    %get3A_10 = arith.constant 0 : index
    %get3A_11 = arith.constant 0 : index
    %get3A_12 = arith.constant 0 : index
    %get3A_13 = vector.load %arg3[%get3A_10, %get3A_11, %get3A_12] : memref<1x256x128xf32, #tpu.memory_space<vmem>>, vector<1x256x128xf32>
    %mul3A = arith.mulf %get3A_9, %broadcast_in_dim3A : vector<1x256x128xf32>
    %slice3A = vector.extract_strided_slice %get3A_9 {offsets = [0, 0, 0], sizes = [1, 256, 64], strides = [1, 1, 1]} : vector<1x256x128xf32> to vector<1x256x64xf32>
    %slice3A_14 = vector.extract_strided_slice %get3A_9 {offsets = [0, 0, 64], sizes = [1, 256, 64], strides = [1, 1, 1]} : vector<1x256x128xf32> to vector<1x256x64xf32>
    %neg3A = arith.constant 0.000000e+00 : f32
    %neg3A_15 = vector.broadcast %neg3A : f32 to vector<1x256x64xf32>
    %neg3A_16 = arith.subf %neg3A_15, %slice3A_14 : vector<1x256x64xf32>
    %concatenate3A = tpu.concatenate %neg3A_16, %slice3A in 2 : vector<1x256x64xf32>, vector<1x256x64xf32> -> vector<1x256x128xf32>
    %mul3A_17 = arith.mulf %concatenate3A, %broadcast_in_dim3A_5 : vector<1x256x128xf32>
    %add3A = arith.addf %mul3A, %mul3A_17 : vector<1x256x128xf32>
    %swap3A = arith.constant 0 : index
    %swap3A_18 = arith.constant 0 : index
    %swap3A_19 = arith.constant 0 : index
    %swap3A_20 = vector.load %arg6[%swap3A, %swap3A_18, %swap3A_19] : memref<1x256x128xf32, #tpu.memory_space<vmem>>, vector<1x256x128xf32>
    tpu.vector_store %arg6[%swap3A, %swap3A_18, %swap3A_19], %add3A {strides = array<i32>} : memref<1x256x128xf32, #tpu.memory_space<vmem>>, vector<1x256x128xf32>,
    %mul3A_21 = arith.mulf %get3A_13, %broadcast_in_dim3A : vector<1x256x128xf32>
    %slice3A_22 = vector.extract_strided_slice %get3A_13 {offsets = [0, 0, 0], sizes = [1, 256, 64], strides = [1, 1, 1]} : vector<1x256x128xf32> to vector<1x256x64xf32>
    %slice3A_23 = vector.extract_strided_slice %get3A_13 {offsets = [0, 0, 64], sizes = [1, 256, 64], strides = [1, 1, 1]} : vector<1x256x128xf32> to vector<1x256x64xf32>
    %neg3A_24 = arith.constant 0.000000e+00 : f32
    %neg3A_25 = vector.broadcast %neg3A_24 : f32 to vector<1x256x64xf32>
    %neg3A_26 = arith.subf %neg3A_25, %slice3A_23 : vector<1x256x64xf32>
    %concatenate3A_27 = tpu.concatenate %neg3A_26, %slice3A_22 in 2 : vector<1x256x64xf32>, vector<1x256x64xf32> -> vector<1x256x128xf32>
    %mul3A_28 = arith.mulf %concatenate3A_27, %broadcast_in_dim3A_5 : vector<1x256x128xf32>
    %add3A_29 = arith.addf %mul3A_21, %mul3A_28 : vector<1x256x128xf32>
    %swap3A_30 = arith.constant 0 : index
    %swap3A_31 = arith.constant 0 : index
    %swap3A_32 = arith.constant 0 : index
    %swap3A_33 = vector.load %arg7[%swap3A_30, %swap3A_31, %swap3A_32] : memref<1x256x128xf32, #tpu.memory_space<vmem>>, vector<1x256x128xf32>
    tpu.vector_store %arg7[%swap3A_30, %swap3A_31, %swap3A_32], %add3A_29 {strides = array<i32>} : memref<1x256x128xf32, #tpu.memory_space<vmem>>, vector<1x256x128xf32>,
    return
  }
  func.func @transform_0(%arg0: i32, %arg1: i32) -> (i32, i32, i32) {
    %c0_i32 = arith.constant 0 : i32
    %c0_i32_0 = arith.constant 0 : i32
    return %arg0, %arg1, %c0_i32 : i32, i32, i32
  }
  func.func @transform_1(%arg0: i32, %arg1: i32) -> (i32, i32, i32) {
    %c0_i32 = arith.constant 0 : i32
    %c0_i32_0 = arith.constant 0 : i32
    return %arg0, %arg1, %c0_i32 : i32, i32, i32
  }
  func.func @transform_2(%arg0: i32, %arg1: i32) -> (i32, i32) {
    %c0_i32 = arith.constant 0 : i32
    %c0_i32_0 = arith.constant 0 : i32
    return %arg1, %c0_i32 : i32, i32
  }
  func.func @transform_3(%arg0: i32, %arg1: i32) -> (i32, i32) {
    %c0_i32 = arith.constant 0 : i32
    %c0_i32_0 = arith.constant 0 : i32
    return %arg1, %c0_i32 : i32, i32
  }
  func.func @transform_4(%arg0: i32, %arg1: i32) -> (i32, i32, i32) {
    %c0_i32 = arith.constant 0 : i32
    %c0_i32_0 = arith.constant 0 : i32
    return %arg0, %arg1, %c0_i32 : i32, i32, i32
  }
  func.func @transform_5(%arg0: i32, %arg1: i32) -> (i32, i32, i32) {
    %c0_i32 = arith.constant 0 : i32
    %c0_i32_0 = arith.constant 0 : i32
    return %arg0, %arg1, %c0_i32 : i32, i32, i32
  }
}

module attributes {stable_mosaic.version = 14 : i64} {
  func.func @_flash_body(%arg0: i32, %arg1: i32, %arg2: memref<1x256x128xf32, #tpu.memory_space<vmem>>, %arg3: memref<1x2048x128xf32, #tpu.memory_space<vmem>>, %arg4: memref<1x2048x128xf32, #tpu.memory_space<vmem>>, %arg5: memref<1x256x128xf32, #tpu.memory_space<vmem>>) attributes {dimension_semantics = [#tpu.dimension_semantics<arbitrary>, #tpu.dimension_semantics<arbitrary>], iteration_bounds = array<i64: 16, 8>, scalar_prefetch = 0 : i64, scratch_operands = 0 : i64, tpu.core_type = #tpu.core_type<tc>, window_params = [{transform_indices = @transform_0, window_bounds = array<i64: 1, 256, 128>}, {transform_indices = @transform_1, window_bounds = array<i64: 1, 2048, 128>}, {transform_indices = @transform_2, window_bounds = array<i64: 1, 2048, 128>}, {transform_indices = @transform_3, window_bounds = array<i64: 1, 256, 128>}]} {
    %get3A = arith.constant 0 : index
    %get3A_0 = arith.constant 0 : index
    %get3A_1 = arith.constant 0 : index
    %get3A_2 = vector.load %arg2[%get3A, %get3A_0, %get3A_1] : memref<1x256x128xf32, #tpu.memory_space<vmem>>, vector<1x256x128xf32>
    %get3A_3 = vector.shape_cast %get3A_2 : vector<1x256x128xf32> to vector<256x128xf32>
    %iota3A = tpu.iota {dimensions = array<i32: 0>} : vector<256x256xi32>
    %mul3A = arith.constant 256 : i32
    %mul3A_4 = arith.muli %arg1, %mul3A : i32
    %add3A = vector.broadcast %mul3A_4 : i32 to vector<256x256xi32>
    %add3A_5 = arith.addi %iota3A, %add3A : vector<256x256xi32>
    %broadcast_in_dim3A = arith.constant 0.000000e+00 : f32
    %broadcast_in_dim3A_6 = vector.broadcast %broadcast_in_dim3A : f32 to vector<256x128xf32>
    %broadcast_in_dim3A_7 = arith.constant -1.000000e+30 : f32
    %broadcast_in_dim3A_8 = vector.broadcast %broadcast_in_dim3A_7 : f32 to vector<256x1xf32>
    %broadcast_in_dim3A_9 = arith.constant 0.000000e+00 : f32
    %broadcast_in_dim3A_10 = vector.broadcast %broadcast_in_dim3A_9 : f32 to vector<256x1xf32>
    %add3A_11 = arith.constant 1 : i32
    %add3A_12 = arith.addi %arg1, %add3A_11 : i32
    %while3A = arith.constant 0 : i32
    %while3A_13 = arith.subi %add3A_12, %while3A : i32
    %while3A_14 = arith.addi %while3A, %while3A_13 : i32
    %while3A_15 = arith.constant 1 : i32
    %while3A_16 = arith.divsi %while3A_13, %while3A_15 : i32
    %while3A_17 = arith.muli %while3A_16, %while3A_15 : i32
    %while3A_18 = arith.addi %while3A, %while3A_17 : i32
    %while3A_19 = arith.constant 1 : i32
    %while3A_20:3 = scf.for %while3A_29 = %while3A to %while3A_18 step %while3A_19 iter_args(%while3A_30 = %broadcast_in_dim3A_6, %while3A_31 = %broadcast_in_dim3A_8, %while3A_32 = %broadcast_in_dim3A_10) -> (vector<256x128xf32>, vector<256x1xf32>, vector<256x1xf32>)  : i32 {
      %mul3A_33 = arith.constant 256 : i32
      %mul3A_34 = arith.muli %while3A_29, %mul3A_33 : i32
      %get3A_35 = arith.constant 0 : index
      %get3A_36 = arith.index_cast %mul3A_34 : i32 to index
      %get3A_37 = arith.constant 0 : index
      %get3A_38 = vector.load %arg3[%get3A_35, %get3A_36, %get3A_37] : memref<1x2048x128xf32, #tpu.memory_space<vmem>>, vector<1x256x128xf32>
      %get3A_39 = vector.shape_cast %get3A_38 : vector<1x256x128xf32> to vector<256x128xf32>
      %mul3A_40 = arith.constant 256 : i32
      %mul3A_41 = arith.muli %while3A_29, %mul3A_40 : i32
      %get3A_42 = arith.constant 0 : index
      %get3A_43 = arith.index_cast %mul3A_41 : i32 to index
      %get3A_44 = arith.constant 0 : index
      %get3A_45 = vector.load %arg4[%get3A_42, %get3A_43, %get3A_44] : memref<1x2048x128xf32, #tpu.memory_space<vmem>>, vector<1x256x128xf32>
      %get3A_46 = vector.shape_cast %get3A_45 : vector<1x256x128xf32> to vector<256x128xf32>
      %dot_general3A = arith.constant dense<0.000000e+00> : vector<256x256xf32>
      %dot_general3A_47 = tpu.matmul %get3A_3, %get3A_39, %dot_general3A {dimension_numbers = #tpu.dot_dimension_numbers<[1], [1], [0], [0], [0, 0, 1, 0], [], []>, transpose_lhs_hint = false} : vector<256x128xf32>, vector<256x128xf32>, vector<256x256xf32> -> vector<256x256xf32>
      %mul3A_48 = arith.constant 0.0883883461 : f32
      %mul3A_49 = vector.broadcast %mul3A_48 : f32 to vector<256x256xf32>
      %mul3A_50 = arith.mulf %dot_general3A_47, %mul3A_49 : vector<256x256xf32>
      %iota3A_51 = tpu.iota {dimensions = array<i32: 1>} : vector<256x256xi32>
      %mul3A_52 = arith.constant 256 : i32
      %mul3A_53 = arith.muli %while3A_29, %mul3A_52 : i32
      %add3A_54 = vector.broadcast %mul3A_53 : i32 to vector<256x256xi32>
      %add3A_55 = arith.addi %iota3A_51, %add3A_54 : vector<256x256xi32>
      %ge3A = arith.cmpi sge, %add3A_5, %add3A_55 : vector<256x256xi32>
      %jit3A = arith.constant -1.000000e+30 : f32
      %broadcast_in_dim3A_56 = vector.broadcast %jit3A : f32 to vector<256x256xf32>
      %select_n3A = arith.select %ge3A, %mul3A_50, %broadcast_in_dim3A_56 : vector<256x256xi1>, vector<256x256xf32>
      %reduce_max3A = arith.constant dense<0xFF800000> : vector<256xf32>
      %reduce_max3A_57 = vector.multi_reduction <maximumf>, %select_n3A, %reduce_max3A [1] : vector<256x256xf32> to vector<256xf32>
      %broadcast_in_dim3A_58 = vector.shape_cast %reduce_max3A_57 : vector<256xf32> to vector<256x1xf32>
      %max3A = arith.maximumf %while3A_31, %broadcast_in_dim3A_58 : vector<256x1xf32>
      %sub3A = vector.broadcast %max3A : vector<256x1xf32> to vector<256x256xf32>
      %sub3A_59 = arith.subf %select_n3A, %sub3A : vector<256x256xf32>
      %exp3A = math.exp %sub3A_59 : vector<256x256xf32>
      %sub3A_60 = arith.subf %while3A_31, %max3A : vector<256x1xf32>
      %exp3A_61 = math.exp %sub3A_60 : vector<256x1xf32>
      %mul3A_62 = arith.mulf %while3A_32, %exp3A_61 : vector<256x1xf32>
      %reduce_sum3A = arith.constant dense<0.000000e+00> : vector<256xf32>
      %reduce_sum3A_63 = vector.multi_reduction <add>, %exp3A, %reduce_sum3A [1] : vector<256x256xf32> to vector<256xf32>
      %broadcast_in_dim3A_64 = vector.shape_cast %reduce_sum3A_63 : vector<256xf32> to vector<256x1xf32>
      %add3A_65 = arith.addf %mul3A_62, %broadcast_in_dim3A_64 : vector<256x1xf32>
      %mul3A_66 = vector.broadcast %exp3A_61 : vector<256x1xf32> to vector<256x128xf32>
      %mul3A_67 = arith.mulf %while3A_30, %mul3A_66 : vector<256x128xf32>
      %dot_general3A_68 = arith.constant dense<0.000000e+00> : vector<256x128xf32>
      %dot_general3A_69 = tpu.matmul %exp3A, %get3A_46, %dot_general3A_68 {dimension_numbers = #tpu.dot_dimension_numbers<[1], [0], [0], [1], [0, 0, 1, 1], [], []>, transpose_lhs_hint = false} : vector<256x256xf32>, vector<256x128xf32>, vector<256x128xf32> -> vector<256x128xf32>
      %add3A_70 = arith.addf %mul3A_67, %dot_general3A_69 : vector<256x128xf32>
      scf.yield %add3A_70, %max3A, %add3A_65 : vector<256x128xf32>, vector<256x1xf32>, vector<256x1xf32>
    }
    %while3A_21 = arith.constant 1 : i32
    %while3A_22:3 = scf.for %while3A_29 = %while3A_18 to %while3A_14 step %while3A_21 iter_args(%while3A_30 = %while3A_20#0, %while3A_31 = %while3A_20#1, %while3A_32 = %while3A_20#2) -> (vector<256x128xf32>, vector<256x1xf32>, vector<256x1xf32>)  : i32 {
      %mul3A_33 = arith.constant 256 : i32
      %mul3A_34 = arith.muli %while3A_29, %mul3A_33 : i32
      %get3A_35 = arith.constant 0 : index
      %get3A_36 = arith.index_cast %mul3A_34 : i32 to index
      %get3A_37 = arith.constant 0 : index
      %get3A_38 = vector.load %arg3[%get3A_35, %get3A_36, %get3A_37] : memref<1x2048x128xf32, #tpu.memory_space<vmem>>, vector<1x256x128xf32>
      %get3A_39 = vector.shape_cast %get3A_38 : vector<1x256x128xf32> to vector<256x128xf32>
      %mul3A_40 = arith.constant 256 : i32
      %mul3A_41 = arith.muli %while3A_29, %mul3A_40 : i32
      %get3A_42 = arith.constant 0 : index
      %get3A_43 = arith.index_cast %mul3A_41 : i32 to index
      %get3A_44 = arith.constant 0 : index
      %get3A_45 = vector.load %arg4[%get3A_42, %get3A_43, %get3A_44] : memref<1x2048x128xf32, #tpu.memory_space<vmem>>, vector<1x256x128xf32>
      %get3A_46 = vector.shape_cast %get3A_45 : vector<1x256x128xf32> to vector<256x128xf32>
      %dot_general3A = arith.constant dense<0.000000e+00> : vector<256x256xf32>
      %dot_general3A_47 = tpu.matmul %get3A_3, %get3A_39, %dot_general3A {dimension_numbers = #tpu.dot_dimension_numbers<[1], [1], [0], [0], [0, 0, 1, 0], [], []>, transpose_lhs_hint = false} : vector<256x128xf32>, vector<256x128xf32>, vector<256x256xf32> -> vector<256x256xf32>
      %mul3A_48 = arith.constant 0.0883883461 : f32
      %mul3A_49 = vector.broadcast %mul3A_48 : f32 to vector<256x256xf32>
      %mul3A_50 = arith.mulf %dot_general3A_47, %mul3A_49 : vector<256x256xf32>
      %iota3A_51 = tpu.iota {dimensions = array<i32: 1>} : vector<256x256xi32>
      %mul3A_52 = arith.constant 256 : i32
      %mul3A_53 = arith.muli %while3A_29, %mul3A_52 : i32
      %add3A_54 = vector.broadcast %mul3A_53 : i32 to vector<256x256xi32>
      %add3A_55 = arith.addi %iota3A_51, %add3A_54 : vector<256x256xi32>
      %ge3A = arith.cmpi sge, %add3A_5, %add3A_55 : vector<256x256xi32>
      %jit3A = arith.constant -1.000000e+30 : f32
      %broadcast_in_dim3A_56 = vector.broadcast %jit3A : f32 to vector<256x256xf32>
      %select_n3A = arith.select %ge3A, %mul3A_50, %broadcast_in_dim3A_56 : vector<256x256xi1>, vector<256x256xf32>
      %reduce_max3A = arith.constant dense<0xFF800000> : vector<256xf32>
      %reduce_max3A_57 = vector.multi_reduction <maximumf>, %select_n3A, %reduce_max3A [1] : vector<256x256xf32> to vector<256xf32>
      %broadcast_in_dim3A_58 = vector.shape_cast %reduce_max3A_57 : vector<256xf32> to vector<256x1xf32>
      %max3A = arith.maximumf %while3A_31, %broadcast_in_dim3A_58 : vector<256x1xf32>
      %sub3A = vector.broadcast %max3A : vector<256x1xf32> to vector<256x256xf32>
      %sub3A_59 = arith.subf %select_n3A, %sub3A : vector<256x256xf32>
      %exp3A = math.exp %sub3A_59 : vector<256x256xf32>
      %sub3A_60 = arith.subf %while3A_31, %max3A : vector<256x1xf32>
      %exp3A_61 = math.exp %sub3A_60 : vector<256x1xf32>
      %mul3A_62 = arith.mulf %while3A_32, %exp3A_61 : vector<256x1xf32>
      %reduce_sum3A = arith.constant dense<0.000000e+00> : vector<256xf32>
      %reduce_sum3A_63 = vector.multi_reduction <add>, %exp3A, %reduce_sum3A [1] : vector<256x256xf32> to vector<256xf32>
      %broadcast_in_dim3A_64 = vector.shape_cast %reduce_sum3A_63 : vector<256xf32> to vector<256x1xf32>
      %add3A_65 = arith.addf %mul3A_62, %broadcast_in_dim3A_64 : vector<256x1xf32>
      %mul3A_66 = vector.broadcast %exp3A_61 : vector<256x1xf32> to vector<256x128xf32>
      %mul3A_67 = arith.mulf %while3A_30, %mul3A_66 : vector<256x128xf32>
      %dot_general3A_68 = arith.constant dense<0.000000e+00> : vector<256x128xf32>
      %dot_general3A_69 = tpu.matmul %exp3A, %get3A_46, %dot_general3A_68 {dimension_numbers = #tpu.dot_dimension_numbers<[1], [0], [0], [1], [0, 0, 1, 1], [], []>, transpose_lhs_hint = false} : vector<256x256xf32>, vector<256x128xf32>, vector<256x128xf32> -> vector<256x128xf32>
      %add3A_70 = arith.addf %mul3A_67, %dot_general3A_69 : vector<256x128xf32>
      scf.yield %add3A_70, %max3A, %add3A_65 : vector<256x128xf32>, vector<256x1xf32>, vector<256x1xf32>
    }
    %div3A = vector.broadcast %while3A_22#2 : vector<256x1xf32> to vector<256x128xf32>
    %div3A_23 = arith.divf %while3A_22#0, %div3A : vector<256x128xf32>
    %swap3A = arith.constant 0 : index
    %swap3A_24 = arith.constant 0 : index
    %swap3A_25 = arith.constant 0 : index
    %swap3A_26 = vector.load %arg5[%swap3A, %swap3A_24, %swap3A_25] : memref<1x256x128xf32, #tpu.memory_space<vmem>>, vector<1x256x128xf32>
    %swap3A_27 = vector.shape_cast %swap3A_26 : vector<1x256x128xf32> to vector<256x128xf32>
    %swap3A_28 = vector.shape_cast %div3A_23 : vector<256x128xf32> to vector<1x256x128xf32>
    tpu.vector_store %arg5[%swap3A, %swap3A_24, %swap3A_25], %swap3A_28 {strides = array<i32>} : memref<1x256x128xf32, #tpu.memory_space<vmem>>, vector<1x256x128xf32>,
    return
  }
  func.func @transform_0(%arg0: i32, %arg1: i32) -> (i32, i32, i32) {
    %c0_i32 = arith.constant 0 : i32
    %c0_i32_0 = arith.constant 0 : i32
    return %arg0, %arg1, %c0_i32 : i32, i32, i32
  }
  func.func @transform_1(%arg0: i32, %arg1: i32) -> (i32, i32, i32) {
    %c0_i32 = arith.constant 0 : i32
    %c0_i32_0 = arith.constant 0 : i32
    %c0_i32_1 = arith.constant 0 : i32
    return %arg0, %c0_i32, %c0_i32_0 : i32, i32, i32
  }
  func.func @transform_2(%arg0: i32, %arg1: i32) -> (i32, i32, i32) {
    %c0_i32 = arith.constant 0 : i32
    %c0_i32_0 = arith.constant 0 : i32
    %c0_i32_1 = arith.constant 0 : i32
    return %arg0, %c0_i32, %c0_i32_0 : i32, i32, i32
  }
  func.func @transform_3(%arg0: i32, %arg1: i32) -> (i32, i32, i32) {
    %c0_i32 = arith.constant 0 : i32
    %c0_i32_0 = arith.constant 0 : i32
    return %arg0, %arg1, %c0_i32 : i32, i32, i32
  }
}

module attributes {stable_mosaic.version = 14 : i64} {
  func.func @_oproj_body(%arg0: i32, %arg1: i32, %arg2: memref<256x2048xf32, #tpu.memory_space<vmem>>, %arg3: memref<2048x512xf32, #tpu.memory_space<vmem>>, %arg4: memref<256x512xf32, #tpu.memory_space<vmem>>, %arg5: memref<256x512xf32, #tpu.memory_space<vmem>>) attributes {dimension_semantics = [#tpu.dimension_semantics<arbitrary>, #tpu.dimension_semantics<arbitrary>], iteration_bounds = array<i64: 8, 4>, scalar_prefetch = 0 : i64, scratch_operands = 0 : i64, tpu.core_type = #tpu.core_type<tc>, window_params = [{transform_indices = @transform_0, window_bounds = array<i64: 256, 2048>}, {transform_indices = @transform_1, window_bounds = array<i64: 2048, 512>}, {transform_indices = @transform_2, window_bounds = array<i64: 256, 512>}, {transform_indices = @transform_3, window_bounds = array<i64: 256, 512>}]} {
    %get3A = arith.constant 0 : index
    %get3A_0 = arith.constant 0 : index
    %get3A_1 = vector.load %arg4[%get3A, %get3A_0] : memref<256x512xf32, #tpu.memory_space<vmem>>, vector<256x512xf32>
    %get3A_2 = arith.constant 0 : index
    %get3A_3 = arith.constant 0 : index
    %get3A_4 = vector.load %arg2[%get3A_2, %get3A_3] : memref<256x2048xf32, #tpu.memory_space<vmem>>, vector<256x2048xf32>
    %get3A_5 = arith.constant 0 : index
    %get3A_6 = arith.constant 0 : index
    %get3A_7 = vector.load %arg3[%get3A_5, %get3A_6] : memref<2048x512xf32, #tpu.memory_space<vmem>>, vector<2048x512xf32>
    %dot_general3A = arith.constant dense<0.000000e+00> : vector<256x512xf32>
    %dot_general3A_8 = tpu.matmul %get3A_4, %get3A_7, %dot_general3A {dimension_numbers = #tpu.dot_dimension_numbers<[1], [0], [0], [1], [0, 0, 1, 1], [], []>, transpose_lhs_hint = false} : vector<256x2048xf32>, vector<2048x512xf32>, vector<256x512xf32> -> vector<256x512xf32>
    %add3A = arith.addf %get3A_1, %dot_general3A_8 : vector<256x512xf32>
    %swap3A = arith.constant 0 : index
    %swap3A_9 = arith.constant 0 : index
    %swap3A_10 = vector.load %arg5[%swap3A, %swap3A_9] : memref<256x512xf32, #tpu.memory_space<vmem>>, vector<256x512xf32>
    tpu.vector_store %arg5[%swap3A, %swap3A_9], %add3A {strides = array<i32>} : memref<256x512xf32, #tpu.memory_space<vmem>>, vector<256x512xf32>,
    return
  }
  func.func @transform_0(%arg0: i32, %arg1: i32) -> (i32, i32) {
    %c0_i32 = arith.constant 0 : i32
    %c0_i32_0 = arith.constant 0 : i32
    return %arg0, %c0_i32 : i32, i32
  }
  func.func @transform_1(%arg0: i32, %arg1: i32) -> (i32, i32) {
    %c0_i32 = arith.constant 0 : i32
    %c0_i32_0 = arith.constant 0 : i32
    return %c0_i32, %arg1 : i32, i32
  }
  func.func @transform_2(%arg0: i32, %arg1: i32) -> (i32, i32) {
    %c0_i32 = arith.constant 0 : i32
    return %arg0, %arg1 : i32, i32
  }
  func.func @transform_3(%arg0: i32, %arg1: i32) -> (i32, i32) {
    %c0_i32 = arith.constant 0 : i32
    return %arg0, %arg1 : i32, i32
  }
}

module attributes {stable_mosaic.version = 14 : i64} {
  func.func @_router_body(%arg0: i32, %arg1: memref<256x2048xf32, #tpu.memory_space<vmem>>, %arg2: memref<8x2048xf32, #tpu.memory_space<vmem>>, %arg3: memref<256x2xf32, #tpu.memory_space<vmem>>, %arg4: memref<256x2xi32, #tpu.memory_space<vmem>>, %arg5: memref<256x128xf32, #tpu.memory_space<vmem>>) attributes {dimension_semantics = [#tpu.dimension_semantics<arbitrary>], iteration_bounds = array<i64: 8>, scalar_prefetch = 0 : i64, scratch_operands = 0 : i64, tpu.core_type = #tpu.core_type<tc>, window_params = [{transform_indices = @transform_0, window_bounds = array<i64: 256, 2048>}, {pipeline_mode = #tpu.pipeline_mode<synchronous>, transform_indices = @transform_1, window_bounds = array<i64: 8, 2048>}, {transform_indices = @transform_2, window_bounds = array<i64: 256, 2>}, {transform_indices = @transform_3, window_bounds = array<i64: 256, 2>}, {transform_indices = @transform_4, window_bounds = array<i64: 256, 128>}]} {
    %get3A = arith.constant 0 : index
    %get3A_0 = arith.constant 0 : index
    %get3A_1 = vector.load %arg1[%get3A, %get3A_0] : memref<256x2048xf32, #tpu.memory_space<vmem>>, vector<256x2048xf32>
    %convert_element_type3A = arith.truncf %get3A_1 : vector<256x2048xf32> to vector<256x2048xbf16>
    %convert_element_type3A_2 = arith.extf %convert_element_type3A : vector<256x2048xbf16> to vector<256x2048xf32>
    %get3A_3 = arith.constant 0 : index
    %get3A_4 = arith.constant 0 : index
    %get3A_5 = vector.load %arg2[%get3A_3, %get3A_4] : memref<8x2048xf32, #tpu.memory_space<vmem>>, vector<1x2048xf32>
    %convert_element_type3A_6 = arith.truncf %get3A_5 : vector<1x2048xf32> to vector<1x2048xbf16>
    %convert_element_type3A_7 = arith.extf %convert_element_type3A_6 : vector<1x2048xbf16> to vector<1x2048xf32>
    %mul3A = vector.broadcast %convert_element_type3A_7 : vector<1x2048xf32> to vector<256x2048xf32>
    %mul3A_8 = arith.mulf %convert_element_type3A_2, %mul3A : vector<256x2048xf32>
    %reduce_sum3A = arith.constant dense<0.000000e+00> : vector<256xf32>
    %reduce_sum3A_9 = vector.multi_reduction <add>, %mul3A_8, %reduce_sum3A [1] : vector<256x2048xf32> to vector<256xf32>
    %broadcast_in_dim3A = vector.shape_cast %reduce_sum3A_9 : vector<256xf32> to vector<256x1xf32>
    %get3A_10 = arith.constant 1 : index
    %get3A_11 = arith.constant 0 : index
    %get3A_12 = vector.load %arg2[%get3A_10, %get3A_11] : memref<8x2048xf32, #tpu.memory_space<vmem>>, vector<1x2048xf32>
    %convert_element_type3A_13 = arith.truncf %get3A_12 : vector<1x2048xf32> to vector<1x2048xbf16>
    %convert_element_type3A_14 = arith.extf %convert_element_type3A_13 : vector<1x2048xbf16> to vector<1x2048xf32>
    %mul3A_15 = vector.broadcast %convert_element_type3A_14 : vector<1x2048xf32> to vector<256x2048xf32>
    %mul3A_16 = arith.mulf %convert_element_type3A_2, %mul3A_15 : vector<256x2048xf32>
    %reduce_sum3A_17 = arith.constant dense<0.000000e+00> : vector<256xf32>
    %reduce_sum3A_18 = vector.multi_reduction <add>, %mul3A_16, %reduce_sum3A_17 [1] : vector<256x2048xf32> to vector<256xf32>
    %broadcast_in_dim3A_19 = vector.shape_cast %reduce_sum3A_18 : vector<256xf32> to vector<256x1xf32>
    %get3A_20 = arith.constant 2 : index
    %get3A_21 = arith.constant 0 : index
    %get3A_22 = vector.load %arg2[%get3A_20, %get3A_21] : memref<8x2048xf32, #tpu.memory_space<vmem>>, vector<1x2048xf32>
    %convert_element_type3A_23 = arith.truncf %get3A_22 : vector<1x2048xf32> to vector<1x2048xbf16>
    %convert_element_type3A_24 = arith.extf %convert_element_type3A_23 : vector<1x2048xbf16> to vector<1x2048xf32>
    %mul3A_25 = vector.broadcast %convert_element_type3A_24 : vector<1x2048xf32> to vector<256x2048xf32>
    %mul3A_26 = arith.mulf %convert_element_type3A_2, %mul3A_25 : vector<256x2048xf32>
    %reduce_sum3A_27 = arith.constant dense<0.000000e+00> : vector<256xf32>
    %reduce_sum3A_28 = vector.multi_reduction <add>, %mul3A_26, %reduce_sum3A_27 [1] : vector<256x2048xf32> to vector<256xf32>
    %broadcast_in_dim3A_29 = vector.shape_cast %reduce_sum3A_28 : vector<256xf32> to vector<256x1xf32>
    %get3A_30 = arith.constant 3 : index
    %get3A_31 = arith.constant 0 : index
    %get3A_32 = vector.load %arg2[%get3A_30, %get3A_31] : memref<8x2048xf32, #tpu.memory_space<vmem>>, vector<1x2048xf32>
    %convert_element_type3A_33 = arith.truncf %get3A_32 : vector<1x2048xf32> to vector<1x2048xbf16>
    %convert_element_type3A_34 = arith.extf %convert_element_type3A_33 : vector<1x2048xbf16> to vector<1x2048xf32>
    %mul3A_35 = vector.broadcast %convert_element_type3A_34 : vector<1x2048xf32> to vector<256x2048xf32>
    %mul3A_36 = arith.mulf %convert_element_type3A_2, %mul3A_35 : vector<256x2048xf32>
    %reduce_sum3A_37 = arith.constant dense<0.000000e+00> : vector<256xf32>
    %reduce_sum3A_38 = vector.multi_reduction <add>, %mul3A_36, %reduce_sum3A_37 [1] : vector<256x2048xf32> to vector<256xf32>
    %broadcast_in_dim3A_39 = vector.shape_cast %reduce_sum3A_38 : vector<256xf32> to vector<256x1xf32>
    %get3A_40 = arith.constant 4 : index
    %get3A_41 = arith.constant 0 : index
    %get3A_42 = vector.load %arg2[%get3A_40, %get3A_41] : memref<8x2048xf32, #tpu.memory_space<vmem>>, vector<1x2048xf32>
    %convert_element_type3A_43 = arith.truncf %get3A_42 : vector<1x2048xf32> to vector<1x2048xbf16>
    %convert_element_type3A_44 = arith.extf %convert_element_type3A_43 : vector<1x2048xbf16> to vector<1x2048xf32>
    %mul3A_45 = vector.broadcast %convert_element_type3A_44 : vector<1x2048xf32> to vector<256x2048xf32>
    %mul3A_46 = arith.mulf %convert_element_type3A_2, %mul3A_45 : vector<256x2048xf32>
    %reduce_sum3A_47 = arith.constant dense<0.000000e+00> : vector<256xf32>
    %reduce_sum3A_48 = vector.multi_reduction <add>, %mul3A_46, %reduce_sum3A_47 [1] : vector<256x2048xf32> to vector<256xf32>
    %broadcast_in_dim3A_49 = vector.shape_cast %reduce_sum3A_48 : vector<256xf32> to vector<256x1xf32>
    %get3A_50 = arith.constant 5 : index
    %get3A_51 = arith.constant 0 : index
    %get3A_52 = vector.load %arg2[%get3A_50, %get3A_51] : memref<8x2048xf32, #tpu.memory_space<vmem>>, vector<1x2048xf32>
    %convert_element_type3A_53 = arith.truncf %get3A_52 : vector<1x2048xf32> to vector<1x2048xbf16>
    %convert_element_type3A_54 = arith.extf %convert_element_type3A_53 : vector<1x2048xbf16> to vector<1x2048xf32>
    %mul3A_55 = vector.broadcast %convert_element_type3A_54 : vector<1x2048xf32> to vector<256x2048xf32>
    %mul3A_56 = arith.mulf %convert_element_type3A_2, %mul3A_55 : vector<256x2048xf32>
    %reduce_sum3A_57 = arith.constant dense<0.000000e+00> : vector<256xf32>
    %reduce_sum3A_58 = vector.multi_reduction <add>, %mul3A_56, %reduce_sum3A_57 [1] : vector<256x2048xf32> to vector<256xf32>
    %broadcast_in_dim3A_59 = vector.shape_cast %reduce_sum3A_58 : vector<256xf32> to vector<256x1xf32>
    %get3A_60 = arith.constant 6 : index
    %get3A_61 = arith.constant 0 : index
    %get3A_62 = vector.load %arg2[%get3A_60, %get3A_61] : memref<8x2048xf32, #tpu.memory_space<vmem>>, vector<1x2048xf32>
    %convert_element_type3A_63 = arith.truncf %get3A_62 : vector<1x2048xf32> to vector<1x2048xbf16>
    %convert_element_type3A_64 = arith.extf %convert_element_type3A_63 : vector<1x2048xbf16> to vector<1x2048xf32>
    %mul3A_65 = vector.broadcast %convert_element_type3A_64 : vector<1x2048xf32> to vector<256x2048xf32>
    %mul3A_66 = arith.mulf %convert_element_type3A_2, %mul3A_65 : vector<256x2048xf32>
    %reduce_sum3A_67 = arith.constant dense<0.000000e+00> : vector<256xf32>
    %reduce_sum3A_68 = vector.multi_reduction <add>, %mul3A_66, %reduce_sum3A_67 [1] : vector<256x2048xf32> to vector<256xf32>
    %broadcast_in_dim3A_69 = vector.shape_cast %reduce_sum3A_68 : vector<256xf32> to vector<256x1xf32>
    %get3A_70 = arith.constant 7 : index
    %get3A_71 = arith.constant 0 : index
    %get3A_72 = vector.load %arg2[%get3A_70, %get3A_71] : memref<8x2048xf32, #tpu.memory_space<vmem>>, vector<1x2048xf32>
    %convert_element_type3A_73 = arith.truncf %get3A_72 : vector<1x2048xf32> to vector<1x2048xbf16>
    %convert_element_type3A_74 = arith.extf %convert_element_type3A_73 : vector<1x2048xbf16> to vector<1x2048xf32>
    %mul3A_75 = vector.broadcast %convert_element_type3A_74 : vector<1x2048xf32> to vector<256x2048xf32>
    %mul3A_76 = arith.mulf %convert_element_type3A_2, %mul3A_75 : vector<256x2048xf32>
    %reduce_sum3A_77 = arith.constant dense<0.000000e+00> : vector<256xf32>
    %reduce_sum3A_78 = vector.multi_reduction <add>, %mul3A_76, %reduce_sum3A_77 [1] : vector<256x2048xf32> to vector<256xf32>
    %broadcast_in_dim3A_79 = vector.shape_cast %reduce_sum3A_78 : vector<256xf32> to vector<256x1xf32>
    %broadcast_in_dim3A_80 = arith.constant 0.000000e+00 : f32
    %broadcast_in_dim3A_81 = vector.broadcast %broadcast_in_dim3A_80 : f32 to vector<256x120xf32>
    %concatenate3A = tpu.concatenate %broadcast_in_dim3A, %broadcast_in_dim3A_19, %broadcast_in_dim3A_29, %broadcast_in_dim3A_39, %broadcast_in_dim3A_49, %broadcast_in_dim3A_59, %broadcast_in_dim3A_69, %broadcast_in_dim3A_79, %broadcast_in_dim3A_81 in 1 : vector<256x1xf32>, vector<256x1xf32>, vector<256x1xf32>, vector<256x1xf32>, vector<256x1xf32>, vector<256x1xf32>, vector<256x1xf32>, vector<256x1xf32>, vector<256x120xf32> -> vector<256x128xf32>
    %iota3A = tpu.iota {dimensions = array<i32: 1>} : vector<256x128xi32>
    %lt3A = arith.constant 8 : i32
    %lt3A_82 = vector.broadcast %lt3A : i32 to vector<256x128xi32>
    %lt3A_83 = arith.cmpi slt, %iota3A, %lt3A_82 : vector<256x128xi32>
    %jit3A = arith.constant -1.000000e+30 : f32
    %broadcast_in_dim3A_84 = vector.broadcast %jit3A : f32 to vector<256x128xf32>
    %select_n3A = arith.select %lt3A_83, %concatenate3A, %broadcast_in_dim3A_84 : vector<256x128xi1>, vector<256x128xf32>
    %reduce_max3A = arith.constant dense<0xFF800000> : vector<256xf32>
    %reduce_max3A_85 = vector.multi_reduction <maximumf>, %select_n3A, %reduce_max3A [1] : vector<256x128xf32> to vector<256xf32>
    %broadcast_in_dim3A_86 = vector.shape_cast %reduce_max3A_85 : vector<256xf32> to vector<256x1xf32>
    %sub3A = vector.broadcast %broadcast_in_dim3A_86 : vector<256x1xf32> to vector<256x128xf32>
    %sub3A_87 = arith.subf %select_n3A, %sub3A : vector<256x128xf32>
    %exp3A = math.exp %sub3A_87 : vector<256x128xf32>
    %jit3A_88 = arith.constant 0.000000e+00 : f32
    %broadcast_in_dim3A_89 = vector.broadcast %jit3A_88 : f32 to vector<256x128xf32>
    %select_n3A_90 = arith.select %lt3A_83, %exp3A, %broadcast_in_dim3A_89 : vector<256x128xi1>, vector<256x128xf32>
    %reduce_sum3A_91 = arith.constant dense<0.000000e+00> : vector<256xf32>
    %reduce_sum3A_92 = vector.multi_reduction <add>, %select_n3A_90, %reduce_sum3A_91 [1] : vector<256x128xf32> to vector<256xf32>
    %broadcast_in_dim3A_93 = vector.shape_cast %reduce_sum3A_92 : vector<256xf32> to vector<256x1xf32>
    %div3A = vector.broadcast %broadcast_in_dim3A_93 : vector<256x1xf32> to vector<256x128xf32>
    %div3A_94 = arith.divf %select_n3A_90, %div3A : vector<256x128xf32>
    %reduce_max3A_95 = arith.constant dense<0xFF800000> : vector<256xf32>
    %reduce_max3A_96 = vector.multi_reduction <maximumf>, %div3A_94, %reduce_max3A_95 [1] : vector<256x128xf32> to vector<256xf32>
    %broadcast_in_dim3A_97 = vector.shape_cast %reduce_max3A_96 : vector<256xf32> to vector<256x1xf32>
    %ge3A = vector.broadcast %broadcast_in_dim3A_97 : vector<256x1xf32> to vector<256x128xf32>
    %ge3A_98 = arith.cmpf oge, %div3A_94, %ge3A : vector<256x128xf32>
    %jit3A_99 = arith.constant 16 : i32
    %broadcast_in_dim3A_100 = vector.broadcast %jit3A_99 : i32 to vector<256x128xi32>
    %select_n3A_101 = arith.select %ge3A_98, %iota3A, %broadcast_in_dim3A_100 : vector<256x128xi1>, vector<256x128xi32>
    %reduce_min3A = arith.constant dense<2147483647> : vector<256xi32>
    %reduce_min3A_102 = vector.multi_reduction <minsi>, %select_n3A_101, %reduce_min3A [1] : vector<256x128xi32> to vector<256xi32>
    %broadcast_in_dim3A_103 = vector.shape_cast %reduce_min3A_102 : vector<256xi32> to vector<256x1xi32>
    %eq3A = vector.broadcast %broadcast_in_dim3A_103 : vector<256x1xi32> to vector<256x128xi32>
    %eq3A_104 = arith.cmpi eq, %iota3A, %eq3A : vector<256x128xi32>
    %jit3A_105 = arith.constant -1.000000e+00 : f32
    %broadcast_in_dim3A_106 = vector.broadcast %jit3A_105 : f32 to vector<256x128xf32>
    %select_n3A_107 = arith.select %eq3A_104, %broadcast_in_dim3A_106, %div3A_94 : vector<256x128xi1>, vector<256x128xf32>
    %reduce_max3A_108 = arith.constant dense<0xFF800000> : vector<256xf32>
    %reduce_max3A_109 = vector.multi_reduction <maximumf>, %select_n3A_107, %reduce_max3A_108 [1] : vector<256x128xf32> to vector<256xf32>
    %broadcast_in_dim3A_110 = vector.shape_cast %reduce_max3A_109 : vector<256xf32> to vector<256x1xf32>
    %ge3A_111 = vector.broadcast %broadcast_in_dim3A_110 : vector<256x1xf32> to vector<256x128xf32>
    %ge3A_112 = arith.cmpf oge, %select_n3A_107, %ge3A_111 : vector<256x128xf32>
    %jit3A_113 = arith.constant 16 : i32
    %broadcast_in_dim3A_114 = vector.broadcast %jit3A_113 : i32 to vector<256x128xi32>
    %select_n3A_115 = arith.select %ge3A_112, %iota3A, %broadcast_in_dim3A_114 : vector<256x128xi1>, vector<256x128xi32>
    %reduce_min3A_116 = arith.constant dense<2147483647> : vector<256xi32>
    %reduce_min3A_117 = vector.multi_reduction <minsi>, %select_n3A_115, %reduce_min3A_116 [1] : vector<256x128xi32> to vector<256xi32>
    %broadcast_in_dim3A_118 = vector.shape_cast %reduce_min3A_117 : vector<256xi32> to vector<256x1xi32>
    %add3A = arith.addf %broadcast_in_dim3A_97, %broadcast_in_dim3A_110 : vector<256x1xf32>
    %div3A_119 = arith.divf %broadcast_in_dim3A_97, %add3A : vector<256x1xf32>
    %div3A_120 = arith.divf %broadcast_in_dim3A_110, %add3A : vector<256x1xf32>
    %concatenate3A_121 = tpu.concatenate %div3A_119, %div3A_120 in 1 : vector<256x1xf32>, vector<256x1xf32> -> vector<256x2xf32>
    %swap3A = arith.constant 0 : index
    %swap3A_122 = arith.constant 0 : index
    %swap3A_123 = vector.load %arg3[%swap3A, %swap3A_122] : memref<256x2xf32, #tpu.memory_space<vmem>>, vector<256x2xf32>
    tpu.vector_store %arg3[%swap3A, %swap3A_122], %concatenate3A_121 {strides = array<i32>} : memref<256x2xf32, #tpu.memory_space<vmem>>, vector<256x2xf32>,
    %concatenate3A_124 = tpu.concatenate %broadcast_in_dim3A_103, %broadcast_in_dim3A_118 in 1 : vector<256x1xi32>, vector<256x1xi32> -> vector<256x2xi32>
    %swap3A_125 = arith.constant 0 : index
    %swap3A_126 = arith.constant 0 : index
    %swap3A_127 = vector.load %arg4[%swap3A_125, %swap3A_126] : memref<256x2xi32, #tpu.memory_space<vmem>>, vector<256x2xi32>
    tpu.vector_store %arg4[%swap3A_125, %swap3A_126], %concatenate3A_124 {strides = array<i32>} : memref<256x2xi32, #tpu.memory_space<vmem>>, vector<256x2xi32>,
    %eq3A_128 = vector.broadcast %broadcast_in_dim3A_103 : vector<256x1xi32> to vector<256x128xi32>
    %eq3A_129 = arith.cmpi eq, %iota3A, %eq3A_128 : vector<256x128xi32>
    %jit3A_130 = arith.constant 0.000000e+00 : f32
    %broadcast_in_dim3A_131 = vector.shape_cast %div3A_119 : vector<256x1xf32> to vector<256x1xf32>
    %broadcast_in_dim3A_132 = vector.broadcast %broadcast_in_dim3A_131 : vector<256x1xf32> to vector<256x128xf32>
    %broadcast_in_dim3A_133 = vector.broadcast %jit3A_130 : f32 to vector<256x128xf32>
    %select_n3A_134 = arith.select %eq3A_129, %broadcast_in_dim3A_132, %broadcast_in_dim3A_133 : vector<256x128xi1>, vector<256x128xf32>
    %eq3A_135 = vector.broadcast %broadcast_in_dim3A_118 : vector<256x1xi32> to vector<256x128xi32>
    %eq3A_136 = arith.cmpi eq, %iota3A, %eq3A_135 : vector<256x128xi32>
    %jit3A_137 = arith.constant 0.000000e+00 : f32
    %broadcast_in_dim3A_138 = vector.shape_cast %div3A_120 : vector<256x1xf32> to vector<256x1xf32>
    %broadcast_in_dim3A_139 = vector.broadcast %broadcast_in_dim3A_138 : vector<256x1xf32> to vector<256x128xf32>
    %broadcast_in_dim3A_140 = vector.broadcast %jit3A_137 : f32 to vector<256x128xf32>
    %select_n3A_141 = arith.select %eq3A_136, %broadcast_in_dim3A_139, %broadcast_in_dim3A_140 : vector<256x128xi1>, vector<256x128xf32>
    %add3A_142 = arith.addf %select_n3A_134, %select_n3A_141 : vector<256x128xf32>
    %swap3A_143 = arith.constant 0 : index
    %swap3A_144 = arith.constant 0 : index
    %swap3A_145 = vector.load %arg5[%swap3A_143, %swap3A_144] : memref<256x128xf32, #tpu.memory_space<vmem>>, vector<256x128xf32>
    tpu.vector_store %arg5[%swap3A_143, %swap3A_144], %add3A_142 {strides = array<i32>} : memref<256x128xf32, #tpu.memory_space<vmem>>, vector<256x128xf32>,
    return
  }
  func.func @transform_0(%arg0: i32) -> (i32, i32) {
    %c0_i32 = arith.constant 0 : i32
    %c0_i32_0 = arith.constant 0 : i32
    return %arg0, %c0_i32 : i32, i32
  }
  func.func @transform_1(%arg0: i32) -> (i32, i32) {
    %c0_i32 = arith.constant 0 : i32
    %c0_i32_0 = arith.constant 0 : i32
    %c0_i32_1 = arith.constant 0 : i32
    return %c0_i32, %c0_i32_0 : i32, i32
  }
  func.func @transform_2(%arg0: i32) -> (i32, i32) {
    %c0_i32 = arith.constant 0 : i32
    %c0_i32_0 = arith.constant 0 : i32
    return %arg0, %c0_i32 : i32, i32
  }
  func.func @transform_3(%arg0: i32) -> (i32, i32) {
    %c0_i32 = arith.constant 0 : i32
    %c0_i32_0 = arith.constant 0 : i32
    return %arg0, %c0_i32 : i32, i32
  }
  func.func @transform_4(%arg0: i32) -> (i32, i32) {
    %c0_i32 = arith.constant 0 : i32
    %c0_i32_0 = arith.constant 0 : i32
    return %arg0, %c0_i32 : i32, i32
  }
}

module attributes {stable_mosaic.version = 14 : i64} {
  func.func @_cnt_body(%arg0: i32, %arg1: memref<128x128xf32, #tpu.memory_space<vmem>>, %arg2: memref<1x128xf32, #tpu.memory_space<vmem>>) attributes {dimension_semantics = [#tpu.dimension_semantics<arbitrary>], iteration_bounds = array<i64: 16>, scalar_prefetch = 0 : i64, scratch_operands = 0 : i64, tpu.core_type = #tpu.core_type<tc>, window_params = [{transform_indices = @transform_0, window_bounds = array<i64: 128, 128>}, {pipeline_mode = #tpu.pipeline_mode<synchronous>, transform_indices = @transform_1, window_bounds = array<i64: 1, 128>}]} {
    %get3A = arith.constant 0 : index
    %get3A_0 = arith.constant 0 : index
    %get3A_1 = vector.load %arg1[%get3A, %get3A_0] : memref<128x128xf32, #tpu.memory_space<vmem>>, vector<128x128xf32>
    %gt3A = arith.constant 0.000000e+00 : f32
    %gt3A_2 = vector.broadcast %gt3A : f32 to vector<128x128xf32>
    %gt3A_3 = arith.cmpf ogt, %get3A_1, %gt3A_2 : vector<128x128xf32>
    %convert_element_type3A = arith.extui %gt3A_3 : vector<128x128xi1> to vector<128x128xi32>
    %convert_element_type3A_4 = arith.sitofp %convert_element_type3A : vector<128x128xi32> to vector<128x128xf32>
    %reduce_sum3A = arith.constant dense<0.000000e+00> : vector<128xf32>
    %reduce_sum3A_5 = vector.multi_reduction <add>, %convert_element_type3A_4, %reduce_sum3A [0] : vector<128x128xf32> to vector<128xf32>
    %broadcast_in_dim3A = vector.shape_cast %reduce_sum3A_5 : vector<128xf32> to vector<1x128xf32>
    %eq3A = arith.constant 0 : i32
    %eq3A_6 = arith.cmpi eq, %arg0, %eq3A : i32
    %convert_element_type3A_7 = arith.extui %eq3A_6 : i1 to i32
    %cond3A = arith.constant 0 : i32
    %cond3A_8 = arith.cmpi ne, %convert_element_type3A_7, %cond3A : i32
    scf.if %cond3A_8 {
      %swap3A = arith.constant 0 : index
      %swap3A_14 = arith.constant 0 : index
      %swap3A_15 = vector.load %arg2[%swap3A, %swap3A_14] : memref<1x128xf32, #tpu.memory_space<vmem>>, vector<1x128xf32>
      tpu.vector_store %arg2[%swap3A, %swap3A_14], %broadcast_in_dim3A {strides = array<i32>} : memref<1x128xf32, #tpu.memory_space<vmem>>, vector<1x128xf32>,
    } else {
    }
    %gt3A_9 = arith.constant 0 : i32
    %gt3A_10 = arith.cmpi sgt, %arg0, %gt3A_9 : i32
    %convert_element_type3A_11 = arith.extui %gt3A_10 : i1 to i32
    %cond3A_12 = arith.constant 0 : i32
    %cond3A_13 = arith.cmpi ne, %convert_element_type3A_11, %cond3A_12 : i32
    scf.if %cond3A_13 {
      %get3A_14 = arith.constant 0 : index
      %get3A_15 = arith.constant 0 : index
      %get3A_16 = vector.load %arg2[%get3A_14, %get3A_15] : memref<1x128xf32, #tpu.memory_space<vmem>>, vector<1x128xf32>
      %add3A = arith.addf %get3A_16, %broadcast_in_dim3A : vector<1x128xf32>
      %swap3A = arith.constant 0 : index
      %swap3A_17 = arith.constant 0 : index
      %swap3A_18 = vector.load %arg2[%swap3A, %swap3A_17] : memref<1x128xf32, #tpu.memory_space<vmem>>, vector<1x128xf32>
      tpu.vector_store %arg2[%swap3A, %swap3A_17], %add3A {strides = array<i32>} : memref<1x128xf32, #tpu.memory_space<vmem>>, vector<1x128xf32>,
    } else {
    }
    return
  }
  func.func @transform_0(%arg0: i32) -> (i32, i32) {
    %c0_i32 = arith.constant 0 : i32
    %c0_i32_0 = arith.constant 0 : i32
    return %arg0, %c0_i32 : i32, i32
  }
  func.func @transform_1(%arg0: i32) -> (i32, i32) {
    %c0_i32 = arith.constant 0 : i32
    %c0_i32_0 = arith.constant 0 : i32
    %c0_i32_1 = arith.constant 0 : i32
    return %c0_i32, %c0_i32_0 : i32, i32
  }
}

module attributes {stable_mosaic.version = 14 : i64} {
  func.func @_dst_body(%arg0: i32, %arg1: memref<128x128xf32, #tpu.memory_space<vmem>>, %arg2: memref<1x128xf32, #tpu.memory_space<vmem>>, %arg3: memref<128x1xi32, #tpu.memory_space<vmem>>, %arg4: memref<128x1xi32, #tpu.memory_space<vmem>>, %arg5: memref<128x1xf32, #tpu.memory_space<vmem>>, %arg6: memref<128x1xf32, #tpu.memory_space<vmem>>, %arg7: memref<1x128xi32, #tpu.memory_space<vmem>>, %arg8: memref<1x128xf32, #tpu.memory_space<vmem>>) attributes {dimension_semantics = [#tpu.dimension_semantics<arbitrary>], iteration_bounds = array<i64: 16>, scalar_prefetch = 0 : i64, scratch_operands = 1 : i64, tpu.core_type = #tpu.core_type<tc>, window_params = [{transform_indices = @transform_0, window_bounds = array<i64: 128, 128>}, {pipeline_mode = #tpu.pipeline_mode<synchronous>, transform_indices = @transform_1, window_bounds = array<i64: 1, 128>}, {transform_indices = @transform_2, window_bounds = array<i64: 128, 1>}, {transform_indices = @transform_3, window_bounds = array<i64: 128, 1>}, {transform_indices = @transform_4, window_bounds = array<i64: 128, 1>}, {transform_indices = @transform_5, window_bounds = array<i64: 128, 1>}, {pipeline_mode = #tpu.pipeline_mode<synchronous>, transform_indices = @transform_6, window_bounds = array<i64: 1, 128>}]} {
    %iota3A = tpu.iota {dimensions = array<i32: 1>} : vector<128x128xi32>
    %iota3A_0 = tpu.iota {dimensions = array<i32: 1>} : vector<1x128xi32>
    %get3A = arith.constant 0 : index
    %get3A_1 = arith.constant 0 : index
    %get3A_2 = vector.load %arg2[%get3A, %get3A_1] : memref<1x128xf32, #tpu.memory_space<vmem>>, vector<1x128xf32>
    %add3A = arith.constant 2.550000e+02 : f32
    %add3A_3 = vector.broadcast %add3A : f32 to vector<1x128xf32>
    %add3A_4 = arith.addf %get3A_2, %add3A_3 : vector<1x128xf32>
    %mul3A = arith.constant 3.906250e-03 : f32
    %mul3A_5 = vector.broadcast %mul3A : f32 to vector<1x128xf32>
    %mul3A_6 = arith.mulf %add3A_4, %mul3A_5 : vector<1x128xf32>
    %floor3A = math.floor %mul3A_6 : vector<1x128xf32>
    %broadcast_in_dim3A = arith.constant 0.000000e+00 : f32
    %broadcast_in_dim3A_7 = vector.broadcast %broadcast_in_dim3A : f32 to vector<1x128xf32>
    %broadcast_in_dim3A_8 = arith.constant 0.000000e+00 : f32
    %broadcast_in_dim3A_9 = vector.broadcast %broadcast_in_dim3A_8 : f32 to vector<1x1xf32>
    %eq3A = arith.constant 0 : i32
    %eq3A_10 = vector.broadcast %eq3A : i32 to vector<1x128xi32>
    %eq3A_11 = arith.cmpi eq, %iota3A_0, %eq3A_10 : vector<1x128xi32>
    %jit3A = arith.constant 0.000000e+00 : f32
    %broadcast_in_dim3A_12 = vector.shape_cast %broadcast_in_dim3A_9 : vector<1x1xf32> to vector<1x1xf32>
    %broadcast_in_dim3A_13 = vector.broadcast %broadcast_in_dim3A_12 : vector<1x1xf32> to vector<1x128xf32>
    %broadcast_in_dim3A_14 = vector.broadcast %jit3A : f32 to vector<1x128xf32>
    %select_n3A = arith.select %eq3A_11, %broadcast_in_dim3A_13, %broadcast_in_dim3A_14 : vector<1x128xi1>, vector<1x128xf32>
    %add3A_15 = arith.addf %broadcast_in_dim3A_7, %select_n3A : vector<1x128xf32>
    %eq3A_16 = arith.constant 0 : i32
    %eq3A_17 = vector.broadcast %eq3A_16 : i32 to vector<1x128xi32>
    %eq3A_18 = arith.cmpi eq, %iota3A_0, %eq3A_17 : vector<1x128xi32>
    %jit3A_19 = arith.constant 0.000000e+00 : f32
    %broadcast_in_dim3A_20 = vector.broadcast %jit3A_19 : f32 to vector<1x128xf32>
    %select_n3A_21 = arith.select %eq3A_18, %floor3A, %broadcast_in_dim3A_20 : vector<1x128xi1>, vector<1x128xf32>
    %reduce_sum3A = arith.constant dense<0.000000e+00> : vector<1xf32>
    %reduce_sum3A_22 = vector.multi_reduction <add>, %select_n3A_21, %reduce_sum3A [1] : vector<1x128xf32> to vector<1xf32>
    %broadcast_in_dim3A_23 = vector.shape_cast %reduce_sum3A_22 : vector<1xf32> to vector<1x1xf32>
    %add3A_24 = arith.addf %broadcast_in_dim3A_9, %broadcast_in_dim3A_23 : vector<1x1xf32>
    %eq3A_25 = arith.constant 1 : i32
    %eq3A_26 = vector.broadcast %eq3A_25 : i32 to vector<1x128xi32>
    %eq3A_27 = arith.cmpi eq, %iota3A_0, %eq3A_26 : vector<1x128xi32>
    %jit3A_28 = arith.constant 0.000000e+00 : f32
    %broadcast_in_dim3A_29 = vector.shape_cast %add3A_24 : vector<1x1xf32> to vector<1x1xf32>
    %broadcast_in_dim3A_30 = vector.broadcast %broadcast_in_dim3A_29 : vector<1x1xf32> to vector<1x128xf32>
    %broadcast_in_dim3A_31 = vector.broadcast %jit3A_28 : f32 to vector<1x128xf32>
    %select_n3A_32 = arith.select %eq3A_27, %broadcast_in_dim3A_30, %broadcast_in_dim3A_31 : vector<1x128xi1>, vector<1x128xf32>
    %add3A_33 = arith.addf %add3A_15, %select_n3A_32 : vector<1x128xf32>
    %eq3A_34 = arith.constant 1 : i32
    %eq3A_35 = vector.broadcast %eq3A_34 : i32 to vector<1x128xi32>
    %eq3A_36 = arith.cmpi eq, %iota3A_0, %eq3A_35 : vector<1x128xi32>
    %jit3A_37 = arith.constant 0.000000e+00 : f32
    %broadcast_in_dim3A_38 = vector.broadcast %jit3A_37 : f32 to vector<1x128xf32>
    %select_n3A_39 = arith.select %eq3A_36, %floor3A, %broadcast_in_dim3A_38 : vector<1x128xi1>, vector<1x128xf32>
    %reduce_sum3A_40 = arith.constant dense<0.000000e+00> : vector<1xf32>
    %reduce_sum3A_41 = vector.multi_reduction <add>, %select_n3A_39, %reduce_sum3A_40 [1] : vector<1x128xf32> to vector<1xf32>
    %broadcast_in_dim3A_42 = vector.shape_cast %reduce_sum3A_41 : vector<1xf32> to vector<1x1xf32>
    %add3A_43 = arith.addf %add3A_24, %broadcast_in_dim3A_42 : vector<1x1xf32>
    %eq3A_44 = arith.constant 2 : i32
    %eq3A_45 = vector.broadcast %eq3A_44 : i32 to vector<1x128xi32>
    %eq3A_46 = arith.cmpi eq, %iota3A_0, %eq3A_45 : vector<1x128xi32>
    %jit3A_47 = arith.constant 0.000000e+00 : f32
    %broadcast_in_dim3A_48 = vector.shape_cast %add3A_43 : vector<1x1xf32> to vector<1x1xf32>
    %broadcast_in_dim3A_49 = vector.broadcast %broadcast_in_dim3A_48 : vector<1x1xf32> to vector<1x128xf32>
    %broadcast_in_dim3A_50 = vector.broadcast %jit3A_47 : f32 to vector<1x128xf32>
    %select_n3A_51 = arith.select %eq3A_46, %broadcast_in_dim3A_49, %broadcast_in_dim3A_50 : vector<1x128xi1>, vector<1x128xf32>
    %add3A_52 = arith.addf %add3A_33, %select_n3A_51 : vector<1x128xf32>
    %eq3A_53 = arith.constant 2 : i32
    %eq3A_54 = vector.broadcast %eq3A_53 : i32 to vector<1x128xi32>
    %eq3A_55 = arith.cmpi eq, %iota3A_0, %eq3A_54 : vector<1x128xi32>
    %jit3A_56 = arith.constant 0.000000e+00 : f32
    %broadcast_in_dim3A_57 = vector.broadcast %jit3A_56 : f32 to vector<1x128xf32>
    %select_n3A_58 = arith.select %eq3A_55, %floor3A, %broadcast_in_dim3A_57 : vector<1x128xi1>, vector<1x128xf32>
    %reduce_sum3A_59 = arith.constant dense<0.000000e+00> : vector<1xf32>
    %reduce_sum3A_60 = vector.multi_reduction <add>, %select_n3A_58, %reduce_sum3A_59 [1] : vector<1x128xf32> to vector<1xf32>
    %broadcast_in_dim3A_61 = vector.shape_cast %reduce_sum3A_60 : vector<1xf32> to vector<1x1xf32>
    %add3A_62 = arith.addf %add3A_43, %broadcast_in_dim3A_61 : vector<1x1xf32>
    %eq3A_63 = arith.constant 3 : i32
    %eq3A_64 = vector.broadcast %eq3A_63 : i32 to vector<1x128xi32>
    %eq3A_65 = arith.cmpi eq, %iota3A_0, %eq3A_64 : vector<1x128xi32>
    %jit3A_66 = arith.constant 0.000000e+00 : f32
    %broadcast_in_dim3A_67 = vector.shape_cast %add3A_62 : vector<1x1xf32> to vector<1x1xf32>
    %broadcast_in_dim3A_68 = vector.broadcast %broadcast_in_dim3A_67 : vector<1x1xf32> to vector<1x128xf32>
    %broadcast_in_dim3A_69 = vector.broadcast %jit3A_66 : f32 to vector<1x128xf32>
    %select_n3A_70 = arith.select %eq3A_65, %broadcast_in_dim3A_68, %broadcast_in_dim3A_69 : vector<1x128xi1>, vector<1x128xf32>
    %add3A_71 = arith.addf %add3A_52, %select_n3A_70 : vector<1x128xf32>
    %eq3A_72 = arith.constant 3 : i32
    %eq3A_73 = vector.broadcast %eq3A_72 : i32 to vector<1x128xi32>
    %eq3A_74 = arith.cmpi eq, %iota3A_0, %eq3A_73 : vector<1x128xi32>
    %jit3A_75 = arith.constant 0.000000e+00 : f32
    %broadcast_in_dim3A_76 = vector.broadcast %jit3A_75 : f32 to vector<1x128xf32>
    %select_n3A_77 = arith.select %eq3A_74, %floor3A, %broadcast_in_dim3A_76 : vector<1x128xi1>, vector<1x128xf32>
    %reduce_sum3A_78 = arith.constant dense<0.000000e+00> : vector<1xf32>
    %reduce_sum3A_79 = vector.multi_reduction <add>, %select_n3A_77, %reduce_sum3A_78 [1] : vector<1x128xf32> to vector<1xf32>
    %broadcast_in_dim3A_80 = vector.shape_cast %reduce_sum3A_79 : vector<1xf32> to vector<1x1xf32>
    %add3A_81 = arith.addf %add3A_62, %broadcast_in_dim3A_80 : vector<1x1xf32>
    %eq3A_82 = arith.constant 4 : i32
    %eq3A_83 = vector.broadcast %eq3A_82 : i32 to vector<1x128xi32>
    %eq3A_84 = arith.cmpi eq, %iota3A_0, %eq3A_83 : vector<1x128xi32>
    %jit3A_85 = arith.constant 0.000000e+00 : f32
    %broadcast_in_dim3A_86 = vector.shape_cast %add3A_81 : vector<1x1xf32> to vector<1x1xf32>
    %broadcast_in_dim3A_87 = vector.broadcast %broadcast_in_dim3A_86 : vector<1x1xf32> to vector<1x128xf32>
    %broadcast_in_dim3A_88 = vector.broadcast %jit3A_85 : f32 to vector<1x128xf32>
    %select_n3A_89 = arith.select %eq3A_84, %broadcast_in_dim3A_87, %broadcast_in_dim3A_88 : vector<1x128xi1>, vector<1x128xf32>
    %add3A_90 = arith.addf %add3A_71, %select_n3A_89 : vector<1x128xf32>
    %eq3A_91 = arith.constant 4 : i32
    %eq3A_92 = vector.broadcast %eq3A_91 : i32 to vector<1x128xi32>
    %eq3A_93 = arith.cmpi eq, %iota3A_0, %eq3A_92 : vector<1x128xi32>
    %jit3A_94 = arith.constant 0.000000e+00 : f32
    %broadcast_in_dim3A_95 = vector.broadcast %jit3A_94 : f32 to vector<1x128xf32>
    %select_n3A_96 = arith.select %eq3A_93, %floor3A, %broadcast_in_dim3A_95 : vector<1x128xi1>, vector<1x128xf32>
    %reduce_sum3A_97 = arith.constant dense<0.000000e+00> : vector<1xf32>
    %reduce_sum3A_98 = vector.multi_reduction <add>, %select_n3A_96, %reduce_sum3A_97 [1] : vector<1x128xf32> to vector<1xf32>
    %broadcast_in_dim3A_99 = vector.shape_cast %reduce_sum3A_98 : vector<1xf32> to vector<1x1xf32>
    %add3A_100 = arith.addf %add3A_81, %broadcast_in_dim3A_99 : vector<1x1xf32>
    %eq3A_101 = arith.constant 5 : i32
    %eq3A_102 = vector.broadcast %eq3A_101 : i32 to vector<1x128xi32>
    %eq3A_103 = arith.cmpi eq, %iota3A_0, %eq3A_102 : vector<1x128xi32>
    %jit3A_104 = arith.constant 0.000000e+00 : f32
    %broadcast_in_dim3A_105 = vector.shape_cast %add3A_100 : vector<1x1xf32> to vector<1x1xf32>
    %broadcast_in_dim3A_106 = vector.broadcast %broadcast_in_dim3A_105 : vector<1x1xf32> to vector<1x128xf32>
    %broadcast_in_dim3A_107 = vector.broadcast %jit3A_104 : f32 to vector<1x128xf32>
    %select_n3A_108 = arith.select %eq3A_103, %broadcast_in_dim3A_106, %broadcast_in_dim3A_107 : vector<1x128xi1>, vector<1x128xf32>
    %add3A_109 = arith.addf %add3A_90, %select_n3A_108 : vector<1x128xf32>
    %eq3A_110 = arith.constant 5 : i32
    %eq3A_111 = vector.broadcast %eq3A_110 : i32 to vector<1x128xi32>
    %eq3A_112 = arith.cmpi eq, %iota3A_0, %eq3A_111 : vector<1x128xi32>
    %jit3A_113 = arith.constant 0.000000e+00 : f32
    %broadcast_in_dim3A_114 = vector.broadcast %jit3A_113 : f32 to vector<1x128xf32>
    %select_n3A_115 = arith.select %eq3A_112, %floor3A, %broadcast_in_dim3A_114 : vector<1x128xi1>, vector<1x128xf32>
    %reduce_sum3A_116 = arith.constant dense<0.000000e+00> : vector<1xf32>
    %reduce_sum3A_117 = vector.multi_reduction <add>, %select_n3A_115, %reduce_sum3A_116 [1] : vector<1x128xf32> to vector<1xf32>
    %broadcast_in_dim3A_118 = vector.shape_cast %reduce_sum3A_117 : vector<1xf32> to vector<1x1xf32>
    %add3A_119 = arith.addf %add3A_100, %broadcast_in_dim3A_118 : vector<1x1xf32>
    %eq3A_120 = arith.constant 6 : i32
    %eq3A_121 = vector.broadcast %eq3A_120 : i32 to vector<1x128xi32>
    %eq3A_122 = arith.cmpi eq, %iota3A_0, %eq3A_121 : vector<1x128xi32>
    %jit3A_123 = arith.constant 0.000000e+00 : f32
    %broadcast_in_dim3A_124 = vector.shape_cast %add3A_119 : vector<1x1xf32> to vector<1x1xf32>
    %broadcast_in_dim3A_125 = vector.broadcast %broadcast_in_dim3A_124 : vector<1x1xf32> to vector<1x128xf32>
    %broadcast_in_dim3A_126 = vector.broadcast %jit3A_123 : f32 to vector<1x128xf32>
    %select_n3A_127 = arith.select %eq3A_122, %broadcast_in_dim3A_125, %broadcast_in_dim3A_126 : vector<1x128xi1>, vector<1x128xf32>
    %add3A_128 = arith.addf %add3A_109, %select_n3A_127 : vector<1x128xf32>
    %eq3A_129 = arith.constant 6 : i32
    %eq3A_130 = vector.broadcast %eq3A_129 : i32 to vector<1x128xi32>
    %eq3A_131 = arith.cmpi eq, %iota3A_0, %eq3A_130 : vector<1x128xi32>
    %jit3A_132 = arith.constant 0.000000e+00 : f32
    %broadcast_in_dim3A_133 = vector.broadcast %jit3A_132 : f32 to vector<1x128xf32>
    %select_n3A_134 = arith.select %eq3A_131, %floor3A, %broadcast_in_dim3A_133 : vector<1x128xi1>, vector<1x128xf32>
    %reduce_sum3A_135 = arith.constant dense<0.000000e+00> : vector<1xf32>
    %reduce_sum3A_136 = vector.multi_reduction <add>, %select_n3A_134, %reduce_sum3A_135 [1] : vector<1x128xf32> to vector<1xf32>
    %broadcast_in_dim3A_137 = vector.shape_cast %reduce_sum3A_136 : vector<1xf32> to vector<1x1xf32>
    %add3A_138 = arith.addf %add3A_119, %broadcast_in_dim3A_137 : vector<1x1xf32>
    %eq3A_139 = arith.constant 7 : i32
    %eq3A_140 = vector.broadcast %eq3A_139 : i32 to vector<1x128xi32>
    %eq3A_141 = arith.cmpi eq, %iota3A_0, %eq3A_140 : vector<1x128xi32>
    %jit3A_142 = arith.constant 0.000000e+00 : f32
    %broadcast_in_dim3A_143 = vector.shape_cast %add3A_138 : vector<1x1xf32> to vector<1x1xf32>
    %broadcast_in_dim3A_144 = vector.broadcast %broadcast_in_dim3A_143 : vector<1x1xf32> to vector<1x128xf32>
    %broadcast_in_dim3A_145 = vector.broadcast %jit3A_142 : f32 to vector<1x128xf32>
    %select_n3A_146 = arith.select %eq3A_141, %broadcast_in_dim3A_144, %broadcast_in_dim3A_145 : vector<1x128xi1>, vector<1x128xf32>
    %add3A_147 = arith.addf %add3A_128, %select_n3A_146 : vector<1x128xf32>
    %mul3A_148 = arith.constant 2.560000e+02 : f32
    %mul3A_149 = vector.broadcast %mul3A_148 : f32 to vector<1x128xf32>
    %mul3A_150 = arith.mulf %add3A_147, %mul3A_149 : vector<1x128xf32>
    %eq3A_151 = arith.constant 0 : i32
    %eq3A_152 = arith.cmpi eq, %arg0, %eq3A_151 : i32
    %convert_element_type3A = arith.extui %eq3A_152 : i1 to i32
    %cond3A = arith.constant 0 : i32
    %cond3A_153 = arith.cmpi ne, %convert_element_type3A, %cond3A : i32
    scf.if %cond3A_153 {
      %broadcast_in_dim3A_376 = arith.constant 0.000000e+00 : f32
      %broadcast_in_dim3A_377 = vector.broadcast %broadcast_in_dim3A_376 : f32 to vector<1x128xf32>
      %swap3A_378 = arith.constant 0 : index
      %swap3A_379 = arith.constant 0 : index
      %swap3A_380 = vector.load %arg8[%swap3A_378, %swap3A_379] : memref<1x128xf32, #tpu.memory_space<vmem>>, vector<1x128xf32>
      tpu.vector_store %arg8[%swap3A_378, %swap3A_379], %broadcast_in_dim3A_377 {strides = array<i32>} : memref<1x128xf32, #tpu.memory_space<vmem>>, vector<1x128xf32>,
    } else {
    }
    %get3A_154 = arith.constant 0 : index
    %get3A_155 = arith.constant 0 : index
    %get3A_156 = vector.load %arg1[%get3A_154, %get3A_155] : memref<128x128xf32, #tpu.memory_space<vmem>>, vector<128x128xf32>
    %gt3A = arith.constant 0.000000e+00 : f32
    %gt3A_157 = vector.broadcast %gt3A : f32 to vector<128x128xf32>
    %gt3A_158 = arith.cmpf ogt, %get3A_156, %gt3A_157 : vector<128x128xf32>
    %convert_element_type3A_159 = arith.extui %gt3A_158 : vector<128x128xi1> to vector<128x128xi32>
    %convert_element_type3A_160 = arith.sitofp %convert_element_type3A_159 : vector<128x128xi32> to vector<128x128xf32>
    %iota3A_161 = tpu.iota {dimensions = array<i32: 0>} : vector<128x128xi32>
    %iota3A_162 = tpu.iota {dimensions = array<i32: 1>} : vector<128x128xi32>
    %lt3A = arith.cmpi slt, %iota3A_162, %iota3A_161 : vector<128x128xi32>
    %convert_element_type3A_163 = arith.extui %lt3A : vector<128x128xi1> to vector<128x128xi32>
    %convert_element_type3A_164 = arith.sitofp %convert_element_type3A_163 : vector<128x128xi32> to vector<128x128xf32>
    %dot_general3A = arith.constant dense<0.000000e+00> : vector<128x128xf32>
    %dot_general3A_165 = tpu.matmul %convert_element_type3A_164, %convert_element_type3A_160, %dot_general3A {dimension_numbers = #tpu.dot_dimension_numbers<[1], [0], [0], [1], [0, 0, 1, 1], [], []>, transpose_lhs_hint = false} : vector<128x128xf32>, vector<128x128xf32>, vector<128x128xf32> -> vector<128x128xf32>
    %get3A_166 = arith.constant 0 : index
    %get3A_167 = arith.constant 0 : index
    %get3A_168 = vector.load %arg8[%get3A_166, %get3A_167] : memref<1x128xf32, #tpu.memory_space<vmem>>, vector<1x128xf32>
    %add3A_169 = arith.addf %mul3A_150, %get3A_168 : vector<1x128xf32>
    %add3A_170 = vector.broadcast %add3A_169 : vector<1x128xf32> to vector<128x128xf32>
    %add3A_171 = arith.addf %add3A_170, %dot_general3A_165 : vector<128x128xf32>
    %gt3A_172 = arith.constant 0.000000e+00 : f32
    %gt3A_173 = vector.broadcast %gt3A_172 : f32 to vector<128x128xf32>
    %gt3A_174 = arith.cmpf ogt, %convert_element_type3A_160, %gt3A_173 : vector<128x128xf32>
    %jit3A_175 = arith.constant 999 : i32
    %broadcast_in_dim3A_176 = vector.broadcast %jit3A_175 : i32 to vector<128x128xi32>
    %select_n3A_177 = arith.select %gt3A_174, %iota3A, %broadcast_in_dim3A_176 : vector<128x128xi1>, vector<128x128xi32>
    %reduce_min3A = arith.constant dense<2147483647> : vector<128xi32>
    %reduce_min3A_178 = vector.multi_reduction <minsi>, %select_n3A_177, %reduce_min3A [1] : vector<128x128xi32> to vector<128xi32>
    %broadcast_in_dim3A_179 = vector.shape_cast %reduce_min3A_178 : vector<128xi32> to vector<128x1xi32>
    %gt3A_180 = arith.constant 0.000000e+00 : f32
    %gt3A_181 = vector.broadcast %gt3A_180 : f32 to vector<128x128xf32>
    %gt3A_182 = arith.cmpf ogt, %convert_element_type3A_160, %gt3A_181 : vector<128x128xf32>
    %jit3A_183 = arith.constant -1 : i32
    %broadcast_in_dim3A_184 = vector.broadcast %jit3A_183 : i32 to vector<128x128xi32>
    %select_n3A_185 = arith.select %gt3A_182, %iota3A, %broadcast_in_dim3A_184 : vector<128x128xi1>, vector<128x128xi32>
    %reduce_max3A = arith.constant dense<-2147483648> : vector<128xi32>
    %reduce_max3A_186 = vector.multi_reduction <maxsi>, %select_n3A_185, %reduce_max3A [1] : vector<128x128xi32> to vector<128xi32>
    %broadcast_in_dim3A_187 = vector.shape_cast %reduce_max3A_186 : vector<128xi32> to vector<128x1xi32>
    %eq3A_188 = vector.broadcast %broadcast_in_dim3A_179 : vector<128x1xi32> to vector<128x128xi32>
    %eq3A_189 = arith.cmpi eq, %iota3A, %eq3A_188 : vector<128x128xi32>
    %jit3A_190 = arith.constant 0.000000e+00 : f32
    %broadcast_in_dim3A_191 = vector.broadcast %jit3A_190 : f32 to vector<128x128xf32>
    %select_n3A_192 = arith.select %eq3A_189, %add3A_171, %broadcast_in_dim3A_191 : vector<128x128xi1>, vector<128x128xf32>
    %reduce_sum3A_193 = arith.constant dense<0.000000e+00> : vector<128xf32>
    %reduce_sum3A_194 = vector.multi_reduction <add>, %select_n3A_192, %reduce_sum3A_193 [1] : vector<128x128xf32> to vector<128xf32>
    %broadcast_in_dim3A_195 = vector.shape_cast %reduce_sum3A_194 : vector<128xf32> to vector<128x1xf32>
    %convert_element_type3A_196 = arith.fptosi %broadcast_in_dim3A_195 : vector<128x1xf32> to vector<128x1xi32>
    %swap3A = arith.constant 0 : index
    %swap3A_197 = arith.constant 0 : index
    %swap3A_198 = vector.load %arg3[%swap3A, %swap3A_197] : memref<128x1xi32, #tpu.memory_space<vmem>>, vector<128x1xi32>
    tpu.vector_store %arg3[%swap3A, %swap3A_197], %convert_element_type3A_196 {strides = array<i32>} : memref<128x1xi32, #tpu.memory_space<vmem>>, vector<128x1xi32>,
    %eq3A_199 = vector.broadcast %broadcast_in_dim3A_187 : vector<128x1xi32> to vector<128x128xi32>
    %eq3A_200 = arith.cmpi eq, %iota3A, %eq3A_199 : vector<128x128xi32>
    %jit3A_201 = arith.constant 0.000000e+00 : f32
    %broadcast_in_dim3A_202 = vector.broadcast %jit3A_201 : f32 to vector<128x128xf32>
    %select_n3A_203 = arith.select %eq3A_200, %add3A_171, %broadcast_in_dim3A_202 : vector<128x128xi1>, vector<128x128xf32>
    %reduce_sum3A_204 = arith.constant dense<0.000000e+00> : vector<128xf32>
    %reduce_sum3A_205 = vector.multi_reduction <add>, %select_n3A_203, %reduce_sum3A_204 [1] : vector<128x128xf32> to vector<128xf32>
    %broadcast_in_dim3A_206 = vector.shape_cast %reduce_sum3A_205 : vector<128xf32> to vector<128x1xf32>
    %convert_element_type3A_207 = arith.fptosi %broadcast_in_dim3A_206 : vector<128x1xf32> to vector<128x1xi32>
    %swap3A_208 = arith.constant 0 : index
    %swap3A_209 = arith.constant 0 : index
    %swap3A_210 = vector.load %arg4[%swap3A_208, %swap3A_209] : memref<128x1xi32, #tpu.memory_space<vmem>>, vector<128x1xi32>
    tpu.vector_store %arg4[%swap3A_208, %swap3A_209], %convert_element_type3A_207 {strides = array<i32>} : memref<128x1xi32, #tpu.memory_space<vmem>>, vector<128x1xi32>,
    %eq3A_211 = vector.broadcast %broadcast_in_dim3A_179 : vector<128x1xi32> to vector<128x128xi32>
    %eq3A_212 = arith.cmpi eq, %iota3A, %eq3A_211 : vector<128x128xi32>
    %jit3A_213 = arith.constant 0.000000e+00 : f32
    %broadcast_in_dim3A_214 = vector.broadcast %jit3A_213 : f32 to vector<128x128xf32>
    %select_n3A_215 = arith.select %eq3A_212, %get3A_156, %broadcast_in_dim3A_214 : vector<128x128xi1>, vector<128x128xf32>
    %reduce_sum3A_216 = arith.constant dense<0.000000e+00> : vector<128xf32>
    %reduce_sum3A_217 = vector.multi_reduction <add>, %select_n3A_215, %reduce_sum3A_216 [1] : vector<128x128xf32> to vector<128xf32>
    %broadcast_in_dim3A_218 = vector.shape_cast %reduce_sum3A_217 : vector<128xf32> to vector<128x1xf32>
    %swap3A_219 = arith.constant 0 : index
    %swap3A_220 = arith.constant 0 : index
    %swap3A_221 = vector.load %arg5[%swap3A_219, %swap3A_220] : memref<128x1xf32, #tpu.memory_space<vmem>>, vector<128x1xf32>
    tpu.vector_store %arg5[%swap3A_219, %swap3A_220], %broadcast_in_dim3A_218 {strides = array<i32>} : memref<128x1xf32, #tpu.memory_space<vmem>>, vector<128x1xf32>,
    %eq3A_222 = vector.broadcast %broadcast_in_dim3A_187 : vector<128x1xi32> to vector<128x128xi32>
    %eq3A_223 = arith.cmpi eq, %iota3A, %eq3A_222 : vector<128x128xi32>
    %jit3A_224 = arith.constant 0.000000e+00 : f32
    %broadcast_in_dim3A_225 = vector.broadcast %jit3A_224 : f32 to vector<128x128xf32>
    %select_n3A_226 = arith.select %eq3A_223, %get3A_156, %broadcast_in_dim3A_225 : vector<128x128xi1>, vector<128x128xf32>
    %reduce_sum3A_227 = arith.constant dense<0.000000e+00> : vector<128xf32>
    %reduce_sum3A_228 = vector.multi_reduction <add>, %select_n3A_226, %reduce_sum3A_227 [1] : vector<128x128xf32> to vector<128xf32>
    %broadcast_in_dim3A_229 = vector.shape_cast %reduce_sum3A_228 : vector<128xf32> to vector<128x1xf32>
    %swap3A_230 = arith.constant 0 : index
    %swap3A_231 = arith.constant 0 : index
    %swap3A_232 = vector.load %arg6[%swap3A_230, %swap3A_231] : memref<128x1xf32, #tpu.memory_space<vmem>>, vector<128x1xf32>
    tpu.vector_store %arg6[%swap3A_230, %swap3A_231], %broadcast_in_dim3A_229 {strides = array<i32>} : memref<128x1xf32, #tpu.memory_space<vmem>>, vector<128x1xf32>,
    %get3A_233 = arith.constant 0 : index
    %get3A_234 = arith.constant 0 : index
    %get3A_235 = vector.load %arg8[%get3A_233, %get3A_234] : memref<1x128xf32, #tpu.memory_space<vmem>>, vector<1x128xf32>
    %reduce_sum3A_236 = arith.constant dense<0.000000e+00> : vector<128xf32>
    %reduce_sum3A_237 = vector.multi_reduction <add>, %convert_element_type3A_160, %reduce_sum3A_236 [0] : vector<128x128xf32> to vector<128xf32>
    %broadcast_in_dim3A_238 = vector.shape_cast %reduce_sum3A_237 : vector<128xf32> to vector<1x128xf32>
    %add3A_239 = arith.addf %get3A_235, %broadcast_in_dim3A_238 : vector<1x128xf32>
    %swap3A_240 = arith.constant 0 : index
    %swap3A_241 = arith.constant 0 : index
    %swap3A_242 = vector.load %arg8[%swap3A_240, %swap3A_241] : memref<1x128xf32, #tpu.memory_space<vmem>>, vector<1x128xf32>
    tpu.vector_store %arg8[%swap3A_240, %swap3A_241], %add3A_239 {strides = array<i32>} : memref<1x128xf32, #tpu.memory_space<vmem>>, vector<1x128xf32>,
    %broadcast_in_dim3A_243 = arith.constant 0.000000e+00 : f32
    %broadcast_in_dim3A_244 = vector.broadcast %broadcast_in_dim3A_243 : f32 to vector<1x128xf32>
    %eq3A_245 = arith.constant 0 : i32
    %eq3A_246 = vector.broadcast %eq3A_245 : i32 to vector<1x128xi32>
    %eq3A_247 = arith.cmpi eq, %iota3A_0, %eq3A_246 : vector<1x128xi32>
    %jit3A_248 = arith.constant 0.000000e+00 : f32
    %broadcast_in_dim3A_249 = vector.broadcast %jit3A_248 : f32 to vector<1x128xf32>
    %select_n3A_250 = arith.select %eq3A_247, %add3A_147, %broadcast_in_dim3A_249 : vector<1x128xi1>, vector<1x128xf32>
    %reduce_sum3A_251 = arith.constant dense<0.000000e+00> : vector<1xf32>
    %reduce_sum3A_252 = vector.multi_reduction <add>, %select_n3A_250, %reduce_sum3A_251 [1] : vector<1x128xf32> to vector<1xf32>
    %broadcast_in_dim3A_253 = vector.shape_cast %reduce_sum3A_252 : vector<1xf32> to vector<1x1xf32>
    %convert_element_type3A_254 = arith.sitofp %iota3A_0 : vector<1x128xi32> to vector<1x128xf32>
    %ge3A = vector.broadcast %broadcast_in_dim3A_253 : vector<1x1xf32> to vector<1x128xf32>
    %ge3A_255 = arith.cmpf oge, %convert_element_type3A_254, %ge3A : vector<1x128xf32>
    %convert_element_type3A_256 = arith.extui %ge3A_255 : vector<1x128xi1> to vector<1x128xi32>
    %convert_element_type3A_257 = arith.sitofp %convert_element_type3A_256 : vector<1x128xi32> to vector<1x128xf32>
    %add3A_258 = arith.addf %broadcast_in_dim3A_244, %convert_element_type3A_257 : vector<1x128xf32>
    %eq3A_259 = arith.constant 1 : i32
    %eq3A_260 = vector.broadcast %eq3A_259 : i32 to vector<1x128xi32>
    %eq3A_261 = arith.cmpi eq, %iota3A_0, %eq3A_260 : vector<1x128xi32>
    %jit3A_262 = arith.constant 0.000000e+00 : f32
    %broadcast_in_dim3A_263 = vector.broadcast %jit3A_262 : f32 to vector<1x128xf32>
    %select_n3A_264 = arith.select %eq3A_261, %add3A_147, %broadcast_in_dim3A_263 : vector<1x128xi1>, vector<1x128xf32>
    %reduce_sum3A_265 = arith.constant dense<0.000000e+00> : vector<1xf32>
    %reduce_sum3A_266 = vector.multi_reduction <add>, %select_n3A_264, %reduce_sum3A_265 [1] : vector<1x128xf32> to vector<1xf32>
    %broadcast_in_dim3A_267 = vector.shape_cast %reduce_sum3A_266 : vector<1xf32> to vector<1x1xf32>
    %convert_element_type3A_268 = arith.sitofp %iota3A_0 : vector<1x128xi32> to vector<1x128xf32>
    %ge3A_269 = vector.broadcast %broadcast_in_dim3A_267 : vector<1x1xf32> to vector<1x128xf32>
    %ge3A_270 = arith.cmpf oge, %convert_element_type3A_268, %ge3A_269 : vector<1x128xf32>
    %convert_element_type3A_271 = arith.extui %ge3A_270 : vector<1x128xi1> to vector<1x128xi32>
    %convert_element_type3A_272 = arith.sitofp %convert_element_type3A_271 : vector<1x128xi32> to vector<1x128xf32>
    %add3A_273 = arith.addf %add3A_258, %convert_element_type3A_272 : vector<1x128xf32>
    %eq3A_274 = arith.constant 2 : i32
    %eq3A_275 = vector.broadcast %eq3A_274 : i32 to vector<1x128xi32>
    %eq3A_276 = arith.cmpi eq, %iota3A_0, %eq3A_275 : vector<1x128xi32>
    %jit3A_277 = arith.constant 0.000000e+00 : f32
    %broadcast_in_dim3A_278 = vector.broadcast %jit3A_277 : f32 to vector<1x128xf32>
    %select_n3A_279 = arith.select %eq3A_276, %add3A_147, %broadcast_in_dim3A_278 : vector<1x128xi1>, vector<1x128xf32>
    %reduce_sum3A_280 = arith.constant dense<0.000000e+00> : vector<1xf32>
    %reduce_sum3A_281 = vector.multi_reduction <add>, %select_n3A_279, %reduce_sum3A_280 [1] : vector<1x128xf32> to vector<1xf32>
    %broadcast_in_dim3A_282 = vector.shape_cast %reduce_sum3A_281 : vector<1xf32> to vector<1x1xf32>
    %convert_element_type3A_283 = arith.sitofp %iota3A_0 : vector<1x128xi32> to vector<1x128xf32>
    %ge3A_284 = vector.broadcast %broadcast_in_dim3A_282 : vector<1x1xf32> to vector<1x128xf32>
    %ge3A_285 = arith.cmpf oge, %convert_element_type3A_283, %ge3A_284 : vector<1x128xf32>
    %convert_element_type3A_286 = arith.extui %ge3A_285 : vector<1x128xi1> to vector<1x128xi32>
    %convert_element_type3A_287 = arith.sitofp %convert_element_type3A_286 : vector<1x128xi32> to vector<1x128xf32>
    %add3A_288 = arith.addf %add3A_273, %convert_element_type3A_287 : vector<1x128xf32>
    %eq3A_289 = arith.constant 3 : i32
    %eq3A_290 = vector.broadcast %eq3A_289 : i32 to vector<1x128xi32>
    %eq3A_291 = arith.cmpi eq, %iota3A_0, %eq3A_290 : vector<1x128xi32>
    %jit3A_292 = arith.constant 0.000000e+00 : f32
    %broadcast_in_dim3A_293 = vector.broadcast %jit3A_292 : f32 to vector<1x128xf32>
    %select_n3A_294 = arith.select %eq3A_291, %add3A_147, %broadcast_in_dim3A_293 : vector<1x128xi1>, vector<1x128xf32>
    %reduce_sum3A_295 = arith.constant dense<0.000000e+00> : vector<1xf32>
    %reduce_sum3A_296 = vector.multi_reduction <add>, %select_n3A_294, %reduce_sum3A_295 [1] : vector<1x128xf32> to vector<1xf32>
    %broadcast_in_dim3A_297 = vector.shape_cast %reduce_sum3A_296 : vector<1xf32> to vector<1x1xf32>
    %convert_element_type3A_298 = arith.sitofp %iota3A_0 : vector<1x128xi32> to vector<1x128xf32>
    %ge3A_299 = vector.broadcast %broadcast_in_dim3A_297 : vector<1x1xf32> to vector<1x128xf32>
    %ge3A_300 = arith.cmpf oge, %convert_element_type3A_298, %ge3A_299 : vector<1x128xf32>
    %convert_element_type3A_301 = arith.extui %ge3A_300 : vector<1x128xi1> to vector<1x128xi32>
    %convert_element_type3A_302 = arith.sitofp %convert_element_type3A_301 : vector<1x128xi32> to vector<1x128xf32>
    %add3A_303 = arith.addf %add3A_288, %convert_element_type3A_302 : vector<1x128xf32>
    %eq3A_304 = arith.constant 4 : i32
    %eq3A_305 = vector.broadcast %eq3A_304 : i32 to vector<1x128xi32>
    %eq3A_306 = arith.cmpi eq, %iota3A_0, %eq3A_305 : vector<1x128xi32>
    %jit3A_307 = arith.constant 0.000000e+00 : f32
    %broadcast_in_dim3A_308 = vector.broadcast %jit3A_307 : f32 to vector<1x128xf32>
    %select_n3A_309 = arith.select %eq3A_306, %add3A_147, %broadcast_in_dim3A_308 : vector<1x128xi1>, vector<1x128xf32>
    %reduce_sum3A_310 = arith.constant dense<0.000000e+00> : vector<1xf32>
    %reduce_sum3A_311 = vector.multi_reduction <add>, %select_n3A_309, %reduce_sum3A_310 [1] : vector<1x128xf32> to vector<1xf32>
    %broadcast_in_dim3A_312 = vector.shape_cast %reduce_sum3A_311 : vector<1xf32> to vector<1x1xf32>
    %convert_element_type3A_313 = arith.sitofp %iota3A_0 : vector<1x128xi32> to vector<1x128xf32>
    %ge3A_314 = vector.broadcast %broadcast_in_dim3A_312 : vector<1x1xf32> to vector<1x128xf32>
    %ge3A_315 = arith.cmpf oge, %convert_element_type3A_313, %ge3A_314 : vector<1x128xf32>
    %convert_element_type3A_316 = arith.extui %ge3A_315 : vector<1x128xi1> to vector<1x128xi32>
    %convert_element_type3A_317 = arith.sitofp %convert_element_type3A_316 : vector<1x128xi32> to vector<1x128xf32>
    %add3A_318 = arith.addf %add3A_303, %convert_element_type3A_317 : vector<1x128xf32>
    %eq3A_319 = arith.constant 5 : i32
    %eq3A_320 = vector.broadcast %eq3A_319 : i32 to vector<1x128xi32>
    %eq3A_321 = arith.cmpi eq, %iota3A_0, %eq3A_320 : vector<1x128xi32>
    %jit3A_322 = arith.constant 0.000000e+00 : f32
    %broadcast_in_dim3A_323 = vector.broadcast %jit3A_322 : f32 to vector<1x128xf32>
    %select_n3A_324 = arith.select %eq3A_321, %add3A_147, %broadcast_in_dim3A_323 : vector<1x128xi1>, vector<1x128xf32>
    %reduce_sum3A_325 = arith.constant dense<0.000000e+00> : vector<1xf32>
    %reduce_sum3A_326 = vector.multi_reduction <add>, %select_n3A_324, %reduce_sum3A_325 [1] : vector<1x128xf32> to vector<1xf32>
    %broadcast_in_dim3A_327 = vector.shape_cast %reduce_sum3A_326 : vector<1xf32> to vector<1x1xf32>
    %convert_element_type3A_328 = arith.sitofp %iota3A_0 : vector<1x128xi32> to vector<1x128xf32>
    %ge3A_329 = vector.broadcast %broadcast_in_dim3A_327 : vector<1x1xf32> to vector<1x128xf32>
    %ge3A_330 = arith.cmpf oge, %convert_element_type3A_328, %ge3A_329 : vector<1x128xf32>
    %convert_element_type3A_331 = arith.extui %ge3A_330 : vector<1x128xi1> to vector<1x128xi32>
    %convert_element_type3A_332 = arith.sitofp %convert_element_type3A_331 : vector<1x128xi32> to vector<1x128xf32>
    %add3A_333 = arith.addf %add3A_318, %convert_element_type3A_332 : vector<1x128xf32>
    %eq3A_334 = arith.constant 6 : i32
    %eq3A_335 = vector.broadcast %eq3A_334 : i32 to vector<1x128xi32>
    %eq3A_336 = arith.cmpi eq, %iota3A_0, %eq3A_335 : vector<1x128xi32>
    %jit3A_337 = arith.constant 0.000000e+00 : f32
    %broadcast_in_dim3A_338 = vector.broadcast %jit3A_337 : f32 to vector<1x128xf32>
    %select_n3A_339 = arith.select %eq3A_336, %add3A_147, %broadcast_in_dim3A_338 : vector<1x128xi1>, vector<1x128xf32>
    %reduce_sum3A_340 = arith.constant dense<0.000000e+00> : vector<1xf32>
    %reduce_sum3A_341 = vector.multi_reduction <add>, %select_n3A_339, %reduce_sum3A_340 [1] : vector<1x128xf32> to vector<1xf32>
    %broadcast_in_dim3A_342 = vector.shape_cast %reduce_sum3A_341 : vector<1xf32> to vector<1x1xf32>
    %convert_element_type3A_343 = arith.sitofp %iota3A_0 : vector<1x128xi32> to vector<1x128xf32>
    %ge3A_344 = vector.broadcast %broadcast_in_dim3A_342 : vector<1x1xf32> to vector<1x128xf32>
    %ge3A_345 = arith.cmpf oge, %convert_element_type3A_343, %ge3A_344 : vector<1x128xf32>
    %convert_element_type3A_346 = arith.extui %ge3A_345 : vector<1x128xi1> to vector<1x128xi32>
    %convert_element_type3A_347 = arith.sitofp %convert_element_type3A_346 : vector<1x128xi32> to vector<1x128xf32>
    %add3A_348 = arith.addf %add3A_333, %convert_element_type3A_347 : vector<1x128xf32>
    %eq3A_349 = arith.constant 7 : i32
    %eq3A_350 = vector.broadcast %eq3A_349 : i32 to vector<1x128xi32>
    %eq3A_351 = arith.cmpi eq, %iota3A_0, %eq3A_350 : vector<1x128xi32>
    %jit3A_352 = arith.constant 0.000000e+00 : f32
    %broadcast_in_dim3A_353 = vector.broadcast %jit3A_352 : f32 to vector<1x128xf32>
    %select_n3A_354 = arith.select %eq3A_351, %add3A_147, %broadcast_in_dim3A_353 : vector<1x128xi1>, vector<1x128xf32>
    %reduce_sum3A_355 = arith.constant dense<0.000000e+00> : vector<1xf32>
    %reduce_sum3A_356 = vector.multi_reduction <add>, %select_n3A_354, %reduce_sum3A_355 [1] : vector<1x128xf32> to vector<1xf32>
    %broadcast_in_dim3A_357 = vector.shape_cast %reduce_sum3A_356 : vector<1xf32> to vector<1x1xf32>
    %convert_element_type3A_358 = arith.sitofp %iota3A_0 : vector<1x128xi32> to vector<1x128xf32>
    %ge3A_359 = vector.broadcast %broadcast_in_dim3A_357 : vector<1x1xf32> to vector<1x128xf32>
    %ge3A_360 = arith.cmpf oge, %convert_element_type3A_358, %ge3A_359 : vector<1x128xf32>
    %convert_element_type3A_361 = arith.extui %ge3A_360 : vector<1x128xi1> to vector<1x128xi32>
    %convert_element_type3A_362 = arith.sitofp %convert_element_type3A_361 : vector<1x128xi32> to vector<1x128xf32>
    %add3A_363 = arith.addf %add3A_348, %convert_element_type3A_362 : vector<1x128xf32>
    %sub3A = arith.constant 1.000000e+00 : f32
    %sub3A_364 = vector.broadcast %sub3A : f32 to vector<1x128xf32>
    %sub3A_365 = arith.subf %add3A_363, %sub3A_364 : vector<1x128xf32>
    %jit3A_366 = arith.constant 0 : i32
    %jit3A_367 = arith.constant 7 : i32
    %convert_element_type3A_368 = arith.sitofp %jit3A_366 : i32 to f32
    %max3A = vector.broadcast %convert_element_type3A_368 : f32 to vector<1x128xf32>
    %max3A_369 = arith.maximumf %max3A, %sub3A_365 : vector<1x128xf32>
    %convert_element_type3A_370 = arith.sitofp %jit3A_367 : i32 to f32
    %min3A = vector.broadcast %convert_element_type3A_370 : f32 to vector<1x128xf32>
    %min3A_371 = arith.minimumf %min3A, %max3A_369 : vector<1x128xf32>
    %convert_element_type3A_372 = arith.fptosi %min3A_371 : vector<1x128xf32> to vector<1x128xi32>
    %swap3A_373 = arith.constant 0 : index
    %swap3A_374 = arith.constant 0 : index
    %swap3A_375 = vector.load %arg7[%swap3A_373, %swap3A_374] : memref<1x128xi32, #tpu.memory_space<vmem>>, vector<1x128xi32>
    tpu.vector_store %arg7[%swap3A_373, %swap3A_374], %convert_element_type3A_372 {strides = array<i32>} : memref<1x128xi32, #tpu.memory_space<vmem>>, vector<1x128xi32>,
    return
  }
  func.func @transform_0(%arg0: i32) -> (i32, i32) {
    %c0_i32 = arith.constant 0 : i32
    %c0_i32_0 = arith.constant 0 : i32
    return %arg0, %c0_i32 : i32, i32
  }
  func.func @transform_1(%arg0: i32) -> (i32, i32) {
    %c0_i32 = arith.constant 0 : i32
    %c0_i32_0 = arith.constant 0 : i32
    %c0_i32_1 = arith.constant 0 : i32
    return %c0_i32, %c0_i32_0 : i32, i32
  }
  func.func @transform_2(%arg0: i32) -> (i32, i32) {
    %c0_i32 = arith.constant 0 : i32
    %c0_i32_0 = arith.constant 0 : i32
    return %arg0, %c0_i32 : i32, i32
  }
  func.func @transform_3(%arg0: i32) -> (i32, i32) {
    %c0_i32 = arith.constant 0 : i32
    %c0_i32_0 = arith.constant 0 : i32
    return %arg0, %c0_i32 : i32, i32
  }
  func.func @transform_4(%arg0: i32) -> (i32, i32) {
    %c0_i32 = arith.constant 0 : i32
    %c0_i32_0 = arith.constant 0 : i32
    return %arg0, %c0_i32 : i32, i32
  }
  func.func @transform_5(%arg0: i32) -> (i32, i32) {
    %c0_i32 = arith.constant 0 : i32
    %c0_i32_0 = arith.constant 0 : i32
    return %arg0, %c0_i32 : i32, i32
  }
  func.func @transform_6(%arg0: i32) -> (i32, i32) {
    %c0_i32 = arith.constant 0 : i32
    %c0_i32_0 = arith.constant 0 : i32
    %c0_i32_1 = arith.constant 0 : i32
    return %c0_i32, %c0_i32_0 : i32, i32
  }
}

module attributes {stable_mosaic.version = 14 : i64} {
  func.func @_gmm1_body(%arg0: i32, %arg1: memref<128xi32, #tpu.memory_space<smem>>, %arg2: memref<256x2048xbf16, #tpu.memory_space<vmem>>, %arg3: memref<1x2048x1024xbf16, #tpu.memory_space<vmem>>, %arg4: memref<1x2048x1024xbf16, #tpu.memory_space<vmem>>, %arg5: memref<256x1024xbf16, #tpu.memory_space<vmem>>) attributes {dimension_semantics = [#tpu.dimension_semantics<arbitrary>], iteration_bounds = array<i64: 24>, scalar_prefetch = 1 : i64, scratch_operands = 0 : i64, tpu.core_type = #tpu.core_type<tc>, window_params = [{transform_indices = @transform_0, window_bounds = array<i64: 256, 2048>}, {transform_indices = @transform_1, window_bounds = array<i64: 1, 2048, 1024>}, {transform_indices = @transform_2, window_bounds = array<i64: 1, 2048, 1024>}, {transform_indices = @transform_3, window_bounds = array<i64: 256, 1024>}]} {
    %get3A = arith.constant 0 : index
    %get3A_0 = arith.constant 0 : index
    %get3A_1 = vector.load %arg2[%get3A, %get3A_0] : memref<256x2048xbf16, #tpu.memory_space<vmem>>, vector<256x2048xbf16>
    %get3A_2 = arith.constant 0 : index
    %get3A_3 = arith.constant 0 : index
    %get3A_4 = arith.constant 0 : index
    %get3A_5 = vector.load %arg3[%get3A_2, %get3A_3, %get3A_4] : memref<1x2048x1024xbf16, #tpu.memory_space<vmem>>, vector<1x2048x1024xbf16>
    %get3A_6 = vector.shape_cast %get3A_5 : vector<1x2048x1024xbf16> to vector<2048x1024xbf16>
    %dot_general3A = arith.constant dense<0.000000e+00> : vector<256x1024xf32>
    %dot_general3A_7 = tpu.matmul %get3A_1, %get3A_6, %dot_general3A {dimension_numbers = #tpu.dot_dimension_numbers<[1], [0], [0], [1], [0, 0, 1, 1], [], []>, transpose_lhs_hint = false} : vector<256x2048xbf16>, vector<2048x1024xbf16>, vector<256x1024xf32> -> vector<256x1024xf32>
    %get3A_8 = arith.constant 0 : index
    %get3A_9 = arith.constant 0 : index
    %get3A_10 = arith.constant 0 : index
    %get3A_11 = vector.load %arg4[%get3A_8, %get3A_9, %get3A_10] : memref<1x2048x1024xbf16, #tpu.memory_space<vmem>>, vector<1x2048x1024xbf16>
    %get3A_12 = vector.shape_cast %get3A_11 : vector<1x2048x1024xbf16> to vector<2048x1024xbf16>
    %dot_general3A_13 = arith.constant dense<0.000000e+00> : vector<256x1024xf32>
    %dot_general3A_14 = tpu.matmul %get3A_1, %get3A_12, %dot_general3A_13 {dimension_numbers = #tpu.dot_dimension_numbers<[1], [0], [0], [1], [0, 0, 1, 1], [], []>, transpose_lhs_hint = false} : vector<256x2048xbf16>, vector<2048x1024xbf16>, vector<256x1024xf32> -> vector<256x1024xf32>
    %logistic3A = arith.negf %dot_general3A_7 : vector<256x1024xf32>
    %logistic3A_15 = math.exp %logistic3A : vector<256x1024xf32>
    %logistic3A_16 = arith.constant 1.000000e+00 : f32
    %logistic3A_17 = vector.broadcast %logistic3A_16 : f32 to vector<256x1024xf32>
    %logistic3A_18 = arith.addf %logistic3A_17, %logistic3A_15 : vector<256x1024xf32>
    %logistic3A_19 = arith.divf %logistic3A_17, %logistic3A_18 : vector<256x1024xf32>
    %mul3A = arith.mulf %dot_general3A_7, %logistic3A_19 : vector<256x1024xf32>
    %mul3A_20 = arith.mulf %mul3A, %dot_general3A_14 : vector<256x1024xf32>
    %convert_element_type3A = arith.truncf %mul3A_20 : vector<256x1024xf32> to vector<256x1024xbf16>
    %swap3A = arith.constant 0 : index
    %swap3A_21 = arith.constant 0 : index
    %swap3A_22 = vector.load %arg5[%swap3A, %swap3A_21] : memref<256x1024xbf16, #tpu.memory_space<vmem>>, vector<256x1024xbf16>
    tpu.vector_store %arg5[%swap3A, %swap3A_21], %convert_element_type3A {strides = array<i32>} : memref<256x1024xbf16, #tpu.memory_space<vmem>>, vector<256x1024xbf16>,
    return
  }
  func.func @transform_0(%arg0: i32, %arg1: memref<128xi32, #tpu.memory_space<smem>>) -> (i32, i32) {
    %c0_i32 = arith.constant 0 : i32
    %c0_i32_0 = arith.constant 0 : i32
    return %arg0, %c0_i32 : i32, i32
  }
  func.func @transform_1(%arg0: i32, %arg1: memref<128xi32, #tpu.memory_space<smem>>) -> (i32, i32, i32) {
    %get3A = arith.index_cast %arg0 : i32 to index
    %get3A_0 = memref.load %arg1[%get3A] : memref<128xi32, #tpu.memory_space<smem>>
    %c0_i32 = arith.constant 0 : i32
    %c0_i32_1 = arith.constant 0 : i32
    %c0_i32_2 = arith.constant 0 : i32
    return %get3A_0, %c0_i32, %c0_i32_1 : i32, i32, i32
  }
  func.func @transform_2(%arg0: i32, %arg1: memref<128xi32, #tpu.memory_space<smem>>) -> (i32, i32, i32) {
    %get3A = arith.index_cast %arg0 : i32 to index
    %get3A_0 = memref.load %arg1[%get3A] : memref<128xi32, #tpu.memory_space<smem>>
    %c0_i32 = arith.constant 0 : i32
    %c0_i32_1 = arith.constant 0 : i32
    %c0_i32_2 = arith.constant 0 : i32
    return %get3A_0, %c0_i32, %c0_i32_1 : i32, i32, i32
  }
  func.func @transform_3(%arg0: i32, %arg1: memref<128xi32, #tpu.memory_space<smem>>) -> (i32, i32) {
    %c0_i32 = arith.constant 0 : i32
    %c0_i32_0 = arith.constant 0 : i32
    return %arg0, %c0_i32 : i32, i32
  }
}

module attributes {stable_mosaic.version = 14 : i64} {
  func.func @_gmm2_body(%arg0: i32, %arg1: memref<128xi32, #tpu.memory_space<smem>>, %arg2: memref<256x1024xbf16, #tpu.memory_space<vmem>>, %arg3: memref<1x1024x2048xbf16, #tpu.memory_space<vmem>>, %arg4: memref<256x2048xf32, #tpu.memory_space<vmem>>) attributes {dimension_semantics = [#tpu.dimension_semantics<arbitrary>], iteration_bounds = array<i64: 24>, scalar_prefetch = 1 : i64, scratch_operands = 0 : i64, tpu.core_type = #tpu.core_type<tc>, window_params = [{transform_indices = @transform_0, window_bounds = array<i64: 256, 1024>}, {transform_indices = @transform_1, window_bounds = array<i64: 1, 1024, 2048>}, {transform_indices = @transform_2, window_bounds = array<i64: 256, 2048>}]} {
    %get3A = arith.constant 0 : index
    %get3A_0 = arith.constant 0 : index
    %get3A_1 = vector.load %arg2[%get3A, %get3A_0] : memref<256x1024xbf16, #tpu.memory_space<vmem>>, vector<256x1024xbf16>
    %get3A_2 = arith.constant 0 : index
    %get3A_3 = arith.constant 0 : index
    %get3A_4 = arith.constant 0 : index
    %get3A_5 = vector.load %arg3[%get3A_2, %get3A_3, %get3A_4] : memref<1x1024x2048xbf16, #tpu.memory_space<vmem>>, vector<1x1024x2048xbf16>
    %get3A_6 = vector.shape_cast %get3A_5 : vector<1x1024x2048xbf16> to vector<1024x2048xbf16>
    %dot_general3A = arith.constant dense<0.000000e+00> : vector<256x2048xf32>
    %dot_general3A_7 = tpu.matmul %get3A_1, %get3A_6, %dot_general3A {dimension_numbers = #tpu.dot_dimension_numbers<[1], [0], [0], [1], [0, 0, 1, 1], [], []>, transpose_lhs_hint = false} : vector<256x1024xbf16>, vector<1024x2048xbf16>, vector<256x2048xf32> -> vector<256x2048xf32>
    %swap3A = arith.constant 0 : index
    %swap3A_8 = arith.constant 0 : index
    %swap3A_9 = vector.load %arg4[%swap3A, %swap3A_8] : memref<256x2048xf32, #tpu.memory_space<vmem>>, vector<256x2048xf32>
    tpu.vector_store %arg4[%swap3A, %swap3A_8], %dot_general3A_7 {strides = array<i32>} : memref<256x2048xf32, #tpu.memory_space<vmem>>, vector<256x2048xf32>,
    return
  }
  func.func @transform_0(%arg0: i32, %arg1: memref<128xi32, #tpu.memory_space<smem>>) -> (i32, i32) {
    %c0_i32 = arith.constant 0 : i32
    %c0_i32_0 = arith.constant 0 : i32
    return %arg0, %c0_i32 : i32, i32
  }
  func.func @transform_1(%arg0: i32, %arg1: memref<128xi32, #tpu.memory_space<smem>>) -> (i32, i32, i32) {
    %get3A = arith.index_cast %arg0 : i32 to index
    %get3A_0 = memref.load %arg1[%get3A] : memref<128xi32, #tpu.memory_space<smem>>
    %c0_i32 = arith.constant 0 : i32
    %c0_i32_1 = arith.constant 0 : i32
    %c0_i32_2 = arith.constant 0 : i32
    return %get3A_0, %c0_i32, %c0_i32_1 : i32, i32, i32
  }
  func.func @transform_2(%arg0: i32, %arg1: memref<128xi32, #tpu.memory_space<smem>>) -> (i32, i32) {
    %c0_i32 = arith.constant 0 : i32
    %c0_i32_0 = arith.constant 0 : i32
    return %arg0, %c0_i32 : i32, i32
  }
}

module attributes {stable_mosaic.version = 14 : i64} {
  func.func @_shared_body(%arg0: i32, %arg1: memref<256x2048xf32, #tpu.memory_space<vmem>>, %arg2: memref<256x2048xf32, #tpu.memory_space<vmem>>, %arg3: memref<256x1xf32, #tpu.memory_space<vmem>>, %arg4: memref<256x1xf32, #tpu.memory_space<vmem>>, %arg5: memref<256x2048xf32, #tpu.memory_space<vmem>>, %arg6: memref<2048x1024xbf16, #tpu.memory_space<vmem>>, %arg7: memref<2048x1024xbf16, #tpu.memory_space<vmem>>, %arg8: memref<1024x2048xbf16, #tpu.memory_space<vmem>>, %arg9: memref<256x2048xf32, #tpu.memory_space<vmem>>) attributes {dimension_semantics = [#tpu.dimension_semantics<arbitrary>], iteration_bounds = array<i64: 8>, scalar_prefetch = 0 : i64, scratch_operands = 0 : i64, tpu.core_type = #tpu.core_type<tc>, window_params = [{transform_indices = @transform_0, window_bounds = array<i64: 256, 2048>}, {transform_indices = @transform_1, window_bounds = array<i64: 256, 2048>}, {transform_indices = @transform_2, window_bounds = array<i64: 256, 1>}, {transform_indices = @transform_3, window_bounds = array<i64: 256, 1>}, {transform_indices = @transform_4, window_bounds = array<i64: 256, 2048>}, {pipeline_mode = #tpu.pipeline_mode<synchronous>, transform_indices = @transform_5, window_bounds = array<i64: 2048, 1024>}, {pipeline_mode = #tpu.pipeline_mode<synchronous>, transform_indices = @transform_6, window_bounds = array<i64: 2048, 1024>}, {pipeline_mode = #tpu.pipeline_mode<synchronous>, transform_indices = @transform_7, window_bounds = array<i64: 1024, 2048>}, {transform_indices = @transform_8, window_bounds = array<i64: 256, 2048>}]} {
    %get3A = arith.constant 0 : index
    %get3A_0 = arith.constant 0 : index
    %get3A_1 = vector.load %arg3[%get3A, %get3A_0] : memref<256x1xf32, #tpu.memory_space<vmem>>, vector<256x1xf32>
    %get3A_2 = arith.constant 0 : index
    %get3A_3 = arith.constant 0 : index
    %get3A_4 = vector.load %arg1[%get3A_2, %get3A_3] : memref<256x2048xf32, #tpu.memory_space<vmem>>, vector<256x2048xf32>
    %mul3A = vector.broadcast %get3A_1 : vector<256x1xf32> to vector<256x2048xf32>
    %mul3A_5 = arith.mulf %mul3A, %get3A_4 : vector<256x2048xf32>
    %get3A_6 = arith.constant 0 : index
    %get3A_7 = arith.constant 0 : index
    %get3A_8 = vector.load %arg4[%get3A_6, %get3A_7] : memref<256x1xf32, #tpu.memory_space<vmem>>, vector<256x1xf32>
    %get3A_9 = arith.constant 0 : index
    %get3A_10 = arith.constant 0 : index
    %get3A_11 = vector.load %arg2[%get3A_9, %get3A_10] : memref<256x2048xf32, #tpu.memory_space<vmem>>, vector<256x2048xf32>
    %mul3A_12 = vector.broadcast %get3A_8 : vector<256x1xf32> to vector<256x2048xf32>
    %mul3A_13 = arith.mulf %mul3A_12, %get3A_11 : vector<256x2048xf32>
    %add3A = arith.addf %mul3A_5, %mul3A_13 : vector<256x2048xf32>
    %convert_element_type3A = arith.truncf %add3A : vector<256x2048xf32> to vector<256x2048xbf16>
    %get3A_14 = arith.constant 0 : index
    %get3A_15 = arith.constant 0 : index
    %get3A_16 = vector.load %arg6[%get3A_14, %get3A_15] : memref<2048x1024xbf16, #tpu.memory_space<vmem>>, vector<2048x1024xbf16>
    %dot_general3A = arith.constant dense<0.000000e+00> : vector<256x1024xf32>
    %dot_general3A_17 = tpu.matmul %convert_element_type3A, %get3A_16, %dot_general3A {dimension_numbers = #tpu.dot_dimension_numbers<[1], [0], [0], [1], [0, 0, 1, 1], [], []>, transpose_lhs_hint = false} : vector<256x2048xbf16>, vector<2048x1024xbf16>, vector<256x1024xf32> -> vector<256x1024xf32>
    %get3A_18 = arith.constant 0 : index
    %get3A_19 = arith.constant 0 : index
    %get3A_20 = vector.load %arg7[%get3A_18, %get3A_19] : memref<2048x1024xbf16, #tpu.memory_space<vmem>>, vector<2048x1024xbf16>
    %dot_general3A_21 = arith.constant dense<0.000000e+00> : vector<256x1024xf32>
    %dot_general3A_22 = tpu.matmul %convert_element_type3A, %get3A_20, %dot_general3A_21 {dimension_numbers = #tpu.dot_dimension_numbers<[1], [0], [0], [1], [0, 0, 1, 1], [], []>, transpose_lhs_hint = false} : vector<256x2048xbf16>, vector<2048x1024xbf16>, vector<256x1024xf32> -> vector<256x1024xf32>
    %logistic3A = arith.negf %dot_general3A_17 : vector<256x1024xf32>
    %logistic3A_23 = math.exp %logistic3A : vector<256x1024xf32>
    %logistic3A_24 = arith.constant 1.000000e+00 : f32
    %logistic3A_25 = vector.broadcast %logistic3A_24 : f32 to vector<256x1024xf32>
    %logistic3A_26 = arith.addf %logistic3A_25, %logistic3A_23 : vector<256x1024xf32>
    %logistic3A_27 = arith.divf %logistic3A_25, %logistic3A_26 : vector<256x1024xf32>
    %mul3A_28 = arith.mulf %dot_general3A_17, %logistic3A_27 : vector<256x1024xf32>
    %mul3A_29 = arith.mulf %mul3A_28, %dot_general3A_22 : vector<256x1024xf32>
    %convert_element_type3A_30 = arith.truncf %mul3A_29 : vector<256x1024xf32> to vector<256x1024xbf16>
    %get3A_31 = arith.constant 0 : index
    %get3A_32 = arith.constant 0 : index
    %get3A_33 = vector.load %arg8[%get3A_31, %get3A_32] : memref<1024x2048xbf16, #tpu.memory_space<vmem>>, vector<1024x2048xbf16>
    %dot_general3A_34 = arith.constant dense<0.000000e+00> : vector<256x2048xf32>
    %dot_general3A_35 = tpu.matmul %convert_element_type3A_30, %get3A_33, %dot_general3A_34 {dimension_numbers = #tpu.dot_dimension_numbers<[1], [0], [0], [1], [0, 0, 1, 1], [], []>, transpose_lhs_hint = false} : vector<256x1024xbf16>, vector<1024x2048xbf16>, vector<256x2048xf32> -> vector<256x2048xf32>
    %get3A_36 = arith.constant 0 : index
    %get3A_37 = arith.constant 0 : index
    %get3A_38 = vector.load %arg5[%get3A_36, %get3A_37] : memref<256x2048xf32, #tpu.memory_space<vmem>>, vector<256x2048xf32>
    %add3A_39 = arith.addf %get3A_38, %add3A : vector<256x2048xf32>
    %add3A_40 = arith.addf %add3A_39, %dot_general3A_35 : vector<256x2048xf32>
    %swap3A = arith.constant 0 : index
    %swap3A_41 = arith.constant 0 : index
    %swap3A_42 = vector.load %arg9[%swap3A, %swap3A_41] : memref<256x2048xf32, #tpu.memory_space<vmem>>, vector<256x2048xf32>
    tpu.vector_store %arg9[%swap3A, %swap3A_41], %add3A_40 {strides = array<i32>} : memref<256x2048xf32, #tpu.memory_space<vmem>>, vector<256x2048xf32>,
    return
  }
  func.func @transform_0(%arg0: i32) -> (i32, i32) {
    %c0_i32 = arith.constant 0 : i32
    %c0_i32_0 = arith.constant 0 : i32
    return %arg0, %c0_i32 : i32, i32
  }
  func.func @transform_1(%arg0: i32) -> (i32, i32) {
    %c0_i32 = arith.constant 0 : i32
    %c0_i32_0 = arith.constant 0 : i32
    return %arg0, %c0_i32 : i32, i32
  }
  func.func @transform_2(%arg0: i32) -> (i32, i32) {
    %c0_i32 = arith.constant 0 : i32
    %c0_i32_0 = arith.constant 0 : i32
    return %arg0, %c0_i32 : i32, i32
  }
  func.func @transform_3(%arg0: i32) -> (i32, i32) {
    %c0_i32 = arith.constant 0 : i32
    %c0_i32_0 = arith.constant 0 : i32
    return %arg0, %c0_i32 : i32, i32
  }
  func.func @transform_4(%arg0: i32) -> (i32, i32) {
    %c0_i32 = arith.constant 0 : i32
    %c0_i32_0 = arith.constant 0 : i32
    return %arg0, %c0_i32 : i32, i32
  }
  func.func @transform_5(%arg0: i32) -> (i32, i32) {
    %c0_i32 = arith.constant 0 : i32
    %c0_i32_0 = arith.constant 0 : i32
    %c0_i32_1 = arith.constant 0 : i32
    return %c0_i32, %c0_i32_0 : i32, i32
  }
  func.func @transform_6(%arg0: i32) -> (i32, i32) {
    %c0_i32 = arith.constant 0 : i32
    %c0_i32_0 = arith.constant 0 : i32
    %c0_i32_1 = arith.constant 0 : i32
    return %c0_i32, %c0_i32_0 : i32, i32
  }
  func.func @transform_7(%arg0: i32) -> (i32, i32) {
    %c0_i32 = arith.constant 0 : i32
    %c0_i32_0 = arith.constant 0 : i32
    %c0_i32_1 = arith.constant 0 : i32
    return %c0_i32, %c0_i32_0 : i32, i32
  }
  func.func @transform_8(%arg0: i32) -> (i32, i32) {
    %c0_i32 = arith.constant 0 : i32
    %c0_i32_0 = arith.constant 0 : i32
    return %arg0, %c0_i32 : i32, i32
  }
}

</mosaic_0001>

<sc_bundles>
// kernel: kernel.14.cloned.1.call-start
scs
__scs_entry_jumppad:
0x0: {  	(pc) =	sbr.rel $0x88, $3  }
0x1: {  	(tag) =	ssettag $0x0;
	lr =	simm.s32 $0x1  }
0x2: {  	[smem:$0x3F92] =	sst lr;
	_ =	strace $0xD0000000  }
0x3: {  	_ = 	snop  }
0x4: {  	_ = 	snop  }
0x5: {  	_ = 	snop  }
0x6: {  	_ = 	snop  }
0x7: {  	_ = 	snop  }
__scs_overlays_trampoline_lowered:
0x8: {  	[smem:$0x3FA1] =	sst s0  }
0x9: {  	[smem:$0x3FA2] =	sst s1  }
0xa: {  	[smem:$0x3FA3] =	sst s2  }
0xb: {  	[smem:$0x3FA4] =	sst s3  }
0xc: {  	[smem:$0x3FA5] =	sst s4  }
0xd: {  	[smem:$0x3FA6] =	sst s5  }
0xe: {  	[smem:$0x3FA7] =	sst s6  }
0xf: {  	[smem:$0x3FA8] =	sst s7  }
0x10: {  	[smem:$0x3FA9] =	sst s8  }
0x11: {  	[smem:$0x3FAA] =	sst s9;
	s0 =	simm.s32 @!p0 $0x0  }
0x12: {  	s1 =	sld [smem:$0x3F90];
	s0 =	simm.s32 @p0 $0x1  }
0x13: {  	[smem:$0x3FAB] =	sst s0;
	s0 =	simm.s32 @!p1 $0x0  }
0x14: {  	s2 =	sld [smem:$0x3F8F];
	s0 =	simm.s32 @p1 $0x1  }
0x15: {  	[smem:$0x3FAC] =	sst s0;
	s0 =	simm.s32 @!p2 $0x0  }
0x16: {  	s3 =	sld [smem:$0x3FDB];
	s0 =	simm.s32 @p2 $0x1  }
0x17: {  	s4 =	simm.s32 $0x1BF5;
	[smem:$0x3FAE] =	sst s0  }
0x18: {  	s0 =	sld [smem:$0x3F91];
	_ =	swait.ge [sflag:s4], $0x0  }
0x19: {  	s7 =	sld [smem:$0x3F92]  }
0x1a: {  	s8 =	sadd.s32 $0xFFFFE003, lr  }
0x1b: {  	s9 =	sadd.s32 $0xFFFFFEF7, lr;
	s5 =	simm.s32 $0xFFFFFFFF;
	p2 =	slt.u32 s8, $0xFFFFF086  }
0x1c: {  	p1 =	slt.u32 s9, $0xF7A;
	s5 =	simm.s32 @!p2 $0x0  }
0x1d: {  	s5 =	simm.s32 @p1 $0x1;
	p0 =	seq.s32 s7, s2  }
0x1e: {  	s7 =	smul.u32 @!p0 $0xF7A, s2;
	p2 =	seq.s32 @!p0 s5, $0x0  }
0x1f: {  	s9 =	smul.u32 $0xF7A, s1;
	s8 =	simm.s32 @!p0 $0x1BF5;
	p2 =	por !p2, p0  }
0x20: {  	[sflag:s8] =	ssyncset.s32 @!p0 $0xFFFFF086;
	s6 =	sadd.s32 @!p0 s3, s7;
	s7 =	simm.s32 @!p0 $0x108  }
0x21: {  	s3 =	sadd.s32 s3, s9;
	s6 =	sadd.s32 @!p0 $0x88, s6;
	s7 =	simm.s32 @p2 $0x1082  }
0x22: {  	[simem:s7], [sflag:s8] =	dma.local @!p0 [hbm:s6], $0xF7A  }
0x23: {  	s9 =	sor.u32 $0xD0000000, s2;
	s6 =	simm.s32 $0x108;
	_ =	swait.ge @!p0 [sflag:s8], $0x0  }
0x24: {  	s3 =	sadd.s32 $0x88, s3;
	s6 =	simm.s32 @!p1 $0x1082;
	[sflag:s4] =	ssyncset.s32 $0xFFFFF086  }
0x25: {  	[simem:s6], [sflag:s4] =	dma.local [hbm:s3], $0xF7A  }
0x26: {  	[smem:$0x3F92] =	sst s1;
	(tag) =	ssettag s2;
	_ =	strace s9  }
0x27: {  	s1 =	sld [smem:$0x3FA2]  }
0x28: {  	s2 =	sld [smem:$0x3FA3]  }
0x29: {  	s4 =	sld [smem:$0x3FA5]  }
0x2a: {  	p0 =	seq.s32 s5, $0x0;
	s5 =	sld [smem:$0x3FA6]  }
0x2b: {  	s6 =	sld [smem:$0x3FA7]  }
0x2c: {  	s7 =	sld [smem:$0x3FA8]  }
0x2d: {  	s3 =	simm.s32 $0x108;
	s8 =	sld [smem:$0x3FA9]  }
0x2e: {  	s3 =	simm.s32 @!p0 $0x1082;
	s9 =	sld [smem:$0x3FAA]  }
0x2f: {  	lr =	sadd.s32 s0, s3;
	s0 =	sld [smem:$0x3FA1]  }
0x30: {  	s3 =	sld [smem:$0x3FA4]  }
0x31: {  	[smem:$0x3FAD] =	sst s10  }
0x32: {  	s10 =	sld [smem:$0x3FAB];
	_ =	sdelay $0x3  }
0x33: {  	p0 =	seq.s32 s10, $0x1;
	s10 =	sld [smem:$0x3FAD];
	_ =	sdelay $0x3  }
0x34: {  	[smem:$0x3FAD] =	sst s10  }
0x35: {  	s10 =	sld [smem:$0x3FAC];
	_ =	sdelay $0x3  }
0x36: {  	p1 =	seq.s32 s10, $0x1;
	s10 =	sld [smem:$0x3FAD];
	_ =	sdelay $0x3  }
0x37: {  	[smem:$0x3FAD] =	sst s10  }
0x38: {  	s10 =	sld [smem:$0x3FAE]  }
0x39: {  	_ = 	snop;
	(pc) =	sbr.ind lr, $3  }
0x3a: {  	_ = 	snop  }
0x3b: {  	_ = 	snop  }
0x3c: {  	p2 =	seq.s32 s10, $0x1;
	s10 =	sld [smem:$0x3FAD]  }
0x3d: {  	_ =	shalt  }
0x3e: {  	_ =	shalt  }
0x3f: {  	_ =	shalt  }
0x40: {  	_ =	shalt  }
0x41: {  	_ =	shalt  }
0x42: {  	_ =	shalt  }
0x43: {  	_ =	shalt  }
0x44: {  	_ =	shalt  }
0x45: {  	_ =	shalt  }
0x46: {  	_ =	shalt  }
0x47: {  	_ =	shalt  }
0x48: {  	_ =	shalt  }
0x49: {  	_ =	shalt  }
0x4a: {  	_ =	shalt  }
0x4b: {  	_ =	shalt  }
0x4c: {  	_ =	shalt  }
0x4d: {  	_ =	shalt  }
0x4e: {  	_ =	shalt  }
0x4f: {  	_ =	shalt  }
0x50: {  	_ =	shalt  }
0x51: {  	_ =	shalt  }
0x52: {  	_ =	shalt  }
0x53: {  	_ =	shalt  }
0x54: {  	_ =	shalt  }
0x55: {  	_ =	shalt  }
0x56: {  	_ =	shalt  }
0x57: {  	_ =	shalt  }
0x58: {  	_ =	shalt  }
0x59: {  	_ =	shalt  }
0x5a: {  	_ =	shalt  }
0x5b: {  	_ =	shalt  }
0x5c: {  	_ =	shalt  }
0x5d: {  	_ =	shalt  }
0x5e: {  	_ =	shalt  }
0x5f: {  	_ =	shalt  }
0x60: {  	_ =	shalt  }
0x61: {  	_ =	shalt  }
0x62: {  	_ =	shalt  }
0x63: {  	_ =	shalt  }
0x64: {  	_ =	shalt  }
0x65: {  	_ =	shalt  }
0x66: {  	_ =	shalt  }
0x67: {  	_ =	shalt  }
0x68: {  	_ =	shalt  }
0x69: {  	_ =	shalt  }
0x6a: {  	_ =	shalt  }
0x6b: {  	_ =	shalt  }
0x6c: {  	_ =	shalt  }
0x6d: {  	_ =	shalt  }
0x6e: {  	_ =	shalt  }
0x6f: {  	_ =	shalt  }
0x70: {  	_ =	shalt  }
0x71: {  	_ =	shalt  }
0x72: {  	_ =	shalt  }
0x73: {  	_ =	shalt  }
0x74: {  	_ =	shalt  }
0x75: {  	_ =	shalt  }
0x76: {  	_ =	shalt  }
0x77: {  	_ =	shalt  }
0x78: {  	_ =	shalt  }
0x79: {  	_ =	shalt  }
0x7a: {  	_ =	shalt  }
0x7b: {  	_ =	shalt  }
0x7c: {  	_ =	shalt  }
0x7d: {  	_ =	shalt  }
0x7e: {  	_ =	shalt  }
0x7f: {  	_ =	shalt  }
0x80: {  	_ =	shalt  }
0x81: {  	_ =	shalt  }
0x82: {  	_ =	shalt  }
0x83: {  	_ =	shalt  }
0x84: {  	_ =	shalt  }
0x85: {  	_ =	shalt  }
0x86: {  	_ =	shalt  }
0x87: {  	_ =	shalt  }
.Lfunc_end0:
.L_simem_size_0:
called_computation.1_lowered:
.L_overlay_start_0:
0x88: {  	s2 =	sld [smem:$0x3FD9]  }
0x89: {  	s3 =	sld [smem:$0x3FFE];
	_ =	sdelay $0x1  }
0x8a: {  	s1 =	srdreg.scid  }
0x8b: {  	s0 =	sand.u32 $0x1, s1  }
0x8c: {  	s14 =	sshll.u32 s0, $0xA;
	s2 =	sadd.s32 s3, s2  }
0x8d: {  	s2 =	sadd.s32 s2, s14  }
0x8e: {  	[smem:$0x3FB9] =	sst s2  }
0x8f: {  	_ = 	snop  }
0x90: {  	s2 =	sld [smem:$0x3FD0];
	_ =	sdelay $0x2  }
0x91: {  	s15 =	simm.s32 $0xA;
	s4 =	simm.s32 $0x10  }
0x92: {  	[smem:s4], [sflag:s15] =	dma.local [hbm:s2], $0x1  }
0x93: {  	_ =	swait.eq [sflag:s15], $0x1  }
0x94: {  	[sflag:s15] =	ssyncset.done $0x0  }
0x95: {  	[sflag:s15] =	ssyncadd.s32 $0xFFFFFFFF  }
0x96: {  	s16 =	sld [smem:$0x10];
	(tm) =	ssettm $0x1  }
0x97: {  	s17 =	sld [smem:$0x3FFB];
	_ =	sdelay $0x3  }
0x98: {  	_ =	strace s17  }
0x99: {  	s3 =	sld [smem:$0x3FFC];
	_ =	sdelay $0x3  }
0x9a: {  	_ =	strace s3  }
0x9b: {  	s3 =	sld [smem:$0x3FFD];
	_ =	sdelay $0x3  }
0x9c: {  	_ =	strace s3  }
0x9d: {  	_ =	strace $0x8FFFFFFF  }
0x9e: {  	s18 =	sld [smem:$0x3FDB];
	_ =	sdelay $0x1  }
0x9f: {  	s19 =	simm.s32 $_scs_section_size  }
0xa0: {  	s5 =	simm.s32 $_size__tile_overlayer_lowered;
	s6 =	simm.s32 $_tile_overlayer_lowered  }
0xa1: {  	s22 =	simm.s32 $0x1BFF;
	s21 =	sshll.u32 s6, $0x1;
	s3 =	sadd.s32 s19, s18  }
0xa2: {  	s7 =	simm.s32 $0x0;
	s20 =	sshll.u32 s5, $0x1;
	s5 =	sadd.s32 s21, s3  }
0xa3: {  	[timem:s7], [sflag:s22] =	dma.local [hbm:s5], s20  }
0xa4: {  	_ =	swait.ge [sflag:s22], s20  }
0xa5: {  	s4 =	ssub.s32 $0x0, s20;
	[sflag:s22] =	ssyncset.done $0x0  }
0xa6: {  	[sflag:s22] =	ssyncadd.s32 s4;
	_ =	sdelay $0x1  }
0xa7: {  	s23 =	simm.s32 $0x1B8B  }
0xa8: {  	_ =	swait.ge [sflag:s23], $0x1  }
0xa9: {  	[sflag:s23] =	ssyncset.done $0x0  }
0xaa: {  	s25 =	simm.s32 $0x1B8E;
	s24 =	sld [smem:$0x3FFE];
	[sflag:s23] =	ssyncadd.s32 $0xFFFFFFFF  }
0xab: {  	s26 =	simm.s32 $execute0_lowered;
	[smem:$0x3FD2] =	sst s25  }
0xac: {  	s5 =	sshll.u32 s26, $0x1;
	_ =	strace $0x80000046;
	[dreg:$0x1] =	wrdreg $0xFFFFFFFF  }
0xad: {  	s28 =	simm.s32 $_size_execute0_lowered;
	s3 =	sadd.s32 s3, s5;
	[dreg:$0x0] =	wrdreg $0x0  }
0xae: {  	s5 =	sshll.u32 s28, $0x1;
	[dreg:$0x2] =	wrdreg s3  }
0xaf: {  	[dreg:$0x3] =	wrdreg s5  }
0xb0: {  	[dreg:$0x4] =	wrdreg $0xC0  }
0xb1: {  	_ =	task [dreg:s7], $0x5FFFF  }
0xb2: {  	[dreg:$0x1] =	wrdreg $0xFFFFFFFF  }
0xb3: {  	[dreg:$0x0] =	wrdreg $0x60  }
0xb4: {  	[dreg:$0x2] =	wrdreg s16  }
0xb5: {  	[dreg:$0x3] =	wrdreg s24  }
0xb6: {  	[dreg:$0x4] =	wrdreg $0x9  }
0xb7: {  	_ =	task.clear_ibuf [dreg:s7], $0x5FFFF;
	_ =	strace $0x90000046  }
0xb8: {  	s29 =	simm.s32 $0x9;
	_ =	strace $0x80000048  }
0xb9: {  	_ =	swait.ge [sflag:s29], $0x1  }
0xba: {  	[sflag:s29] =	ssyncadd.s32 $0xFFFFFFFF  }
0xbb: {  	_ =	strace $0x90000048  }
0xbc: {  	_ =	sfence  }
0xbd: {  	s30 =	sld [smem:$0x0];
	_ =	sdelay $0x2  }
0xbe: {  	s31 =	sshll.u32 s1, $0xD;
	s1 =	sshrl.u32 s1, $0x2  }
0xbf: {  	s3 =	sand.u32 $0x4000, s31;
	s1 =	sadd.s32 s1, s30  }
0xc0: {  	s0 =	sor.u32 s3, s0;
	s1 =	sshll.u32 s1, $0x11  }
0xc1: {  	s0 =	sor.u32 s1, s0  }
0xc2: {  	s0 =	sadd.s32 $0x8F2B, s0  }
0xc3: {  	[sflag:s0] =	ssyncadd.remote.s32 $0x1  }
0xc4: {  	_ =	sfence.sel $0xFFFF  }
0xc5: {  	[dreg:$0x0] =	wrdreg $0xFFFFFFFF;
	(pc) =	sbr.abs _section_cstart, $3  }
0xc6: {  	[dreg:$0x1] =	wrdreg $0xFFFFFFFF  }
0xc7: {  	_ =	task.clear_ibuf [dreg:s7], $0x2FFFF;
	_ =	strace $0x9FFFFFFF  }
0xc8: {  	(tm) =	ssettm $0x7FFFFFFF  }
0xc9: {  	_ =	shalt  }
tec
execute0_lowered:
.L_overlay_start_1:
0x0: {  	(tag) =	ssettag $0x1  }
0x1: {  	s17 =	rddreg [dreg:$0x0]  }
0x2: {  	s8 =	rddreg [dreg:$0x1];
	s3 =	srdreg.scid  }
0x3: {  	s2 =	simm.s32 $0x0;
	s1 =	stileid.u32;
	s21 =	simm.s32 $0x100  }
0x4: {  	s22 =	simm.s32 $0x900;
	s23 =	simm.s32 $0x1100;
	s28 =	simm.s32 $0x3100  }
0x5: {  	s29 =	simm.s32 $0x3900;
	s30 =	simm.s32 $0x1;
	s31 =	simm.s32 $0x2  }
0x6: {  	s3 =	sand.u32 $0x1, s3;
	[smem:$0x7FF] =	sst s2;
	s4 =	sshll.u32 s1, $0x7  }
0x7: {  	s15 =	sadd.s32 $0xA3C00, s8;
	s16 =	sadd.s32 $0xA3E00, s8;
	s5 =	sshll.u32 s3, $0x6  }
0x8: {  	_ =	strace $0x80000047;
	s24 =	ssub.s32 $0x2, s3;
	s13 =	sor.u32 s5, s4  }
0x9: {  	s3 =	sadd.s32 $0xA4000, s8;
	s6 =	sshrl.u32 s24, $0x1;
	s5 =	sshrl.u32 s13, $0x3  }
0xa: {  	s18 =	ssub.s32 s24, s6;
	s25 =	sshll.u32 s13, $0x7;
	s11 =	sor.u32 $0x10, s13  }
0xb: {  	s6 =	sadd.s32 $0xA4100, s8;
	s14 =	sor.u32 $0x20, s13;
	s20 =	sor.u32 $0x30, s13  }
0xc: {  	s24 =	simm.s32 $0x1900;
	s7 =	sadd.s32 s15, s5;
	s4 =	sadd.s32 s16, s5  }
0xd: {  	s5 =	sadd.s32 s17, s25;
	s10 =	sshrl.u32 s11, $0x3;
	s11 =	sshll.u32 s11, $0x7  }
0xe: {  	s19 =	sshrl.u32 s14, $0x3;
	s14 =	sshll.u32 s14, $0x7;
	s26 =	sshrl.u32 s20, $0x3  }
0xf: {  	s20 =	sshll.u32 s20, $0x7;
	s18 =	smax.u32 s18, $0x1;
	s25 =	simm.s32 $0x2100  }
0x10: {  	[dreg:$0x3] =	wrdreg s7;
	s7 =	sadd.s32 $0xA4200, s8;
	s8 =	sadd.s32 $0xA4300, s8  }
0x11: {  	s9 =	sadd.s32 s15, s10;
	s10 =	sadd.s32 s16, s10;
	s11 =	sadd.s32 s17, s11  }
0x12: {  	v2 =	vlaneseq.u32;
	s12 =	sadd.s32 s15, s19;
	s13 =	sadd.s32 s16, s19;
	s14 =	sadd.s32 s17, s14  }
0x13: {  	vm0 =	vmmov $0xffff;
	v1 =	vshrl.u32 v2, $0x3;
	s15 =	sadd.s32 s15, s26;
	s16 =	sadd.s32 s16, s26;
	s17 =	sadd.s32 s17, s20  }
0x14: {  	v0 =	vand.u32 $0x7, v2;
	v2 =	vor.u32 $0x8, v2;
	v1 =	vmul.u32 $0x8, v1;
	s19 =	simm.s32 $0x3;
	s20 =	simm.s32 $0x80;
	s26 =	simm.s32 $0x2900  }
.LBB2_1:
0x15: {  	s0 =	rddreg [dreg:$0x3]  }
0x16: {  	[tilespmem:s2], [sflag:$0x3] =	stream.linear.gather [hbm4b:s0+s2], $0x10, $0x38;
	[tilespmem:$0x4100] =	vst v63  }
0x17: {  	_ =	swait.ge [sflag:s19], $0x10  }
0x18: {  	[sflag:s19] =	ssyncset.done $0x0  }
0x19: {  	[sflag:s19] =	ssyncadd.s32 $0xFFFFFFF0  }
0x1a: {  	[tilespmem:s20], [sflag:$0x3] =	stream.linear.gather [hbm4b:s4+s2], $0x10, $0x38;
	[tilespmem:$0x4100] =	vst v63  }
0x1b: {  	_ =	swait.ge [sflag:s19], $0x10  }
0x1c: {  	[sflag:s19] =	ssyncset.done $0x0  }
0x1d: {  	[sflag:s19] =	ssyncadd.s32 $0xFFFFFFF0  }
0x1e: {  	[tilespmem:s21], [sflag:$0x3] =	stream.linear.gather [hbm4b:s5+s2], $0x4000, $0x38;
	[tilespmem:$0x4100] =	vst v63  }
0x1f: {  	_ =	swait.ge [sflag:s19], $0x4000  }
0x20: {  	[sflag:s19] =	ssyncset.done $0x0  }
0x21: {  	[sflag:s19] =	ssyncadd.s32 $0xFFFFC000  }
0x22: {  	v3 =	vld [tilespmem:$0x0];
	_ =	sdelay $0x4  }
0x23: {  	v4 =	vshll.u32 v3, $0x3  }
0x24: {  	v3 =	vand.u32 $0x7, v3;
	v4 =	vand.u32 $0xFFFFFFC0, v4  }
0x25: {  	v3 =	vor.u32 v3, v4  }
0x26: {  	v4 =	vperm.xlane v3, v0;
	_ =	sdelay $0x1  }
0x27: {  	v4 =	vadd.s32 v1, v4;
	_ =	sdelay $0x4  }
0x28: {  	[hbm4b:s3+s2] =	stream.indirect_vreg.scatter [tilespmem:s21], [sflag:$0x1], $0x80, v4, vm0, $0xb8;
	[tilespmem:$0x4100] =	vst v63  }
0x29: {  	v3 =	vperm.xlane v3, v2  }
0x2a: {  	[hbm4b:s6+s2] =	stream.indirect_vreg.scatter [tilespmem:s22], [sflag:$0x1], $0x80, v4, vm0, $0xb8;
	[tilespmem:$0x4100] =	vst v63  }
0x2b: {  	v3 =	vadd.s32 v1, v3  }
0x2c: {  	[hbm4b:s7+s2] =	stream.indirect_vreg.scatter [tilespmem:s23], [sflag:$0x1], $0x80, v4, vm0, $0xb8;
	[tilespmem:$0x4100] =	vst v63  }
0x2d: {  	_ = 	snop  }
0x2e: {  	[hbm4b:s8+s2] =	stream.indirect_vreg.scatter [tilespmem:s24], [sflag:$0x1], $0x80, v4, vm0, $0xb8;
	[tilespmem:$0x4100] =	vst v63  }
0x2f: {  	_ = 	snop  }
0x30: {  	[hbm4b:s3+s2] =	stream.indirect_vreg.scatter [tilespmem:s25], [sflag:$0x1], $0x80, v3, vm0, $0xb8;
	[tilespmem:$0x4100] =	vst v63  }
0x31: {  	_ = 	snop  }
0x32: {  	[hbm4b:s6+s2] =	stream.indirect_vreg.scatter [tilespmem:s26], [sflag:$0x1], $0x80, v3, vm0, $0xb8;
	[tilespmem:$0x4100] =	vst v63  }
0x33: {  	_ = 	snop  }
0x34: {  	[hbm4b:s7+s2] =	stream.indirect_vreg.scatter [tilespmem:s28], [sflag:$0x1], $0x80, v3, vm0, $0xb8;
	[tilespmem:$0x4100] =	vst v63  }
0x35: {  	_ = 	snop  }
0x36: {  	[hbm4b:s8+s2] =	stream.indirect_vreg.scatter [tilespmem:s29], [sflag:$0x1], $0x80, v3, vm0, $0xb8;
	[tilespmem:$0x4100] =	vst v63  }
0x37: {  	v3 =	vld [tilespmem:$0x80];
	_ =	sdelay $0x4  }
0x38: {  	v57 =	vshll.u32 v3, $0x3  }
0x39: {  	v3 =	vand.u32 $0x7, v3;
	v4 =	vand.u32 $0xFFFFFFC0, v57  }
0x3a: {  	v3 =	vor.u32 v3, v4  }
0x3b: {  	v4 =	vperm.xlane v3, v0;
	_ =	sdelay $0x1  }
0x3c: {  	v4 =	vadd.s32 v1, v4;
	_ =	sdelay $0x4  }
0x3d: {  	[hbm4b:s3+s2] =	stream.indirect_vreg.scatter [tilespmem:s21], [sflag:$0x2], $0x80, v4, vm0, $0xb8;
	[tilespmem:$0x4100] =	vst v63  }
0x3e: {  	v3 =	vperm.xlane v3, v2  }
0x3f: {  	[hbm4b:s6+s2] =	stream.indirect_vreg.scatter [tilespmem:s22], [sflag:$0x2], $0x80, v4, vm0, $0xb8;
	[tilespmem:$0x4100] =	vst v63  }
0x40: {  	v3 =	vadd.s32 v1, v3  }
0x41: {  	[hbm4b:s7+s2] =	stream.indirect_vreg.scatter [tilespmem:s23], [sflag:$0x2], $0x80, v4, vm0, $0xb8;
	[tilespmem:$0x4100] =	vst v63  }
0x42: {  	_ = 	snop  }
0x43: {  	[hbm4b:s8+s2] =	stream.indirect_vreg.scatter [tilespmem:s24], [sflag:$0x2], $0x80, v4, vm0, $0xb8;
	[tilespmem:$0x4100] =	vst v63  }
0x44: {  	_ = 	snop  }
0x45: {  	[hbm4b:s3+s2] =	stream.indirect_vreg.scatter [tilespmem:s25], [sflag:$0x2], $0x80, v3, vm0, $0xb8;
	[tilespmem:$0x4100] =	vst v63  }
0x46: {  	_ = 	snop  }
0x47: {  	[hbm4b:s6+s2] =	stream.indirect_vreg.scatter [tilespmem:s26], [sflag:$0x2], $0x80, v3, vm0, $0xb8;
	[tilespmem:$0x4100] =	vst v63  }
0x48: {  	_ = 	snop  }
0x49: {  	[hbm4b:s7+s2] =	stream.indirect_vreg.scatter [tilespmem:s28], [sflag:$0x2], $0x80, v3, vm0, $0xb8;
	[tilespmem:$0x4100] =	vst v63  }
0x4a: {  	_ = 	snop  }
0x4b: {  	[hbm4b:s8+s2] =	stream.indirect_vreg.scatter [tilespmem:s29], [sflag:$0x2], $0x80, v3, vm0, $0xb8;
	[tilespmem:$0x4100] =	vst v63  }
0x4c: {  	_ =	swait.ge [sflag:s30], $0x4000  }
0x4d: {  	[sflag:s30] =	ssyncset.done $0x0  }
0x4e: {  	[sflag:s30] =	ssyncadd.s32 $0xFFFFC000  }
0x4f: {  	_ =	swait.ge [sflag:s31], $0x4000  }
0x50: {  	[sflag:s31] =	ssyncset.done $0x0  }
0x51: {  	[sflag:s31] =	ssyncadd.s32 $0xFFFFC000  }
0x52: {  	[tilespmem:s2], [sflag:$0x3] =	stream.linear.gather [hbm4b:s9+s2], $0x10, $0x38;
	[tilespmem:$0x4100] =	vst v63  }
0x53: {  	_ =	swait.ge [sflag:s19], $0x10  }
0x54: {  	[sflag:s19] =	ssyncset.done $0x0  }
0x55: {  	[sflag:s19] =	ssyncadd.s32 $0xFFFFFFF0  }
0x56: {  	[tilespmem:s20], [sflag:$0x3] =	stream.linear.gather [hbm4b:s10+s2], $0x10, $0x38;
	[tilespmem:$0x4100] =	vst v63  }
0x57: {  	_ =	swait.ge [sflag:s19], $0x10  }
0x58: {  	[sflag:s19] =	ssyncset.done $0x0  }
0x59: {  	[sflag:s19] =	ssyncadd.s32 $0xFFFFFFF0  }
0x5a: {  	[tilespmem:s21], [sflag:$0x3] =	stream.linear.gather [hbm4b:s11+s2], $0x4000, $0x38;
	[tilespmem:$0x4100] =	vst v63  }
0x5b: {  	_ =	swait.ge [sflag:s19], $0x4000  }
0x5c: {  	[sflag:s19] =	ssyncset.done $0x0  }
0x5d: {  	[sflag:s19] =	ssyncadd.s32 $0xFFFFC000  }
0x5e: {  	v3 =	vld [tilespmem:$0x0];
	_ =	sdelay $0x4  }
0x5f: {  	v58 =	vshll.u32 v3, $0x3  }
0x60: {  	v3 =	vand.u32 $0x7, v3;
	v4 =	vand.u32 $0xFFFFFFC0, v58  }
0x61: {  	v3 =	vor.u32 v3, v4  }
0x62: {  	v4 =	vperm.xlane v3, v0;
	_ =	sdelay $0x1  }
0x63: {  	v4 =	vadd.s32 v1, v4;
	_ =	sdelay $0x4  }
0x64: {  	[hbm4b:s3+s2] =	stream.indirect_vreg.scatter [tilespmem:s21], [sflag:$0x1], $0x80, v4, vm0, $0xb8;
	[tilespmem:$0x4100] =	vst v63  }
0x65: {  	v3 =	vperm.xlane v3, v2  }
0x66: {  	[hbm4b:s6+s2] =	stream.indirect_vreg.scatter [tilespmem:s22], [sflag:$0x1], $0x80, v4, vm0, $0xb8;
	[tilespmem:$0x4100] =	vst v63  }
0x67: {  	v3 =	vadd.s32 v1, v3  }
0x68: {  	[hbm4b:s7+s2] =	stream.indirect_vreg.scatter [tilespmem:s23], [sflag:$0x1], $0x80, v4, vm0, $0xb8;
	[tilespmem:$0x4100] =	vst v63  }
0x69: {  	_ = 	snop  }
0x6a: {  	[hbm4b:s8+s2] =	stream.indirect_vreg.scatter [tilespmem:s24], [sflag:$0x1], $0x80, v4, vm0, $0xb8;
	[tilespmem:$0x4100] =	vst v63  }
0x6b: {  	_ = 	snop  }
0x6c: {  	[hbm4b:s3+s2] =	stream.indirect_vreg.scatter [tilespmem:s25], [sflag:$0x1], $0x80, v3, vm0, $0xb8;
	[tilespmem:$0x4100] =	vst v63  }
0x6d: {  	_ = 	snop  }
0x6e: {  	[hbm4b:s6+s2] =	stream.indirect_vreg.scatter [tilespmem:s26], [sflag:$0x1], $0x80, v3, vm0, $0xb8;
	[tilespmem:$0x4100] =	vst v63  }
0x6f: {  	_ = 	snop  }
0x70: {  	[hbm4b:s7+s2] =	stream.indirect_vreg.scatter [tilespmem:s28], [sflag:$0x1], $0x80, v3, vm0, $0xb8;
	[tilespmem:$0x4100] =	vst v63  }
0x71: {  	_ = 	snop  }
0x72: {  	[hbm4b:s8+s2] =	stream.indirect_vreg.scatter [tilespmem:s29], [sflag:$0x1], $0x80, v3, vm0, $0xb8;
	[tilespmem:$0x4100] =	vst v63  }
0x73: {  	v3 =	vld [tilespmem:$0x80];
	_ =	sdelay $0x4  }
0x74: {  	v59 =	vshll.u32 v3, $0x3  }
0x75: {  	v3 =	vand.u32 $0x7, v3;
	v4 =	vand.u32 $0xFFFFFFC0, v59  }
0x76: {  	v3 =	vor.u32 v3, v4  }
0x77: {  	v4 =	vperm.xlane v3, v0;
	_ =	sdelay $0x1  }
0x78: {  	v4 =	vadd.s32 v1, v4;
	_ =	sdelay $0x4  }
0x79: {  	[hbm4b:s3+s2] =	stream.indirect_vreg.scatter [tilespmem:s21], [sflag:$0x2], $0x80, v4, vm0, $0xb8;
	[tilespmem:$0x4100] =	vst v63  }
0x7a: {  	v3 =	vperm.xlane v3, v2  }
0x7b: {  	[hbm4b:s6+s2] =	stream.indirect_vreg.scatter [tilespmem:s22], [sflag:$0x2], $0x80, v4, vm0, $0xb8;
	[tilespmem:$0x4100] =	vst v63  }
0x7c: {  	v3 =	vadd.s32 v1, v3  }
0x7d: {  	[hbm4b:s7+s2] =	stream.indirect_vreg.scatter [tilespmem:s23], [sflag:$0x2], $0x80, v4, vm0, $0xb8;
	[tilespmem:$0x4100] =	vst v63  }
0x7e: {  	_ = 	snop  }
0x7f: {  	[hbm4b:s8+s2] =	stream.indirect_vreg.scatter [tilespmem:s24], [sflag:$0x2], $0x80, v4, vm0, $0xb8;
	[tilespmem:$0x4100] =	vst v63  }
0x80: {  	_ = 	snop  }
0x81: {  	[hbm4b:s3+s2] =	stream.indirect_vreg.scatter [tilespmem:s25], [sflag:$0x2], $0x80, v3, vm0, $0xb8;
	[tilespmem:$0x4100] =	vst v63  }
0x82: {  	_ = 	snop  }
0x83: {  	[hbm4b:s6+s2] =	stream.indirect_vreg.scatter [tilespmem:s26], [sflag:$0x2], $0x80, v3, vm0, $0xb8;
	[tilespmem:$0x4100] =	vst v63  }
0x84: {  	_ = 	snop  }
0x85: {  	[hbm4b:s7+s2] =	stream.indirect_vreg.scatter [tilespmem:s28], [sflag:$0x2], $0x80, v3, vm0, $0xb8;
	[tilespmem:$0x4100] =	vst v63  }
0x86: {  	_ = 	snop  }
0x87: {  	[hbm4b:s8+s2] =	stream.indirect_vreg.scatter [tilespmem:s29], [sflag:$0x2], $0x80, v3, vm0, $0xb8;
	[tilespmem:$0x4100] =	vst v63  }
0x88: {  	_ =	swait.ge [sflag:s30], $0x4000  }
0x89: {  	[sflag:s30] =	ssyncset.done $0x0  }
0x8a: {  	[sflag:s30] =	ssyncadd.s32 $0xFFFFC000  }
0x8b: {  	_ =	swait.ge [sflag:s31], $0x4000  }
0x8c: {  	[sflag:s31] =	ssyncset.done $0x0  }
0x8d: {  	[sflag:s31] =	ssyncadd.s32 $0xFFFFC000  }
0x8e: {  	[tilespmem:s2], [sflag:$0x3] =	stream.linear.gather [hbm4b:s12+s2], $0x10, $0x38;
	[tilespmem:$0x4100] =	vst v63  }
0x8f: {  	_ =	swait.ge [sflag:s19], $0x10  }
0x90: {  	[sflag:s19] =	ssyncset.done $0x0  }
0x91: {  	[sflag:s19] =	ssyncadd.s32 $0xFFFFFFF0  }
0x92: {  	[tilespmem:s20], [sflag:$0x3] =	stream.linear.gather [hbm4b:s13+s2], $0x10, $0x38;
	[tilespmem:$0x4100] =	vst v63  }
0x93: {  	_ =	swait.ge [sflag:s19], $0x10  }
0x94: {  	[sflag:s19] =	ssyncset.done $0x0  }
0x95: {  	[sflag:s19] =	ssyncadd.s32 $0xFFFFFFF0  }
0x96: {  	[tilespmem:s21], [sflag:$0x3] =	stream.linear.gather [hbm4b:s14+s2], $0x4000, $0x38;
	[tilespmem:$0x4100] =	vst v63  }
0x97: {  	_ =	swait.ge [sflag:s19], $0x4000  }
0x98: {  	[sflag:s19] =	ssyncset.done $0x0  }
0x99: {  	[sflag:s19] =	ssyncadd.s32 $0xFFFFC000  }
0x9a: {  	v3 =	vld [tilespmem:$0x0];
	_ =	sdelay $0x4  }
0x9b: {  	v60 =	vshll.u32 v3, $0x3  }
0x9c: {  	v3 =	vand.u32 $0x7, v3;
	v4 =	vand.u32 $0xFFFFFFC0, v60  }
0x9d: {  	v3 =	vor.u32 v3, v4  }
0x9e: {  	v4 =	vperm.xlane v3, v0;
	_ =	sdelay $0x1  }
0x9f: {  	v4 =	vadd.s32 v1, v4;
	_ =	sdelay $0x4  }
0xa0: {  	[hbm4b:s3+s2] =	stream.indirect_vreg.scatter [tilespmem:s21], [sflag:$0x1], $0x80, v4, vm0, $0xb8;
	[tilespmem:$0x4100] =	vst v63  }
0xa1: {  	v3 =	vperm.xlane v3, v2  }
0xa2: {  	[hbm4b:s6+s2] =	stream.indirect_vreg.scatter [tilespmem:s22], [sflag:$0x1], $0x80, v4, vm0, $0xb8;
	[tilespmem:$0x4100] =	vst v63  }
0xa3: {  	v3 =	vadd.s32 v1, v3  }
0xa4: {  	[hbm4b:s7+s2] =	stream.indirect_vreg.scatter [tilespmem:s23], [sflag:$0x1], $0x80, v4, vm0, $0xb8;
	[tilespmem:$0x4100] =	vst v63  }
0xa5: {  	_ = 	snop  }
0xa6: {  	[hbm4b:s8+s2] =	stream.indirect_vreg.scatter [tilespmem:s24], [sflag:$0x1], $0x80, v4, vm0, $0xb8;
	[tilespmem:$0x4100] =	vst v63  }
0xa7: {  	_ = 	snop  }
0xa8: {  	[hbm4b:s3+s2] =	stream.indirect_vreg.scatter [tilespmem:s25], [sflag:$0x1], $0x80, v3, vm0, $0xb8;
	[tilespmem:$0x4100] =	vst v63  }
0xa9: {  	_ = 	snop  }
0xaa: {  	[hbm4b:s6+s2] =	stream.indirect_vreg.scatter [tilespmem:s26], [sflag:$0x1], $0x80, v3, vm0, $0xb8;
	[tilespmem:$0x4100] =	vst v63  }
0xab: {  	_ = 	snop  }
0xac: {  	[hbm4b:s7+s2] =	stream.indirect_vreg.scatter [tilespmem:s28], [sflag:$0x1], $0x80, v3, vm0, $0xb8;
	[tilespmem:$0x4100] =	vst v63  }
0xad: {  	_ = 	snop  }
0xae: {  	[hbm4b:s8+s2] =	stream.indirect_vreg.scatter [tilespmem:s29], [sflag:$0x1], $0x80, v3, vm0, $0xb8;
	[tilespmem:$0x4100] =	vst v63  }
0xaf: {  	v3 =	vld [tilespmem:$0x80];
	_ =	sdelay $0x4  }
0xb0: {  	v61 =	vshll.u32 v3, $0x3  }
0xb1: {  	v3 =	vand.u32 $0x7, v3;
	v4 =	vand.u32 $0xFFFFFFC0, v61  }
0xb2: {  	v3 =	vor.u32 v3, v4  }
0xb3: {  	v4 =	vperm.xlane v3, v0;
	_ =	sdelay $0x1  }
0xb4: {  	v4 =	vadd.s32 v1, v4;
	_ =	sdelay $0x4  }
0xb5: {  	[hbm4b:s3+s2] =	stream.indirect_vreg.scatter [tilespmem:s21], [sflag:$0x2], $0x80, v4, vm0, $0xb8;
	[tilespmem:$0x4100] =	vst v63  }
0xb6: {  	v3 =	vperm.xlane v3, v2  }
0xb7: {  	[hbm4b:s6+s2] =	stream.indirect_vreg.scatter [tilespmem:s22], [sflag:$0x2], $0x80, v4, vm0, $0xb8;
	[tilespmem:$0x4100] =	vst v63  }
0xb8: {  	v3 =	vadd.s32 v1, v3  }
0xb9: {  	[hbm4b:s7+s2] =	stream.indirect_vreg.scatter [tilespmem:s23], [sflag:$0x2], $0x80, v4, vm0, $0xb8;
	[tilespmem:$0x4100] =	vst v63  }
0xba: {  	_ = 	snop  }
0xbb: {  	[hbm4b:s8+s2] =	stream.indirect_vreg.scatter [tilespmem:s24], [sflag:$0x2], $0x80, v4, vm0, $0xb8;
	[tilespmem:$0x4100] =	vst v63  }
0xbc: {  	_ = 	snop  }
0xbd: {  	[hbm4b:s3+s2] =	stream.indirect_vreg.scatter [tilespmem:s25], [sflag:$0x2], $0x80, v3, vm0, $0xb8;
	[tilespmem:$0x4100] =	vst v63  }
0xbe: {  	_ = 	snop  }
0xbf: {  	[hbm4b:s6+s2] =	stream.indirect_vreg.scatter [tilespmem:s26], [sflag:$0x2], $0x80, v3, vm0, $0xb8;
	[tilespmem:$0x4100] =	vst v63  }
0xc0: {  	_ = 	snop  }
0xc1: {  	[hbm4b:s7+s2] =	stream.indirect_vreg.scatter [tilespmem:s28], [sflag:$0x2], $0x80, v3, vm0, $0xb8;
	[tilespmem:$0x4100] =	vst v63  }
0xc2: {  	_ = 	snop  }
0xc3: {  	[hbm4b:s8+s2] =	stream.indirect_vreg.scatter [tilespmem:s29], [sflag:$0x2], $0x80, v3, vm0, $0xb8;
	[tilespmem:$0x4100] =	vst v63  }
0xc4: {  	_ =	swait.ge [sflag:s30], $0x4000  }
0xc5: {  	[sflag:s30] =	ssyncset.done $0x0  }
0xc6: {  	[sflag:s30] =	ssyncadd.s32 $0xFFFFC000  }
0xc7: {  	_ =	swait.ge [sflag:s31], $0x4000  }
0xc8: {  	[sflag:s31] =	ssyncset.done $0x0  }
0xc9: {  	[sflag:s31] =	ssyncadd.s32 $0xFFFFC000  }
0xca: {  	[tilespmem:s2], [sflag:$0x3] =	stream.linear.gather [hbm4b:s15+s2], $0x10, $0x38;
	[tilespmem:$0x4100] =	vst v63  }
0xcb: {  	_ =	swait.ge [sflag:s19], $0x10  }
0xcc: {  	[sflag:s19] =	ssyncset.done $0x0  }
0xcd: {  	[sflag:s19] =	ssyncadd.s32 $0xFFFFFFF0  }
0xce: {  	[tilespmem:s20], [sflag:$0x3] =	stream.linear.gather [hbm4b:s16+s2], $0x10, $0x38;
	[tilespmem:$0x4100] =	vst v63  }
0xcf: {  	_ =	swait.ge [sflag:s19], $0x10  }
0xd0: {  	[sflag:s19] =	ssyncset.done $0x0  }
0xd1: {  	[sflag:s19] =	ssyncadd.s32 $0xFFFFFFF0  }
0xd2: {  	[tilespmem:s21], [sflag:$0x3] =	stream.linear.gather [hbm4b:s17+s2], $0x4000, $0x38;
	[tilespmem:$0x4100] =	vst v63  }
0xd3: {  	_ =	swait.ge [sflag:s19], $0x4000  }
0xd4: {  	[sflag:s19] =	ssyncset.done $0x0  }
0xd5: {  	[sflag:s19] =	ssyncadd.s32 $0xFFFFC000  }
0xd6: {  	v3 =	vld [tilespmem:$0x0];
	_ =	sdelay $0x4  }
0xd7: {  	v62 =	vshll.u32 v3, $0x3  }
0xd8: {  	v3 =	vand.u32 $0x7, v3;
	v4 =	vand.u32 $0xFFFFFFC0, v62  }
0xd9: {  	v3 =	vor.u32 v3, v4  }
0xda: {  	v4 =	vperm.xlane v3, v0;
	_ =	sdelay $0x1  }
0xdb: {  	v4 =	vadd.s32 v1, v4;
	_ =	sdelay $0x4  }
0xdc: {  	[hbm4b:s3+s2] =	stream.indirect_vreg.scatter [tilespmem:s21], [sflag:$0x1], $0x80, v4, vm0, $0xb8;
	[tilespmem:$0x4100] =	vst v63  }
0xdd: {  	v3 =	vperm.xlane v3, v2  }
0xde: {  	[hbm4b:s6+s2] =	stream.indirect_vreg.scatter [tilespmem:s22], [sflag:$0x1], $0x80, v4, vm0, $0xb8;
	[tilespmem:$0x4100] =	vst v63  }
0xdf: {  	v3 =	vadd.s32 v1, v3  }
0xe0: {  	[hbm4b:s7+s2] =	stream.indirect_vreg.scatter [tilespmem:s23], [sflag:$0x1], $0x80, v4, vm0, $0xb8;
	[tilespmem:$0x4100] =	vst v63  }
0xe1: {  	_ = 	snop  }
0xe2: {  	[hbm4b:s8+s2] =	stream.indirect_vreg.scatter [tilespmem:s24], [sflag:$0x1], $0x80, v4, vm0, $0xb8;
	[tilespmem:$0x4100] =	vst v63  }
0xe3: {  	_ = 	snop  }
0xe4: {  	[hbm4b:s3+s2] =	stream.indirect_vreg.scatter [tilespmem:s25], [sflag:$0x1], $0x80, v3, vm0, $0xb8;
	[tilespmem:$0x4100] =	vst v63  }
0xe5: {  	_ = 	snop  }
0xe6: {  	[hbm4b:s6+s2] =	stream.indirect_vreg.scatter [tilespmem:s26], [sflag:$0x1], $0x80, v3, vm0, $0xb8;
	[tilespmem:$0x4100] =	vst v63  }
0xe7: {  	_ = 	snop  }
0xe8: {  	[hbm4b:s7+s2] =	stream.indirect_vreg.scatter [tilespmem:s28], [sflag:$0x1], $0x80, v3, vm0, $0xb8;
	[tilespmem:$0x4100] =	vst v63  }
0xe9: {  	_ = 	snop  }
0xea: {  	[hbm4b:s8+s2] =	stream.indirect_vreg.scatter [tilespmem:s29], [sflag:$0x1], $0x80, v3, vm0, $0xb8;
	[tilespmem:$0x4100] =	vst v63  }
0xeb: {  	v3 =	vld [tilespmem:$0x80];
	_ =	sdelay $0x4  }
0xec: {  	v63 =	vshll.u32 v3, $0x3  }
0xed: {  	v3 =	vand.u32 $0x7, v3;
	v4 =	vand.u32 $0xFFFFFFC0, v63  }
0xee: {  	v3 =	vor.u32 v3, v4  }
0xef: {  	v4 =	vperm.xlane v3, v0;
	_ =	sdelay $0x1  }
0xf0: {  	v4 =	vadd.s32 v1, v4;
	_ =	sdelay $0x4  }
0xf1: {  	[hbm4b:s3+s2] =	stream.indirect_vreg.scatter [tilespmem:s21], [sflag:$0x2], $0x80, v4, vm0, $0xb8;
	[tilespmem:$0x4100] =	vst v63  }
0xf2: {  	v3 =	vperm.xlane v3, v2  }
0xf3: {  	[hbm4b:s6+s2] =	stream.indirect_vreg.scatter [tilespmem:s22], [sflag:$0x2], $0x80, v4, vm0, $0xb8;
	[tilespmem:$0x4100] =	vst v63  }
0xf4: {  	v3 =	vadd.s32 v1, v3  }
0xf5: {  	[hbm4b:s7+s2] =	stream.indirect_vreg.scatter [tilespmem:s23], [sflag:$0x2], $0x80, v4, vm0, $0xb8;
	[tilespmem:$0x4100] =	vst v63  }
0xf6: {  	_ = 	snop  }
0xf7: {  	[hbm4b:s8+s2] =	stream.indirect_vreg.scatter [tilespmem:s24], [sflag:$0x2], $0x80, v4, vm0, $0xb8;
	[tilespmem:$0x4100] =	vst v63  }
0xf8: {  	_ = 	snop  }
0xf9: {  	[hbm4b:s3+s2] =	stream.indirect_vreg.scatter [tilespmem:s25], [sflag:$0x2], $0x80, v3, vm0, $0xb8;
	[tilespmem:$0x4100] =	vst v63  }
0xfa: {  	_ = 	snop  }
0xfb: {  	[hbm4b:s6+s2] =	stream.indirect_vreg.scatter [tilespmem:s26], [sflag:$0x2], $0x80, v3, vm0, $0xb8;
	[tilespmem:$0x4100] =	vst v63  }
0xfc: {  	_ = 	snop  }
0xfd: {  	[hbm4b:s7+s2] =	stream.indirect_vreg.scatter [tilespmem:s28], [sflag:$0x2], $0x80, v3, vm0, $0xb8;
	[tilespmem:$0x4100] =	vst v63  }
0xfe: {  	_ = 	snop  }
0xff: {  	[hbm4b:s8+s2] =	stream.indirect_vreg.scatter [tilespmem:s29], [sflag:$0x2], $0x80, v3, vm0, $0xb8;
	[tilespmem:$0x4100] =	vst v63  }
0x100: {  	p0 =	sne.s32 s18, $0x1;
	_ =	swait.ge [sflag:s30], $0x4000  }
.Ltmp0:
0x101: {  	[sflag:s30] =	ssyncset.done $0x0;
	(pc) =	sbr.rel @p0 .LBB2_1-.Ltmp0, $4  }
0x102: {  	[sflag:s30] =	ssyncadd.s32 $0xFFFFC000  }
0x103: {  	_ =	swait.ge [sflag:s31], $0x4000  }
0x104: {  	[sflag:s31] =	ssyncset.done $0x0  }
0x105: {  	s18 =	sadd.s32 $0xFFFFFFFF, s18;
	[sflag:s31] =	ssyncadd.s32 $0xFFFFC000  }
0x106: {  	_ =	sfence.sel $0x180000  }
0x107: {  	[bflag:$0x0] =	sbarrier.arrive $0xFFFF  }
0x108: {  	_ =	strace $0x90000047  }
0x109: {  	[bflag:$0x2] =	sbarrier.arrive $0xFFFF  }
0x10a: {  	p0 =	sne.s32 s1, $0x0;
	s0 =	rddreg [dreg:$0x2]  }
0x10b: {  	s0 =	sadd.s32 @!p0 $0x100000, s0  }
0x10c: {  	[sflag:s0] =	ssyncadd.tile.s32 @!p0 $0x1;
	_ =	shalt  }
.Lfunc_end2:
_tile_overlayer_lowered:
.L_overlay_start_2:
0x10d: {  	(tag) =	ssettag $0x2  }
0x10e: {  	s0 =	rddreg [dreg:$0x0];
	s2 =	stileid.u32  }
0x10f: {  	s1 =	rddreg [dreg:$0x1];
	p0 =	sne.s32 s2, $0x0  }
0x110: {  	s3 =	rddreg [dreg:$0x2];
	[bflag:$0x3] =	sbarrier.arrive $0xFFFF;
	s2 =	simm.s32 @!p0 $0x1C03  }
0x111: {  	[timem:s3], [sflag:s2] =	dma.local @!p0 [hbm:s0], s1  }
0x112: {  	s0 =	simm.s32 @!p0 $0x3  }
0x113: {  	_ =	swait.ge @!p0 [sflag:s0], s1  }
0x114: {  	s1 =	ssub.s32 @!p0 $0x0, s1;
	[sflag:s0] =	ssyncset.done @!p0 $0x0  }
0x115: {  	[sflag:s0] =	ssyncadd.s32 @!p0 s1  }
0x116: {  	[bflag:$0x3] =	sbarrier.arrive $0xFFFF  }
0x117: {  	_ =	shalt  }

// kernel: kernel.17.cloned.1.call-start
scs
__scs_entry_jumppad:
0x0: {  	(pc) =	sbr.rel $0x88, $3  }
0x1: {  	(tag) =	ssettag $0x0;
	lr =	simm.s32 $0x1  }
0x2: {  	[smem:$0x3F92] =	sst lr;
	_ =	strace $0xD0000000  }
0x3: {  	_ = 	snop  }
0x4: {  	_ = 	snop  }
0x5: {  	_ = 	snop  }
0x6: {  	_ = 	snop  }
0x7: {  	_ = 	snop  }
__scs_overlays_trampoline_lowered:
0x8: {  	[smem:$0x3FA1] =	sst s0  }
0x9: {  	[smem:$0x3FA2] =	sst s1  }
0xa: {  	[smem:$0x3FA3] =	sst s2  }
0xb: {  	[smem:$0x3FA4] =	sst s3  }
0xc: {  	[smem:$0x3FA5] =	sst s4  }
0xd: {  	[smem:$0x3FA6] =	sst s5  }
0xe: {  	[smem:$0x3FA7] =	sst s6  }
0xf: {  	[smem:$0x3FA8] =	sst s7  }
0x10: {  	[smem:$0x3FA9] =	sst s8  }
0x11: {  	[smem:$0x3FAA] =	sst s9;
	s0 =	simm.s32 @!p0 $0x0  }
0x12: {  	s1 =	sld [smem:$0x3F90];
	s0 =	simm.s32 @p0 $0x1  }
0x13: {  	[smem:$0x3FAB] =	sst s0;
	s0 =	simm.s32 @!p1 $0x0  }
0x14: {  	s2 =	sld [smem:$0x3F8F];
	s0 =	simm.s32 @p1 $0x1  }
0x15: {  	[smem:$0x3FAC] =	sst s0;
	s0 =	simm.s32 @!p2 $0x0  }
0x16: {  	s3 =	sld [smem:$0x3FDB];
	s0 =	simm.s32 @p2 $0x1  }
0x17: {  	s4 =	simm.s32 $0x1BF5;
	[smem:$0x3FAE] =	sst s0  }
0x18: {  	s0 =	sld [smem:$0x3F91];
	_ =	swait.ge [sflag:s4], $0x0  }
0x19: {  	s7 =	sld [smem:$0x3F92]  }
0x1a: {  	s8 =	sadd.s32 $0xFFFFE003, lr  }
0x1b: {  	s9 =	sadd.s32 $0xFFFFFEF7, lr;
	s5 =	simm.s32 $0xFFFFFFFF;
	p2 =	slt.u32 s8, $0xFFFFF086  }
0x1c: {  	p1 =	slt.u32 s9, $0xF7A;
	s5 =	simm.s32 @!p2 $0x0  }
0x1d: {  	s5 =	simm.s32 @p1 $0x1;
	p0 =	seq.s32 s7, s2  }
0x1e: {  	s7 =	smul.u32 @!p0 $0xF7A, s2;
	p2 =	seq.s32 @!p0 s5, $0x0  }
0x1f: {  	s9 =	smul.u32 $0xF7A, s1;
	s8 =	simm.s32 @!p0 $0x1BF5;
	p2 =	por !p2, p0  }
0x20: {  	[sflag:s8] =	ssyncset.s32 @!p0 $0xFFFFF086;
	s6 =	sadd.s32 @!p0 s3, s7;
	s7 =	simm.s32 @!p0 $0x108  }
0x21: {  	s3 =	sadd.s32 s3, s9;
	s6 =	sadd.s32 @!p0 $0x88, s6;
	s7 =	simm.s32 @p2 $0x1082  }
0x22: {  	[simem:s7], [sflag:s8] =	dma.local @!p0 [hbm:s6], $0xF7A  }
0x23: {  	s9 =	sor.u32 $0xD0000000, s2;
	s6 =	simm.s32 $0x108;
	_ =	swait.ge @!p0 [sflag:s8], $0x0  }
0x24: {  	s3 =	sadd.s32 $0x88, s3;
	s6 =	simm.s32 @!p1 $0x1082;
	[sflag:s4] =	ssyncset.s32 $0xFFFFF086  }
0x25: {  	[simem:s6], [sflag:s4] =	dma.local [hbm:s3], $0xF7A  }
0x26: {  	[smem:$0x3F92] =	sst s1;
	(tag) =	ssettag s2;
	_ =	strace s9  }
0x27: {  	s1 =	sld [smem:$0x3FA2]  }
0x28: {  	s2 =	sld [smem:$0x3FA3]  }
0x29: {  	s4 =	sld [smem:$0x3FA5]  }
0x2a: {  	p0 =	seq.s32 s5, $0x0;
	s5 =	sld [smem:$0x3FA6]  }
0x2b: {  	s6 =	sld [smem:$0x3FA7]  }
0x2c: {  	s7 =	sld [smem:$0x3FA8]  }
0x2d: {  	s3 =	simm.s32 $0x108;
	s8 =	sld [smem:$0x3FA9]  }
0x2e: {  	s3 =	simm.s32 @!p0 $0x1082;
	s9 =	sld [smem:$0x3FAA]  }
0x2f: {  	lr =	sadd.s32 s0, s3;
	s0 =	sld [smem:$0x3FA1]  }
0x30: {  	s3 =	sld [smem:$0x3FA4]  }
0x31: {  	[smem:$0x3FAD] =	sst s10  }
0x32: {  	s10 =	sld [smem:$0x3FAB];
	_ =	sdelay $0x3  }
0x33: {  	p0 =	seq.s32 s10, $0x1;
	s10 =	sld [smem:$0x3FAD];
	_ =	sdelay $0x3  }
0x34: {  	[smem:$0x3FAD] =	sst s10  }
0x35: {  	s10 =	sld [smem:$0x3FAC];
	_ =	sdelay $0x3  }
0x36: {  	p1 =	seq.s32 s10, $0x1;
	s10 =	sld [smem:$0x3FAD];
	_ =	sdelay $0x3  }
0x37: {  	[smem:$0x3FAD] =	sst s10  }
0x38: {  	s10 =	sld [smem:$0x3FAE]  }
0x39: {  	_ = 	snop;
	(pc) =	sbr.ind lr, $3  }
0x3a: {  	_ = 	snop  }
0x3b: {  	_ = 	snop  }
0x3c: {  	p2 =	seq.s32 s10, $0x1;
	s10 =	sld [smem:$0x3FAD]  }
0x3d: {  	_ =	shalt  }
0x3e: {  	_ =	shalt  }
0x3f: {  	_ =	shalt  }
0x40: {  	_ =	shalt  }
0x41: {  	_ =	shalt  }
0x42: {  	_ =	shalt  }
0x43: {  	_ =	shalt  }
0x44: {  	_ =	shalt  }
0x45: {  	_ =	shalt  }
0x46: {  	_ =	shalt  }
0x47: {  	_ =	shalt  }
0x48: {  	_ =	shalt  }
0x49: {  	_ =	shalt  }
0x4a: {  	_ =	shalt  }
0x4b: {  	_ =	shalt  }
0x4c: {  	_ =	shalt  }
0x4d: {  	_ =	shalt  }
0x4e: {  	_ =	shalt  }
0x4f: {  	_ =	shalt  }
0x50: {  	_ =	shalt  }
0x51: {  	_ =	shalt  }
0x52: {  	_ =	shalt  }
0x53: {  	_ =	shalt  }
0x54: {  	_ =	shalt  }
0x55: {  	_ =	shalt  }
0x56: {  	_ =	shalt  }
0x57: {  	_ =	shalt  }
0x58: {  	_ =	shalt  }
0x59: {  	_ =	shalt  }
0x5a: {  	_ =	shalt  }
0x5b: {  	_ =	shalt  }
0x5c: {  	_ =	shalt  }
0x5d: {  	_ =	shalt  }
0x5e: {  	_ =	shalt  }
0x5f: {  	_ =	shalt  }
0x60: {  	_ =	shalt  }
0x61: {  	_ =	shalt  }
0x62: {  	_ =	shalt  }
0x63: {  	_ =	shalt  }
0x64: {  	_ =	shalt  }
0x65: {  	_ =	shalt  }
0x66: {  	_ =	shalt  }
0x67: {  	_ =	shalt  }
0x68: {  	_ =	shalt  }
0x69: {  	_ =	shalt  }
0x6a: {  	_ =	shalt  }
0x6b: {  	_ =	shalt  }
0x6c: {  	_ =	shalt  }
0x6d: {  	_ =	shalt  }
0x6e: {  	_ =	shalt  }
0x6f: {  	_ =	shalt  }
0x70: {  	_ =	shalt  }
0x71: {  	_ =	shalt  }
0x72: {  	_ =	shalt  }
0x73: {  	_ =	shalt  }
0x74: {  	_ =	shalt  }
0x75: {  	_ =	shalt  }
0x76: {  	_ =	shalt  }
0x77: {  	_ =	shalt  }
0x78: {  	_ =	shalt  }
0x79: {  	_ =	shalt  }
0x7a: {  	_ =	shalt  }
0x7b: {  	_ =	shalt  }
0x7c: {  	_ =	shalt  }
0x7d: {  	_ =	shalt  }
0x7e: {  	_ =	shalt  }
0x7f: {  	_ =	shalt  }
0x80: {  	_ =	shalt  }
0x81: {  	_ =	shalt  }
0x82: {  	_ =	shalt  }
0x83: {  	_ =	shalt  }
0x84: {  	_ =	shalt  }
0x85: {  	_ =	shalt  }
0x86: {  	_ =	shalt  }
0x87: {  	_ =	shalt  }
.Lfunc_end0:
.L_simem_size_0:
called_computation.2_lowered:
.L_overlay_start_0:
0x88: {  	s2 =	sld [smem:$0x3FD9]  }
0x89: {  	s3 =	sld [smem:$0x3FFE];
	_ =	sdelay $0x1  }
0x8a: {  	s1 =	srdreg.scid  }
0x8b: {  	s0 =	sand.u32 $0x1, s1  }
0x8c: {  	s16 =	sshll.u32 s0, $0xA;
	s2 =	sadd.s32 s3, s2  }
0x8d: {  	s2 =	sadd.s32 s2, s16  }
0x8e: {  	[smem:$0x3FB9] =	sst s2  }
0x8f: {  	_ = 	snop  }
0x90: {  	(tm) =	ssettm $0x1  }
0x91: {  	s17 =	sld [smem:$0x3FFB];
	_ =	sdelay $0x3  }
0x92: {  	_ =	strace s17  }
0x93: {  	s2 =	sld [smem:$0x3FFC];
	_ =	sdelay $0x3  }
0x94: {  	_ =	strace s2  }
0x95: {  	s2 =	sld [smem:$0x3FFD];
	_ =	sdelay $0x3  }
0x96: {  	_ =	strace s2  }
0x97: {  	_ =	strace $0x8FFFFFFF  }
0x98: {  	s18 =	sld [smem:$0x3FDB];
	_ =	sdelay $0x1  }
0x99: {  	s19 =	simm.s32 $_scs_section_size  }
0x9a: {  	s4 =	simm.s32 $_size__tile_overlayer_lowered;
	s5 =	simm.s32 $_tile_overlayer_lowered  }
0x9b: {  	s22 =	simm.s32 $0x1BFF;
	s21 =	sshll.u32 s5, $0x1;
	s2 =	sadd.s32 s19, s18  }
0x9c: {  	s6 =	simm.s32 $0x0;
	s20 =	sshll.u32 s4, $0x1;
	s4 =	sadd.s32 s21, s2  }
0x9d: {  	[timem:s6], [sflag:s22] =	dma.local [hbm:s4], s20  }
0x9e: {  	_ =	swait.ge [sflag:s22], s20  }
0x9f: {  	s3 =	ssub.s32 $0x0, s20;
	[sflag:s22] =	ssyncset.done $0x0  }
0xa0: {  	[sflag:s22] =	ssyncadd.s32 s3;
	_ =	sdelay $0x1  }
0xa1: {  	s23 =	simm.s32 $0x1B8B  }
0xa2: {  	_ =	swait.ge [sflag:s23], $0x1  }
0xa3: {  	[sflag:s23] =	ssyncset.done $0x0  }
0xa4: {  	s25 =	simm.s32 $0x1B8E;
	s24 =	sld [smem:$0x3FFE];
	[sflag:s23] =	ssyncadd.s32 $0xFFFFFFFF  }
0xa5: {  	s26 =	simm.s32 $execute0_lowered;
	[smem:$0x3FD2] =	sst s25  }
0xa6: {  	s4 =	sshll.u32 s26, $0x1;
	_ =	strace $0x8000004C;
	[dreg:$0x1] =	wrdreg $0xFFFFFFFF  }
0xa7: {  	s28 =	simm.s32 $_size_execute0_lowered;
	s2 =	sadd.s32 s2, s4;
	[dreg:$0x0] =	wrdreg $0x0  }
0xa8: {  	s4 =	sshll.u32 s28, $0x1;
	[dreg:$0x2] =	wrdreg s2  }
0xa9: {  	[dreg:$0x3] =	wrdreg s4  }
0xaa: {  	[dreg:$0x4] =	wrdreg $0xC0  }
0xab: {  	_ =	task [dreg:s6], $0x5FFFF  }
0xac: {  	[dreg:$0x1] =	wrdreg $0xFFFFFFFF  }
0xad: {  	[dreg:$0x0] =	wrdreg $0x60  }
0xae: {  	[dreg:$0x2] =	wrdreg s24  }
0xaf: {  	[dreg:$0x3] =	wrdreg $0x9  }
0xb0: {  	_ =	task.clear_ibuf [dreg:s6], $0x4FFFF;
	_ =	strace $0x9000004C  }
0xb1: {  	s29 =	simm.s32 $0x9;
	_ =	strace $0x8000004E  }
0xb2: {  	_ =	swait.ge [sflag:s29], $0x1  }
0xb3: {  	[sflag:s29] =	ssyncadd.s32 $0xFFFFFFFF  }
0xb4: {  	_ =	strace $0x9000004E  }
0xb5: {  	_ =	sfence  }
0xb6: {  	s30 =	sld [smem:$0x0];
	_ =	sdelay $0x2  }
0xb7: {  	s31 =	sshll.u32 s1, $0xD;
	s1 =	sshrl.u32 s1, $0x2  }
0xb8: {  	s3 =	sand.u32 $0x4000, s31;
	s1 =	sadd.s32 s1, s30  }
0xb9: {  	s0 =	sor.u32 s3, s0;
	s1 =	sshll.u32 s1, $0x11  }
0xba: {  	s0 =	sor.u32 s1, s0  }
0xbb: {  	s0 =	sadd.s32 $0x8F2B, s0  }
0xbc: {  	[sflag:s0] =	ssyncadd.remote.s32 $0x1  }
0xbd: {  	_ =	sfence.sel $0xFFFF  }
0xbe: {  	[dreg:$0x0] =	wrdreg $0xFFFFFFFF;
	(pc) =	sbr.abs _section_cstart, $3  }
0xbf: {  	[dreg:$0x1] =	wrdreg $0xFFFFFFFF  }
0xc0: {  	_ =	task.clear_ibuf [dreg:s6], $0x2FFFF;
	_ =	strace $0x9FFFFFFF  }
0xc1: {  	(tm) =	ssettm $0x7FFFFFFF  }
tec
execute0_lowered:
.L_overlay_start_1:
0x0: {  	(tag) =	ssettag $0x1  }
0x1: {  	s0 =	rddreg [dreg:$0x0];
	s2 =	simm.s32 $0x0  }
0x2: {  	s1 =	srdreg.scid;
	s3 =	stileid.u32;
	s31 =	simm.s32 $0x8100  }
0x3: {  	s28 =	simm.s32 $0x1;
	s29 =	simm.s32 $0x2;
	[smem:$0x7FF] =	sst s2  }
0x4: {  	s1 =	sand.u32 $0x1, s1;
	s4 =	sshll.u32 s3, $0x7;
	s3 =	sadd.s32 $0x1A4000, s0  }
0x5: {  	s8 =	sadd.s32 $0xA3C00, s0;
	s9 =	sadd.s32 $0xA3E00, s0;
	s10 =	sadd.s32 $0xA4000, s0  }
0x6: {  	s11 =	sadd.s32 $0x124000, s0;
	s5 =	sshll.u32 s1, $0x6;
	s1 =	ssub.s32 $0x2, s1  }
0x7: {  	_ =	strace $0x8000004D;
	s7 =	sor.u32 s5, s4;
	s6 =	sshrl.u32 s1, $0x1  }
0x8: {  	s5 =	sadd.s32 $0x1A4200, s0;
	s4 =	sshrl.u32 s7, $0x3;
	s1 =	ssub.s32 s1, s6  }
0x9: {  	s14 =	sshll.u32 s7, $0x8;
	s12 =	sor.u32 $0x10, s7;
	s13 =	sadd.s32 s8, s4  }
0xa: {  	s20 =	sor.u32 $0x20, s7;
	s4 =	sadd.s32 s9, s4;
	[dreg:$0x2] =	wrdreg s13  }
0xb: {  	s6 =	sadd.s32 $0x1A4300, s0;
	s15 =	sadd.s32 s10, s14;
	[dreg:$0x3] =	wrdreg s4  }
0xc: {  	s16 =	sadd.s32 s11, s14;
	s14 =	sshrl.u32 s20, $0x3;
	[dreg:$0x4] =	wrdreg s15  }
0xd: {  	s24 =	sor.u32 $0x30, s7;
	[dreg:$0x5] =	wrdreg s16;
	s21 =	sadd.s32 s8, s14  }
0xe: {  	s13 =	sshrl.u32 s12, $0x3;
	s22 =	sadd.s32 s9, s14;
	[dreg:$0xa] =	wrdreg s21  }
0xf: {  	s7 =	sadd.s32 $0x1A4400, s0;
	s17 =	sadd.s32 s8, s13;
	[dreg:$0xb] =	wrdreg s22  }
0x10: {  	s12 =	sshll.u32 s12, $0x8;
	s18 =	sadd.s32 s9, s13;
	[dreg:$0x6] =	wrdreg s17  }
0x11: {  	s26 =	sshrl.u32 s24, $0x3;
	s19 =	sadd.s32 s10, s12;
	[dreg:$0x7] =	wrdreg s18  }
0x12: {  	s30 =	sshll.u32 s24, $0x8;
	s12 =	sadd.s32 s11, s12;
	[dreg:$0x8] =	wrdreg s19  }
0x13: {  	s4 =	sadd.s32 $0x1A4100, s0;
	s8 =	sadd.s32 s8, s26;
	[dreg:$0x9] =	wrdreg s12  }
0x14: {  	s13 =	sshll.u32 s20, $0x8;
	s9 =	sadd.s32 s9, s26;
	[dreg:$0xe] =	wrdreg s8  }
0x15: {  	s22 =	simm.s32 $0x100;
	s23 =	sadd.s32 s10, s13;
	[dreg:$0xf] =	wrdreg s9  }
0x16: {  	s25 =	sadd.s32 s11, s13;
	s8 =	sadd.s32 $0x1A4500, s0;
	[dreg:$0xc] =	wrdreg s23  }
0x17: {  	v2 =	vlaneseq.u32;
	s10 =	sadd.s32 s10, s30;
	s9 =	sadd.s32 $0x1A4600, s0;
	[dreg:$0xd] =	wrdreg s25  }
0x18: {  	vm0 =	vmmov $0xffff;
	v1 =	vshrl.u32 v2, $0x3;
	s11 =	sadd.s32 s11, s30;
	s12 =	simm.s32 $0x3;
	[dreg:$0x10] =	wrdreg s10  }
0x19: {  	v0 =	vand.u32 $0x7, v2;
	v2 =	vor.u32 $0x8, v2;
	v1 =	vmul.u32 $0x8, v1;
	s10 =	sadd.s32 $0x1A4700, s0;
	[dreg:$0x11] =	wrdreg s11;
	s11 =	smax.u32 s1, $0x1  }
.LBB2_1:
0x1a: {  	s30 =	rddreg [dreg:$0x2]  }
0x1b: {  	[tilespmem:s2], [sflag:$0x3] =	stream.linear.gather [hbm4b:s30+s2], $0x10, $0x38;
	[tilespmem:$0x10100] =	vst v63  }
0x1c: {  	_ =	swait.ge [sflag:s12], $0x10  }
0x1d: {  	[sflag:s12] =	ssyncset.done $0x0  }
0x1e: {  	s0 =	simm.s32 $0x80;
	s20 =	rddreg [dreg:$0x3];
	[sflag:s12] =	ssyncadd.s32 $0xFFFFFFF0  }
0x1f: {  	[tilespmem:s0], [sflag:$0x3] =	stream.linear.gather [hbm4b:s20+s2], $0x10, $0x38;
	[tilespmem:$0x10100] =	vst v63  }
0x20: {  	_ =	swait.ge [sflag:s12], $0x10  }
0x21: {  	[sflag:s12] =	ssyncset.done $0x0  }
0x22: {  	[sflag:s12] =	ssyncadd.s32 $0xFFFFFFF0  }
0x23: {  	v3 =	vld [tilespmem:$0x0];
	_ =	sdelay $0x4  }
0x24: {  	v4 =	vshll.u32 v3, $0x4  }
0x25: {  	v3 =	vand.u32 $0x7, v3;
	v4 =	vand.u32 $0xFFFFFF80, v4  }
0x26: {  	v3 =	vor.u32 v3, v4  }
0x27: {  	v4 =	vperm.xlane v3, v0;
	_ =	sdelay $0x1  }
0x28: {  	v4 =	vadd.s32 v1, v4;
	_ =	sdelay $0x4  }
0x29: {  	[tilespmem:s22], [sflag:$0x1] =	stream.indirect_vreg.gather [hbm4b:s3+s2], $0x80, v4, vm0, $0xb8;
	[tilespmem:$0x10100] =	vst v63  }
0x2a: {  	s21 =	simm.s32 $0x900  }
0x2b: {  	[tilespmem:s21], [sflag:$0x1] =	stream.indirect_vreg.gather [hbm4b:s4+s2], $0x80, v4, vm0, $0xb8;
	[tilespmem:$0x10100] =	vst v63  }
0x2c: {  	s23 =	simm.s32 $0x1100  }
0x2d: {  	[tilespmem:s23], [sflag:$0x1] =	stream.indirect_vreg.gather [hbm4b:s5+s2], $0x80, v4, vm0, $0xb8;
	[tilespmem:$0x10100] =	vst v63  }
0x2e: {  	s24 =	simm.s32 $0x1900  }
0x2f: {  	[tilespmem:s24], [sflag:$0x1] =	stream.indirect_vreg.gather [hbm4b:s6+s2], $0x80, v4, vm0, $0xb8;
	[tilespmem:$0x10100] =	vst v63  }
0x30: {  	s25 =	simm.s32 $0x2100  }
0x31: {  	[tilespmem:s25], [sflag:$0x1] =	stream.indirect_vreg.gather [hbm4b:s7+s2], $0x80, v4, vm0, $0xb8;
	[tilespmem:$0x10100] =	vst v63  }
0x32: {  	s26 =	simm.s32 $0x2900;
	v3 =	vperm.xlane v3, v2  }
0x33: {  	[tilespmem:s26], [sflag:$0x1] =	stream.indirect_vreg.gather [hbm4b:s8+s2], $0x80, v4, vm0, $0xb8;
	[tilespmem:$0x10100] =	vst v63  }
0x34: {  	s30 =	simm.s32 $0x3100;
	v3 =	vadd.s32 v1, v3  }
0x35: {  	[tilespmem:s30], [sflag:$0x1] =	stream.indirect_vreg.gather [hbm4b:s9+s2], $0x80, v4, vm0, $0xb8;
	[tilespmem:$0x10100] =	vst v63  }
0x36: {  	s13 =	simm.s32 $0x3900  }
0x37: {  	[tilespmem:s13], [sflag:$0x1] =	stream.indirect_vreg.gather [hbm4b:s10+s2], $0x80, v4, vm0, $0xb8;
	[tilespmem:$0x10100] =	vst v63  }
0x38: {  	s16 =	simm.s32 $0x4100  }
0x39: {  	[tilespmem:s16], [sflag:$0x1] =	stream.indirect_vreg.gather [hbm4b:s3+s2], $0x80, v3, vm0, $0xb8;
	[tilespmem:$0x10100] =	vst v63  }
0x3a: {  	s17 =	simm.s32 $0x4900  }
0x3b: {  	[tilespmem:s17], [sflag:$0x1] =	stream.indirect_vreg.gather [hbm4b:s4+s2], $0x80, v3, vm0, $0xb8;
	[tilespmem:$0x10100] =	vst v63  }
0x3c: {  	s18 =	simm.s32 $0x5100  }
0x3d: {  	[tilespmem:s18], [sflag:$0x1] =	stream.indirect_vreg.gather [hbm4b:s5+s2], $0x80, v3, vm0, $0xb8;
	[tilespmem:$0x10100] =	vst v63  }
0x3e: {  	s19 =	simm.s32 $0x5900  }
0x3f: {  	[tilespmem:s19], [sflag:$0x1] =	stream.indirect_vreg.gather [hbm4b:s6+s2], $0x80, v3, vm0, $0xb8;
	[tilespmem:$0x10100] =	vst v63  }
0x40: {  	s20 =	simm.s32 $0x6100  }
0x41: {  	[tilespmem:s20], [sflag:$0x1] =	stream.indirect_vreg.gather [hbm4b:s7+s2], $0x80, v3, vm0, $0xb8;
	[tilespmem:$0x10100] =	vst v63  }
0x42: {  	s21 =	simm.s32 $0x6900  }
0x43: {  	[tilespmem:s21], [sflag:$0x1] =	stream.indirect_vreg.gather [hbm4b:s8+s2], $0x80, v3, vm0, $0xb8;
	[tilespmem:$0x10100] =	vst v63  }
0x44: {  	s23 =	simm.s32 $0x7100  }
0x45: {  	[tilespmem:s23], [sflag:$0x1] =	stream.indirect_vreg.gather [hbm4b:s9+s2], $0x80, v3, vm0, $0xb8;
	[tilespmem:$0x10100] =	vst v63  }
0x46: {  	s24 =	simm.s32 $0x7900  }
0x47: {  	[tilespmem:s24], [sflag:$0x1] =	stream.indirect_vreg.gather [hbm4b:s10+s2], $0x80, v3, vm0, $0xb8;
	[tilespmem:$0x10100] =	vst v63  }
0x48: {  	v3 =	vld [tilespmem:$0x80];
	_ =	sdelay $0x4  }
0x49: {  	v57 =	vshll.u32 v3, $0x4  }
0x4a: {  	v3 =	vand.u32 $0x7, v3;
	v4 =	vand.u32 $0xFFFFFF80, v57  }
0x4b: {  	v3 =	vor.u32 v3, v4  }
0x4c: {  	v4 =	vperm.xlane v3, v0;
	_ =	sdelay $0x1  }
0x4d: {  	v4 =	vadd.s32 v1, v4;
	_ =	sdelay $0x4  }
0x4e: {  	[tilespmem:s31], [sflag:$0x2] =	stream.indirect_vreg.gather [hbm4b:s3+s2], $0x80, v4, vm0, $0xb8;
	[tilespmem:$0x10100] =	vst v63  }
0x4f: {  	s25 =	simm.s32 $0x8900  }
0x50: {  	[tilespmem:s25], [sflag:$0x2] =	stream.indirect_vreg.gather [hbm4b:s4+s2], $0x80, v4, vm0, $0xb8;
	[tilespmem:$0x10100] =	vst v63  }
0x51: {  	s26 =	simm.s32 $0x9100  }
0x52: {  	[tilespmem:s26], [sflag:$0x2] =	stream.indirect_vreg.gather [hbm4b:s5+s2], $0x80, v4, vm0, $0xb8;
	[tilespmem:$0x10100] =	vst v63  }
0x53: {  	s0 =	simm.s32 $0x9900  }
0x54: {  	[tilespmem:s0], [sflag:$0x2] =	stream.indirect_vreg.gather [hbm4b:s6+s2], $0x80, v4, vm0, $0xb8;
	[tilespmem:$0x10100] =	vst v63  }
0x55: {  	s13 =	simm.s32 $0xA100  }
0x56: {  	[tilespmem:s13], [sflag:$0x2] =	stream.indirect_vreg.gather [hbm4b:s7+s2], $0x80, v4, vm0, $0xb8;
	[tilespmem:$0x10100] =	vst v63  }
0x57: {  	s16 =	simm.s32 $0xA900;
	v3 =	vperm.xlane v3, v2  }
0x58: {  	[tilespmem:s16], [sflag:$0x2] =	stream.indirect_vreg.gather [hbm4b:s8+s2], $0x80, v4, vm0, $0xb8;
	[tilespmem:$0x10100] =	vst v63  }
0x59: {  	s17 =	simm.s32 $0xB100;
	v3 =	vadd.s32 v1, v3  }
0x5a: {  	[tilespmem:s17], [sflag:$0x2] =	stream.indirect_vreg.gather [hbm4b:s9+s2], $0x80, v4, vm0, $0xb8;
	[tilespmem:$0x10100] =	vst v63  }
0x5b: {  	s18 =	simm.s32 $0xB900  }
0x5c: {  	[tilespmem:s18], [sflag:$0x2] =	stream.indirect_vreg.gather [hbm4b:s10+s2], $0x80, v4, vm0, $0xb8;
	[tilespmem:$0x10100] =	vst v63  }
0x5d: {  	s19 =	simm.s32 $0xC100  }
0x5e: {  	[tilespmem:s19], [sflag:$0x2] =	stream.indirect_vreg.gather [hbm4b:s3+s2], $0x80, v3, vm0, $0xb8;
	[tilespmem:$0x10100] =	vst v63  }
0x5f: {  	s20 =	simm.s32 $0xC900  }
0x60: {  	[tilespmem:s20], [sflag:$0x2] =	stream.indirect_vreg.gather [hbm4b:s4+s2], $0x80, v3, vm0, $0xb8;
	[tilespmem:$0x10100] =	vst v63  }
0x61: {  	s21 =	simm.s32 $0xD100  }
0x62: {  	[tilespmem:s21], [sflag:$0x2] =	stream.indirect_vreg.gather [hbm4b:s5+s2], $0x80, v3, vm0, $0xb8;
	[tilespmem:$0x10100] =	vst v63  }
0x63: {  	s26 =	simm.s32 $0xD900  }
0x64: {  	[tilespmem:s26], [sflag:$0x2] =	stream.indirect_vreg.gather [hbm4b:s6+s2], $0x80, v3, vm0, $0xb8;
	[tilespmem:$0x10100] =	vst v63  }
0x65: {  	s0 =	simm.s32 $0xE100  }
0x66: {  	[tilespmem:s0], [sflag:$0x2] =	stream.indirect_vreg.gather [hbm4b:s7+s2], $0x80, v3, vm0, $0xb8;
	[tilespmem:$0x10100] =	vst v63  }
0x67: {  	s13 =	simm.s32 $0xE900  }
0x68: {  	[tilespmem:s13], [sflag:$0x2] =	stream.indirect_vreg.gather [hbm4b:s8+s2], $0x80, v3, vm0, $0xb8;
	[tilespmem:$0x10100] =	vst v63  }
0x69: {  	s16 =	simm.s32 $0xF100  }
0x6a: {  	[tilespmem:s16], [sflag:$0x2] =	stream.indirect_vreg.gather [hbm4b:s9+s2], $0x80, v3, vm0, $0xb8;
	[tilespmem:$0x10100] =	vst v63  }
0x6b: {  	s17 =	simm.s32 $0xF900  }
0x6c: {  	[tilespmem:s17], [sflag:$0x2] =	stream.indirect_vreg.gather [hbm4b:s10+s2], $0x80, v3, vm0, $0xb8;
	[tilespmem:$0x10100] =	vst v63  }
0x6d: {  	_ =	swait.ge [sflag:s28], $0x8000  }
0x6e: {  	[sflag:s28] =	ssyncset.done $0x0  }
0x6f: {  	[sflag:s28] =	ssyncadd.s32 $0xFFFF8000  }
0x70: {  	_ =	swait.ge [sflag:s29], $0x8000  }
0x71: {  	[sflag:s29] =	ssyncset.done $0x0  }
0x72: {  	s18 =	rddreg [dreg:$0x4];
	[sflag:s29] =	ssyncadd.s32 $0xFFFF8000  }
0x73: {  	[hbm4b:s18+s2] =	stream.linear.scatter [tilespmem:s22], [sflag:$0x3], $0x8000, $0x38;
	[tilespmem:$0x10100] =	vst v63  }
0x74: {  	_ =	swait.ge [sflag:s12], $0x8000  }
0x75: {  	[sflag:s12] =	ssyncset.done $0x0  }
0x76: {  	s19 =	rddreg [dreg:$0x5];
	[sflag:s12] =	ssyncadd.s32 $0xFFFF8000  }
0x77: {  	[hbm4b:s19+s2] =	stream.linear.scatter [tilespmem:s31], [sflag:$0x3], $0x8000, $0x38;
	[tilespmem:$0x10100] =	vst v63  }
0x78: {  	_ =	swait.ge [sflag:s12], $0x8000  }
0x79: {  	[sflag:s12] =	ssyncset.done $0x0  }
0x7a: {  	s20 =	rddreg [dreg:$0x6];
	[sflag:s12] =	ssyncadd.s32 $0xFFFF8000  }
0x7b: {  	[tilespmem:s2], [sflag:$0x3] =	stream.linear.gather [hbm4b:s20+s2], $0x10, $0x38;
	[tilespmem:$0x10100] =	vst v63  }
0x7c: {  	_ =	swait.ge [sflag:s12], $0x10  }
0x7d: {  	[sflag:s12] =	ssyncset.done $0x0  }
0x7e: {  	s1 =	simm.s32 $0x80;
	s21 =	rddreg [dreg:$0x7];
	[sflag:s12] =	ssyncadd.s32 $0xFFFFFFF0  }
0x7f: {  	[tilespmem:s1], [sflag:$0x3] =	stream.linear.gather [hbm4b:s21+s2], $0x10, $0x38;
	[tilespmem:$0x10100] =	vst v63  }
0x80: {  	_ =	swait.ge [sflag:s12], $0x10  }
0x81: {  	[sflag:s12] =	ssyncset.done $0x0  }
0x82: {  	[sflag:s12] =	ssyncadd.s32 $0xFFFFFFF0  }
0x83: {  	v3 =	vld [tilespmem:$0x0];
	_ =	sdelay $0x4  }
0x84: {  	v58 =	vshll.u32 v3, $0x4  }
0x85: {  	v3 =	vand.u32 $0x7, v3;
	v4 =	vand.u32 $0xFFFFFF80, v58  }
0x86: {  	v3 =	vor.u32 v3, v4  }
0x87: {  	v4 =	vperm.xlane v3, v0;
	_ =	sdelay $0x1  }
0x88: {  	v4 =	vadd.s32 v1, v4;
	_ =	sdelay $0x4  }
0x89: {  	[tilespmem:s22], [sflag:$0x1] =	stream.indirect_vreg.gather [hbm4b:s3+s2], $0x80, v4, vm0, $0xb8;
	[tilespmem:$0x10100] =	vst v63  }
0x8a: {  	s0 =	simm.s32 $0x900  }
0x8b: {  	[tilespmem:s0], [sflag:$0x1] =	stream.indirect_vreg.gather [hbm4b:s4+s2], $0x80, v4, vm0, $0xb8;
	[tilespmem:$0x10100] =	vst v63  }
0x8c: {  	s1 =	simm.s32 $0x1100  }
0x8d: {  	[tilespmem:s1], [sflag:$0x1] =	stream.indirect_vreg.gather [hbm4b:s5+s2], $0x80, v4, vm0, $0xb8;
	[tilespmem:$0x10100] =	vst v63  }
0x8e: {  	s13 =	simm.s32 $0x1900  }
0x8f: {  	[tilespmem:s13], [sflag:$0x1] =	stream.indirect_vreg.gather [hbm4b:s6+s2], $0x80, v4, vm0, $0xb8;
	[tilespmem:$0x10100] =	vst v63  }
0x90: {  	s14 =	simm.s32 $0x2100  }
0x91: {  	[tilespmem:s14], [sflag:$0x1] =	stream.indirect_vreg.gather [hbm4b:s7+s2], $0x80, v4, vm0, $0xb8;
	[tilespmem:$0x10100] =	vst v63  }
0x92: {  	s15 =	simm.s32 $0x2900;
	v3 =	vperm.xlane v3, v2  }
0x93: {  	[tilespmem:s15], [sflag:$0x1] =	stream.indirect_vreg.gather [hbm4b:s8+s2], $0x80, v4, vm0, $0xb8;
	[tilespmem:$0x10100] =	vst v63  }
0x94: {  	v3 =	vadd.s32 v1, v3;
	s14 =	simm.s32 $0x3100  }
0x95: {  	[tilespmem:s14], [sflag:$0x1] =	stream.indirect_vreg.gather [hbm4b:s9+s2], $0x80, v4, vm0, $0xb8;
	[tilespmem:$0x10100] =	vst v63  }
0x96: {  	s15 =	simm.s32 $0x3900  }
0x97: {  	[tilespmem:s15], [sflag:$0x1] =	stream.indirect_vreg.gather [hbm4b:s10+s2], $0x80, v4, vm0, $0xb8;
	[tilespmem:$0x10100] =	vst v63  }
0x98: {  	s16 =	simm.s32 $0x4100  }
0x99: {  	[tilespmem:s16], [sflag:$0x1] =	stream.indirect_vreg.gather [hbm4b:s3+s2], $0x80, v3, vm0, $0xb8;
	[tilespmem:$0x10100] =	vst v63  }
0x9a: {  	s17 =	simm.s32 $0x4900  }
0x9b: {  	[tilespmem:s17], [sflag:$0x1] =	stream.indirect_vreg.gather [hbm4b:s4+s2], $0x80, v3, vm0, $0xb8;
	[tilespmem:$0x10100] =	vst v63  }
0x9c: {  	s18 =	simm.s32 $0x5100  }
0x9d: {  	[tilespmem:s18], [sflag:$0x1] =	stream.indirect_vreg.gather [hbm4b:s5+s2], $0x80, v3, vm0, $0xb8;
	[tilespmem:$0x10100] =	vst v63  }
0x9e: {  	s19 =	simm.s32 $0x5900  }
0x9f: {  	[tilespmem:s19], [sflag:$0x1] =	stream.indirect_vreg.gather [hbm4b:s6+s2], $0x80, v3, vm0, $0xb8;
	[tilespmem:$0x10100] =	vst v63  }
0xa0: {  	s20 =	simm.s32 $0x6100  }
0xa1: {  	[tilespmem:s20], [sflag:$0x1] =	stream.indirect_vreg.gather [hbm4b:s7+s2], $0x80, v3, vm0, $0xb8;
	[tilespmem:$0x10100] =	vst v63  }
0xa2: {  	s21 =	simm.s32 $0x6900  }
0xa3: {  	[tilespmem:s21], [sflag:$0x1] =	stream.indirect_vreg.gather [hbm4b:s8+s2], $0x80, v3, vm0, $0xb8;
	[tilespmem:$0x10100] =	vst v63  }
0xa4: {  	s30 =	simm.s32 $0x7100  }
0xa5: {  	[tilespmem:s30], [sflag:$0x1] =	stream.indirect_vreg.gather [hbm4b:s9+s2], $0x80, v3, vm0, $0xb8;
	[tilespmem:$0x10100] =	vst v63  }
0xa6: {  	s23 =	simm.s32 $0x7900  }
0xa7: {  	[tilespmem:s23], [sflag:$0x1] =	stream.indirect_vreg.gather [hbm4b:s10+s2], $0x80, v3, vm0, $0xb8;
	[tilespmem:$0x10100] =	vst v63  }
0xa8: {  	v3 =	vld [tilespmem:$0x80];
	_ =	sdelay $0x4  }
0xa9: {  	v59 =	vshll.u32 v3, $0x4  }
0xaa: {  	v3 =	vand.u32 $0x7, v3;
	v4 =	vand.u32 $0xFFFFFF80, v59  }
0xab: {  	v3 =	vor.u32 v3, v4  }
0xac: {  	v4 =	vperm.xlane v3, v0;
	_ =	sdelay $0x1  }
0xad: {  	v4 =	vadd.s32 v1, v4;
	_ =	sdelay $0x4  }
0xae: {  	[tilespmem:s31], [sflag:$0x2] =	stream.indirect_vreg.gather [hbm4b:s3+s2], $0x80, v4, vm0, $0xb8;
	[tilespmem:$0x10100] =	vst v63  }
0xaf: {  	s30 =	simm.s32 $0x8900  }
0xb0: {  	[tilespmem:s30], [sflag:$0x2] =	stream.indirect_vreg.gather [hbm4b:s4+s2], $0x80, v4, vm0, $0xb8;
	[tilespmem:$0x10100] =	vst v63  }
0xb1: {  	s30 =	simm.s32 $0x9100  }
0xb2: {  	[tilespmem:s30], [sflag:$0x2] =	stream.indirect_vreg.gather [hbm4b:s5+s2], $0x80, v4, vm0, $0xb8;
	[tilespmem:$0x10100] =	vst v63  }
0xb3: {  	s30 =	simm.s32 $0x9900  }
0xb4: {  	[tilespmem:s30], [sflag:$0x2] =	stream.indirect_vreg.gather [hbm4b:s6+s2], $0x80, v4, vm0, $0xb8;
	[tilespmem:$0x10100] =	vst v63  }
0xb5: {  	s24 =	simm.s32 $0xA100  }
0xb6: {  	[tilespmem:s24], [sflag:$0x2] =	stream.indirect_vreg.gather [hbm4b:s7+s2], $0x80, v4, vm0, $0xb8;
	[tilespmem:$0x10100] =	vst v63  }
0xb7: {  	s25 =	simm.s32 $0xA900;
	v3 =	vperm.xlane v3, v2  }
0xb8: {  	[tilespmem:s25], [sflag:$0x2] =	stream.indirect_vreg.gather [hbm4b:s8+s2], $0x80, v4, vm0, $0xb8;
	[tilespmem:$0x10100] =	vst v63  }
0xb9: {  	v3 =	vadd.s32 v1, v3;
	s30 =	simm.s32 $0xB100  }
0xba: {  	[tilespmem:s30], [sflag:$0x2] =	stream.indirect_vreg.gather [hbm4b:s9+s2], $0x80, v4, vm0, $0xb8;
	[tilespmem:$0x10100] =	vst v63  }
0xbb: {  	s25 =	simm.s32 $0xB900  }
0xbc: {  	[tilespmem:s25], [sflag:$0x2] =	stream.indirect_vreg.gather [hbm4b:s10+s2], $0x80, v4, vm0, $0xb8;
	[tilespmem:$0x10100] =	vst v63  }
0xbd: {  	s30 =	simm.s32 $0xC100  }
0xbe: {  	[tilespmem:s30], [sflag:$0x2] =	stream.indirect_vreg.gather [hbm4b:s3+s2], $0x80, v3, vm0, $0xb8;
	[tilespmem:$0x10100] =	vst v63  }
0xbf: {  	s30 =	simm.s32 $0xC900  }
0xc0: {  	[tilespmem:s30], [sflag:$0x2] =	stream.indirect_vreg.gather [hbm4b:s4+s2], $0x80, v3, vm0, $0xb8;
	[tilespmem:$0x10100] =	vst v63  }
0xc1: {  	s30 =	simm.s32 $0xD100  }
0xc2: {  	[tilespmem:s30], [sflag:$0x2] =	stream.indirect_vreg.gather [hbm4b:s5+s2], $0x80, v3, vm0, $0xb8;
	[tilespmem:$0x10100] =	vst v63  }
0xc3: {  	s30 =	simm.s32 $0xD900  }
0xc4: {  	[tilespmem:s30], [sflag:$0x2] =	stream.indirect_vreg.gather [hbm4b:s6+s2], $0x80, v3, vm0, $0xb8;
	[tilespmem:$0x10100] =	vst v63  }
0xc5: {  	s30 =	simm.s32 $0xE100  }
0xc6: {  	[tilespmem:s30], [sflag:$0x2] =	stream.indirect_vreg.gather [hbm4b:s7+s2], $0x80, v3, vm0, $0xb8;
	[tilespmem:$0x10100] =	vst v63  }
0xc7: {  	s30 =	simm.s32 $0xE900  }
0xc8: {  	[tilespmem:s30], [sflag:$0x2] =	stream.indirect_vreg.gather [hbm4b:s8+s2], $0x80, v3, vm0, $0xb8;
	[tilespmem:$0x10100] =	vst v63  }
0xc9: {  	s30 =	simm.s32 $0xF100  }
0xca: {  	[tilespmem:s30], [sflag:$0x2] =	stream.indirect_vreg.gather [hbm4b:s9+s2], $0x80, v3, vm0, $0xb8;
	[tilespmem:$0x10100] =	vst v63  }
0xcb: {  	s26 =	simm.s32 $0xF900  }
0xcc: {  	[tilespmem:s26], [sflag:$0x2] =	stream.indirect_vreg.gather [hbm4b:s10+s2], $0x80, v3, vm0, $0xb8;
	[tilespmem:$0x10100] =	vst v63  }
0xcd: {  	_ =	swait.ge [sflag:s28], $0x8000  }
0xce: {  	[sflag:s28] =	ssyncset.done $0x0  }
0xcf: {  	[sflag:s28] =	ssyncadd.s32 $0xFFFF8000  }
0xd0: {  	_ =	swait.ge [sflag:s29], $0x8000  }
0xd1: {  	[sflag:s29] =	ssyncset.done $0x0  }
0xd2: {  	s26 =	rddreg [dreg:$0x8];
	[sflag:s29] =	ssyncadd.s32 $0xFFFF8000  }
0xd3: {  	[hbm4b:s26+s2] =	stream.linear.scatter [tilespmem:s22], [sflag:$0x3], $0x8000, $0x38;
	[tilespmem:$0x10100] =	vst v63  }
0xd4: {  	_ =	swait.ge [sflag:s12], $0x8000  }
0xd5: {  	[sflag:s12] =	ssyncset.done $0x0  }
0xd6: {  	s24 =	rddreg [dreg:$0x9];
	[sflag:s12] =	ssyncadd.s32 $0xFFFF8000  }
0xd7: {  	[hbm4b:s24+s2] =	stream.linear.scatter [tilespmem:s31], [sflag:$0x3], $0x8000, $0x38;
	[tilespmem:$0x10100] =	vst v63  }
0xd8: {  	_ =	swait.ge [sflag:s12], $0x8000  }
0xd9: {  	[sflag:s12] =	ssyncset.done $0x0  }
0xda: {  	s26 =	rddreg [dreg:$0xa];
	[sflag:s12] =	ssyncadd.s32 $0xFFFF8000  }
0xdb: {  	[tilespmem:s2], [sflag:$0x3] =	stream.linear.gather [hbm4b:s26+s2], $0x10, $0x38;
	[tilespmem:$0x10100] =	vst v63  }
0xdc: {  	_ =	swait.ge [sflag:s12], $0x10  }
0xdd: {  	[sflag:s12] =	ssyncset.done $0x0  }
0xde: {  	s26 =	simm.s32 $0x80;
	s24 =	rddreg [dreg:$0xb];
	[sflag:s12] =	ssyncadd.s32 $0xFFFFFFF0  }
0xdf: {  	[tilespmem:s26], [sflag:$0x3] =	stream.linear.gather [hbm4b:s24+s2], $0x10, $0x38;
	[tilespmem:$0x10100] =	vst v63  }
0xe0: {  	_ =	swait.ge [sflag:s12], $0x10  }
0xe1: {  	[sflag:s12] =	ssyncset.done $0x0  }
0xe2: {  	[sflag:s12] =	ssyncadd.s32 $0xFFFFFFF0  }
0xe3: {  	v3 =	vld [tilespmem:$0x0];
	_ =	sdelay $0x4  }
0xe4: {  	v60 =	vshll.u32 v3, $0x4  }
0xe5: {  	v3 =	vand.u32 $0x7, v3;
	v4 =	vand.u32 $0xFFFFFF80, v60  }
0xe6: {  	v3 =	vor.u32 v3, v4  }
0xe7: {  	v4 =	vperm.xlane v3, v0;
	_ =	sdelay $0x1  }
0xe8: {  	v4 =	vadd.s32 v1, v4;
	_ =	sdelay $0x4  }
0xe9: {  	[tilespmem:s22], [sflag:$0x1] =	stream.indirect_vreg.gather [hbm4b:s3+s2], $0x80, v4, vm0, $0xb8;
	[tilespmem:$0x10100] =	vst v63  }
0xea: {  	_ = 	snop  }
0xeb: {  	[tilespmem:s0], [sflag:$0x1] =	stream.indirect_vreg.gather [hbm4b:s4+s2], $0x80, v4, vm0, $0xb8;
	[tilespmem:$0x10100] =	vst v63  }
0xec: {  	_ = 	snop  }
0xed: {  	[tilespmem:s1], [sflag:$0x1] =	stream.indirect_vreg.gather [hbm4b:s5+s2], $0x80, v4, vm0, $0xb8;
	[tilespmem:$0x10100] =	vst v63  }
0xee: {  	_ = 	snop  }
0xef: {  	[tilespmem:s13], [sflag:$0x1] =	stream.indirect_vreg.gather [hbm4b:s6+s2], $0x80, v4, vm0, $0xb8;
	[tilespmem:$0x10100] =	vst v63  }
0xf0: {  	s0 =	simm.s32 $0x2100  }
0xf1: {  	[tilespmem:s0], [sflag:$0x1] =	stream.indirect_vreg.gather [hbm4b:s7+s2], $0x80, v4, vm0, $0xb8;
	[tilespmem:$0x10100] =	vst v63  }
0xf2: {  	s26 =	simm.s32 $0x2900;
	v3 =	vperm.xlane v3, v2  }
0xf3: {  	[tilespmem:s26], [sflag:$0x1] =	stream.indirect_vreg.gather [hbm4b:s8+s2], $0x80, v4, vm0, $0xb8;
	[tilespmem:$0x10100] =	vst v63  }
0xf4: {  	v3 =	vadd.s32 v1, v3  }
0xf5: {  	[tilespmem:s14], [sflag:$0x1] =	stream.indirect_vreg.gather [hbm4b:s9+s2], $0x80, v4, vm0, $0xb8;
	[tilespmem:$0x10100] =	vst v63  }
0xf6: {  	_ = 	snop  }
0xf7: {  	[tilespmem:s15], [sflag:$0x1] =	stream.indirect_vreg.gather [hbm4b:s10+s2], $0x80, v4, vm0, $0xb8;
	[tilespmem:$0x10100] =	vst v63  }
0xf8: {  	_ = 	snop  }
0xf9: {  	[tilespmem:s16], [sflag:$0x1] =	stream.indirect_vreg.gather [hbm4b:s3+s2], $0x80, v3, vm0, $0xb8;
	[tilespmem:$0x10100] =	vst v63  }
0xfa: {  	_ = 	snop  }
0xfb: {  	[tilespmem:s17], [sflag:$0x1] =	stream.indirect_vreg.gather [hbm4b:s4+s2], $0x80, v3, vm0, $0xb8;
	[tilespmem:$0x10100] =	vst v63  }
0xfc: {  	_ = 	snop  }
0xfd: {  	[tilespmem:s18], [sflag:$0x1] =	stream.indirect_vreg.gather [hbm4b:s5+s2], $0x80, v3, vm0, $0xb8;
	[tilespmem:$0x10100] =	vst v63  }
0xfe: {  	_ = 	snop  }
0xff: {  	[tilespmem:s19], [sflag:$0x1] =	stream.indirect_vreg.gather [hbm4b:s6+s2], $0x80, v3, vm0, $0xb8;
	[tilespmem:$0x10100] =	vst v63  }
0x100: {  	_ = 	snop  }
0x101: {  	[tilespmem:s20], [sflag:$0x1] =	stream.indirect_vreg.gather [hbm4b:s7+s2], $0x80, v3, vm0, $0xb8;
	[tilespmem:$0x10100] =	vst v63  }
0x102: {  	_ = 	snop  }
0x103: {  	[tilespmem:s21], [sflag:$0x1] =	stream.indirect_vreg.gather [hbm4b:s8+s2], $0x80, v3, vm0, $0xb8;
	[tilespmem:$0x10100] =	vst v63  }
0x104: {  	s30 =	simm.s32 $0x7100  }
0x105: {  	[tilespmem:s30], [sflag:$0x1] =	stream.indirect_vreg.gather [hbm4b:s9+s2], $0x80, v3, vm0, $0xb8;
	[tilespmem:$0x10100] =	vst v63  }
0x106: {  	s0 =	simm.s32 $0x7900  }
0x107: {  	[tilespmem:s0], [sflag:$0x1] =	stream.indirect_vreg.gather [hbm4b:s10+s2], $0x80, v3, vm0, $0xb8;
	[tilespmem:$0x10100] =	vst v63  }
0x108: {  	v3 =	vld [tilespmem:$0x80];
	_ =	sdelay $0x4  }
0x109: {  	v61 =	vshll.u32 v3, $0x4  }
0x10a: {  	v3 =	vand.u32 $0x7, v3;
	v4 =	vand.u32 $0xFFFFFF80, v61  }
0x10b: {  	v3 =	vor.u32 v3, v4  }
0x10c: {  	v4 =	vperm.xlane v3, v0;
	_ =	sdelay $0x1  }
0x10d: {  	v4 =	vadd.s32 v1, v4;
	_ =	sdelay $0x4  }
0x10e: {  	[tilespmem:s31], [sflag:$0x2] =	stream.indirect_vreg.gather [hbm4b:s3+s2], $0x80, v4, vm0, $0xb8;
	[tilespmem:$0x10100] =	vst v63  }
0x10f: {  	s23 =	simm.s32 $0x8900  }
0x110: {  	[tilespmem:s23], [sflag:$0x2] =	stream.indirect_vreg.gather [hbm4b:s4+s2], $0x80, v4, vm0, $0xb8;
	[tilespmem:$0x10100] =	vst v63  }
0x111: {  	s24 =	simm.s32 $0x9100  }
0x112: {  	[tilespmem:s24], [sflag:$0x2] =	stream.indirect_vreg.gather [hbm4b:s5+s2], $0x80, v4, vm0, $0xb8;
	[tilespmem:$0x10100] =	vst v63  }
0x113: {  	s30 =	simm.s32 $0x9900  }
0x114: {  	[tilespmem:s30], [sflag:$0x2] =	stream.indirect_vreg.gather [hbm4b:s6+s2], $0x80, v4, vm0, $0xb8;
	[tilespmem:$0x10100] =	vst v63  }
0x115: {  	s0 =	simm.s32 $0xA100  }
0x116: {  	[tilespmem:s0], [sflag:$0x2] =	stream.indirect_vreg.gather [hbm4b:s7+s2], $0x80, v4, vm0, $0xb8;
	[tilespmem:$0x10100] =	vst v63  }
0x117: {  	v3 =	vperm.xlane v3, v2;
	s0 =	simm.s32 $0xA900  }
0x118: {  	[tilespmem:s0], [sflag:$0x2] =	stream.indirect_vreg.gather [hbm4b:s8+s2], $0x80, v4, vm0, $0xb8;
	[tilespmem:$0x10100] =	vst v63  }
0x119: {  	v3 =	vadd.s32 v1, v3;
	s0 =	simm.s32 $0xB100  }
0x11a: {  	[tilespmem:s0], [sflag:$0x2] =	stream.indirect_vreg.gather [hbm4b:s9+s2], $0x80, v4, vm0, $0xb8;
	[tilespmem:$0x10100] =	vst v63  }
0x11b: {  	s25 =	simm.s32 $0xB900  }
0x11c: {  	[tilespmem:s25], [sflag:$0x2] =	stream.indirect_vreg.gather [hbm4b:s10+s2], $0x80, v4, vm0, $0xb8;
	[tilespmem:$0x10100] =	vst v63  }
0x11d: {  	s0 =	simm.s32 $0xC100  }
0x11e: {  	[tilespmem:s0], [sflag:$0x2] =	stream.indirect_vreg.gather [hbm4b:s3+s2], $0x80, v3, vm0, $0xb8;
	[tilespmem:$0x10100] =	vst v63  }
0x11f: {  	s0 =	simm.s32 $0xC900  }
0x120: {  	[tilespmem:s0], [sflag:$0x2] =	stream.indirect_vreg.gather [hbm4b:s4+s2], $0x80, v3, vm0, $0xb8;
	[tilespmem:$0x10100] =	vst v63  }
0x121: {  	s0 =	simm.s32 $0xD100  }
0x122: {  	[tilespmem:s0], [sflag:$0x2] =	stream.indirect_vreg.gather [hbm4b:s5+s2], $0x80, v3, vm0, $0xb8;
	[tilespmem:$0x10100] =	vst v63  }
0x123: {  	s0 =	simm.s32 $0xD900  }
0x124: {  	[tilespmem:s0], [sflag:$0x2] =	stream.indirect_vreg.gather [hbm4b:s6+s2], $0x80, v3, vm0, $0xb8;
	[tilespmem:$0x10100] =	vst v63  }
0x125: {  	s0 =	simm.s32 $0xE100  }
0x126: {  	[tilespmem:s0], [sflag:$0x2] =	stream.indirect_vreg.gather [hbm4b:s7+s2], $0x80, v3, vm0, $0xb8;
	[tilespmem:$0x10100] =	vst v63  }
0x127: {  	s0 =	simm.s32 $0xE900  }
0x128: {  	[tilespmem:s0], [sflag:$0x2] =	stream.indirect_vreg.gather [hbm4b:s8+s2], $0x80, v3, vm0, $0xb8;
	[tilespmem:$0x10100] =	vst v63  }
0x129: {  	s0 =	simm.s32 $0xF100  }
0x12a: {  	[tilespmem:s0], [sflag:$0x2] =	stream.indirect_vreg.gather [hbm4b:s9+s2], $0x80, v3, vm0, $0xb8;
	[tilespmem:$0x10100] =	vst v63  }
0x12b: {  	s0 =	simm.s32 $0xF900  }
0x12c: {  	[tilespmem:s0], [sflag:$0x2] =	stream.indirect_vreg.gather [hbm4b:s10+s2], $0x80, v3, vm0, $0xb8;
	[tilespmem:$0x10100] =	vst v63  }
0x12d: {  	_ =	swait.ge [sflag:s28], $0x8000  }
0x12e: {  	[sflag:s28] =	ssyncset.done $0x0  }
0x12f: {  	[sflag:s28] =	ssyncadd.s32 $0xFFFF8000  }
0x130: {  	_ =	swait.ge [sflag:s29], $0x8000  }
0x131: {  	[sflag:s29] =	ssyncset.done $0x0  }
0x132: {  	s0 =	rddreg [dreg:$0xc];
	[sflag:s29] =	ssyncadd.s32 $0xFFFF8000  }
0x133: {  	[hbm4b:s0+s2] =	stream.linear.scatter [tilespmem:s22], [sflag:$0x3], $0x8000, $0x38;
	[tilespmem:$0x10100] =	vst v63  }
0x134: {  	_ =	swait.ge [sflag:s12], $0x8000  }
0x135: {  	[sflag:s12] =	ssyncset.done $0x0  }
0x136: {  	s0 =	rddreg [dreg:$0xd];
	[sflag:s12] =	ssyncadd.s32 $0xFFFF8000  }
0x137: {  	[hbm4b:s0+s2] =	stream.linear.scatter [tilespmem:s31], [sflag:$0x3], $0x8000, $0x38;
	[tilespmem:$0x10100] =	vst v63  }
0x138: {  	_ =	swait.ge [sflag:s12], $0x8000  }
0x139: {  	[sflag:s12] =	ssyncset.done $0x0  }
0x13a: {  	s0 =	rddreg [dreg:$0xe];
	[sflag:s12] =	ssyncadd.s32 $0xFFFF8000  }
0x13b: {  	[tilespmem:s2], [sflag:$0x3] =	stream.linear.gather [hbm4b:s0+s2], $0x10, $0x38;
	[tilespmem:$0x10100] =	vst v63  }
0x13c: {  	_ =	swait.ge [sflag:s12], $0x10  }
0x13d: {  	[sflag:s12] =	ssyncset.done $0x0  }
0x13e: {  	s0 =	simm.s32 $0x80;
	s30 =	rddreg [dreg:$0xf];
	[sflag:s12] =	ssyncadd.s32 $0xFFFFFFF0  }
0x13f: {  	[tilespmem:s0], [sflag:$0x3] =	stream.linear.gather [hbm4b:s30+s2], $0x10, $0x38;
	[tilespmem:$0x10100] =	vst v63  }
0x140: {  	_ =	swait.ge [sflag:s12], $0x10  }
0x141: {  	[sflag:s12] =	ssyncset.done $0x0  }
0x142: {  	[sflag:s12] =	ssyncadd.s32 $0xFFFFFFF0  }
0x143: {  	v3 =	vld [tilespmem:$0x0];
	_ =	sdelay $0x4  }
0x144: {  	v62 =	vshll.u32 v3, $0x4  }
0x145: {  	v3 =	vand.u32 $0x7, v3;
	v4 =	vand.u32 $0xFFFFFF80, v62  }
0x146: {  	v3 =	vor.u32 v3, v4  }
0x147: {  	v4 =	vperm.xlane v3, v0;
	_ =	sdelay $0x1  }
0x148: {  	v4 =	vadd.s32 v1, v4;
	_ =	sdelay $0x4  }
0x149: {  	[tilespmem:s22], [sflag:$0x1] =	stream.indirect_vreg.gather [hbm4b:s3+s2], $0x80, v4, vm0, $0xb8;
	[tilespmem:$0x10100] =	vst v63  }
0x14a: {  	s30 =	simm.s32 $0x900  }
0x14b: {  	[tilespmem:s30], [sflag:$0x1] =	stream.indirect_vreg.gather [hbm4b:s4+s2], $0x80, v4, vm0, $0xb8;
	[tilespmem:$0x10100] =	vst v63  }
0x14c: {  	s1 =	simm.s32 $0x1100  }
0x14d: {  	[tilespmem:s1], [sflag:$0x1] =	stream.indirect_vreg.gather [hbm4b:s5+s2], $0x80, v4, vm0, $0xb8;
	[tilespmem:$0x10100] =	vst v63  }
0x14e: {  	s13 =	simm.s32 $0x1900  }
0x14f: {  	[tilespmem:s13], [sflag:$0x1] =	stream.indirect_vreg.gather [hbm4b:s6+s2], $0x80, v4, vm0, $0xb8;
	[tilespmem:$0x10100] =	vst v63  }
0x150: {  	s1 =	simm.s32 $0x2100  }
0x151: {  	[tilespmem:s1], [sflag:$0x1] =	stream.indirect_vreg.gather [hbm4b:s7+s2], $0x80, v4, vm0, $0xb8;
	[tilespmem:$0x10100] =	vst v63  }
0x152: {  	v3 =	vperm.xlane v3, v2;
	s13 =	simm.s32 $0x2900  }
0x153: {  	[tilespmem:s13], [sflag:$0x1] =	stream.indirect_vreg.gather [hbm4b:s8+s2], $0x80, v4, vm0, $0xb8;
	[tilespmem:$0x10100] =	vst v63  }
0x154: {  	s14 =	simm.s32 $0x3100;
	v3 =	vadd.s32 v1, v3  }
0x155: {  	[tilespmem:s14], [sflag:$0x1] =	stream.indirect_vreg.gather [hbm4b:s9+s2], $0x80, v4, vm0, $0xb8;
	[tilespmem:$0x10100] =	vst v63  }
0x156: {  	s15 =	simm.s32 $0x3900  }
0x157: {  	[tilespmem:s15], [sflag:$0x1] =	stream.indirect_vreg.gather [hbm4b:s10+s2], $0x80, v4, vm0, $0xb8;
	[tilespmem:$0x10100] =	vst v63  }
0x158: {  	s16 =	simm.s32 $0x4100  }
0x159: {  	[tilespmem:s16], [sflag:$0x1] =	stream.indirect_vreg.gather [hbm4b:s3+s2], $0x80, v3, vm0, $0xb8;
	[tilespmem:$0x10100] =	vst v63  }
0x15a: {  	s17 =	simm.s32 $0x4900  }
0x15b: {  	[tilespmem:s17], [sflag:$0x1] =	stream.indirect_vreg.gather [hbm4b:s4+s2], $0x80, v3, vm0, $0xb8;
	[tilespmem:$0x10100] =	vst v63  }
0x15c: {  	s18 =	simm.s32 $0x5100  }
0x15d: {  	[tilespmem:s18], [sflag:$0x1] =	stream.indirect_vreg.gather [hbm4b:s5+s2], $0x80, v3, vm0, $0xb8;
	[tilespmem:$0x10100] =	vst v63  }
0x15e: {  	s19 =	simm.s32 $0x5900  }
0x15f: {  	[tilespmem:s19], [sflag:$0x1] =	stream.indirect_vreg.gather [hbm4b:s6+s2], $0x80, v3, vm0, $0xb8;
	[tilespmem:$0x10100] =	vst v63  }
0x160: {  	s20 =	simm.s32 $0x6100  }
0x161: {  	[tilespmem:s20], [sflag:$0x1] =	stream.indirect_vreg.gather [hbm4b:s7+s2], $0x80, v3, vm0, $0xb8;
	[tilespmem:$0x10100] =	vst v63  }
0x162: {  	s21 =	simm.s32 $0x6900  }
0x163: {  	[tilespmem:s21], [sflag:$0x1] =	stream.indirect_vreg.gather [hbm4b:s8+s2], $0x80, v3, vm0, $0xb8;
	[tilespmem:$0x10100] =	vst v63  }
0x164: {  	s30 =	simm.s32 $0x7100  }
0x165: {  	[tilespmem:s30], [sflag:$0x1] =	stream.indirect_vreg.gather [hbm4b:s9+s2], $0x80, v3, vm0, $0xb8;
	[tilespmem:$0x10100] =	vst v63  }
0x166: {  	s1 =	simm.s32 $0x7900  }
0x167: {  	[tilespmem:s1], [sflag:$0x1] =	stream.indirect_vreg.gather [hbm4b:s10+s2], $0x80, v3, vm0, $0xb8;
	[tilespmem:$0x10100] =	vst v63  }
0x168: {  	v3 =	vld [tilespmem:$0x80];
	_ =	sdelay $0x4  }
0x169: {  	v63 =	vshll.u32 v3, $0x4  }
0x16a: {  	v3 =	vand.u32 $0x7, v3;
	v4 =	vand.u32 $0xFFFFFF80, v63  }
0x16b: {  	v3 =	vor.u32 v3, v4  }
0x16c: {  	v4 =	vperm.xlane v3, v0;
	_ =	sdelay $0x1  }
0x16d: {  	v4 =	vadd.s32 v1, v4;
	_ =	sdelay $0x4  }
0x16e: {  	[tilespmem:s31], [sflag:$0x2] =	stream.indirect_vreg.gather [hbm4b:s3+s2], $0x80, v4, vm0, $0xb8;
	[tilespmem:$0x10100] =	vst v63  }
0x16f: {  	s26 =	simm.s32 $0x8900  }
0x170: {  	[tilespmem:s26], [sflag:$0x2] =	stream.indirect_vreg.gather [hbm4b:s4+s2], $0x80, v4, vm0, $0xb8;
	[tilespmem:$0x10100] =	vst v63  }
0x171: {  	s23 =	simm.s32 $0x9100  }
0x172: {  	[tilespmem:s23], [sflag:$0x2] =	stream.indirect_vreg.gather [hbm4b:s5+s2], $0x80, v4, vm0, $0xb8;
	[tilespmem:$0x10100] =	vst v63  }
0x173: {  	s24 =	simm.s32 $0x9900  }
0x174: {  	[tilespmem:s24], [sflag:$0x2] =	stream.indirect_vreg.gather [hbm4b:s6+s2], $0x80, v4, vm0, $0xb8;
	[tilespmem:$0x10100] =	vst v63  }
0x175: {  	s13 =	simm.s32 $0xA100  }
0x176: {  	[tilespmem:s13], [sflag:$0x2] =	stream.indirect_vreg.gather [hbm4b:s7+s2], $0x80, v4, vm0, $0xb8;
	[tilespmem:$0x10100] =	vst v63  }
0x177: {  	s14 =	simm.s32 $0xA900;
	v3 =	vperm.xlane v3, v2  }
0x178: {  	[tilespmem:s14], [sflag:$0x2] =	stream.indirect_vreg.gather [hbm4b:s8+s2], $0x80, v4, vm0, $0xb8;
	[tilespmem:$0x10100] =	vst v63  }
0x179: {  	s15 =	simm.s32 $0xB100;
	v3 =	vadd.s32 v1, v3  }
0x17a: {  	[tilespmem:s15], [sflag:$0x2] =	stream.indirect_vreg.gather [hbm4b:s9+s2], $0x80, v4, vm0, $0xb8;
	[tilespmem:$0x10100] =	vst v63  }
0x17b: {  	s25 =	simm.s32 $0xB900  }
0x17c: {  	[tilespmem:s25], [sflag:$0x2] =	stream.indirect_vreg.gather [hbm4b:s10+s2], $0x80, v4, vm0, $0xb8;
	[tilespmem:$0x10100] =	vst v63  }
0x17d: {  	s16 =	simm.s32 $0xC100  }
0x17e: {  	[tilespmem:s16], [sflag:$0x2] =	stream.indirect_vreg.gather [hbm4b:s3+s2], $0x80, v3, vm0, $0xb8;
	[tilespmem:$0x10100] =	vst v63  }
0x17f: {  	s17 =	simm.s32 $0xC900  }
0x180: {  	[tilespmem:s17], [sflag:$0x2] =	stream.indirect_vreg.gather [hbm4b:s4+s2], $0x80, v3, vm0, $0xb8;
	[tilespmem:$0x10100] =	vst v63  }
0x181: {  	s18 =	simm.s32 $0xD100  }
0x182: {  	[tilespmem:s18], [sflag:$0x2] =	stream.indirect_vreg.gather [hbm4b:s5+s2], $0x80, v3, vm0, $0xb8;
	[tilespmem:$0x10100] =	vst v63  }
0x183: {  	s19 =	simm.s32 $0xD900  }
0x184: {  	[tilespmem:s19], [sflag:$0x2] =	stream.indirect_vreg.gather [hbm4b:s6+s2], $0x80, v3, vm0, $0xb8;
	[tilespmem:$0x10100] =	vst v63  }
0x185: {  	s20 =	simm.s32 $0xE100  }
0x186: {  	[tilespmem:s20], [sflag:$0x2] =	stream.indirect_vreg.gather [hbm4b:s7+s2], $0x80, v3, vm0, $0xb8;
	[tilespmem:$0x10100] =	vst v63  }
0x187: {  	s21 =	simm.s32 $0xE900  }
0x188: {  	[tilespmem:s21], [sflag:$0x2] =	stream.indirect_vreg.gather [hbm4b:s8+s2], $0x80, v3, vm0, $0xb8;
	[tilespmem:$0x10100] =	vst v63  }
0x189: {  	s23 =	simm.s32 $0xF100  }
0x18a: {  	[tilespmem:s23], [sflag:$0x2] =	stream.indirect_vreg.gather [hbm4b:s9+s2], $0x80, v3, vm0, $0xb8;
	[tilespmem:$0x10100] =	vst v63  }
0x18b: {  	s24 =	simm.s32 $0xF900  }
0x18c: {  	[tilespmem:s24], [sflag:$0x2] =	stream.indirect_vreg.gather [hbm4b:s10+s2], $0x80, v3, vm0, $0xb8;
	[tilespmem:$0x10100] =	vst v63  }
0x18d: {  	_ =	swait.ge [sflag:s28], $0x8000  }
0x18e: {  	[sflag:s28] =	ssyncset.done $0x0  }
0x18f: {  	[sflag:s28] =	ssyncadd.s32 $0xFFFF8000  }
0x190: {  	_ =	swait.ge [sflag:s29], $0x8000  }
0x191: {  	[sflag:s29] =	ssyncset.done $0x0  }
0x192: {  	s25 =	rddreg [dreg:$0x10];
	[sflag:s29] =	ssyncadd.s32 $0xFFFF8000  }
0x193: {  	[hbm4b:s25+s2] =	stream.linear.scatter [tilespmem:s22], [sflag:$0x3], $0x8000, $0x38;
	[tilespmem:$0x10100] =	vst v63  }
0x194: {  	_ =	swait.ge [sflag:s12], $0x8000  }
0x195: {  	p0 =	sne.s32 s11, $0x1;
	[sflag:s12] =	ssyncset.done $0x0  }
.Ltmp0:
0x196: {  	s26 =	rddreg [dreg:$0x11];
	[sflag:s12] =	ssyncadd.s32 $0xFFFF8000;
	(pc) =	sbr.rel @p0 .LBB2_1-.Ltmp0, $4  }
0x197: {  	[hbm4b:s26+s2] =	stream.linear.scatter [tilespmem:s31], [sflag:$0x3], $0x8000, $0x38;
	[tilespmem:$0x10100] =	vst v63  }
0x198: {  	_ =	swait.ge [sflag:s12], $0x8000  }
0x199: {  	[sflag:s12] =	ssyncset.done $0x0  }
0x19a: {  	s11 =	sadd.s32 $0xFFFFFFFF, s11;
	[sflag:s12] =	ssyncadd.s32 $0xFFFF8000  }
0x19b: {  	_ =	sfence.sel $0x180000  }
0x19c: {  	[bflag:$0x0] =	sbarrier.arrive $0xFFFF  }
0x19d: {  	_ =	strace $0x9000004D  }
0x19e: {  	s0 =	stileid.u32;
	[bflag:$0x2] =	sbarrier.arrive $0xFFFF  }
0x19f: {  	p0 =	sne.s32 s0, $0x0;
	s0 =	rddreg [dreg:$0x1]  }
0x1a0: {  	s0 =	sadd.s32 @!p0 $0x100000, s0  }
0x1a1: {  	[sflag:s0] =	ssyncadd.tile.s32 @!p0 $0x1;
	_ =	shalt  }
.Lfunc_end2:
_tile_overlayer_lowered:
.L_overlay_start_2:
0x1a2: {  	(tag) =	ssettag $0x2  }
0x1a3: {  	s0 =	rddreg [dreg:$0x0];
	s2 =	stileid.u32  }
0x1a4: {  	s1 =	rddreg [dreg:$0x1];
	p0 =	sne.s32 s2, $0x0  }
0x1a5: {  	s3 =	rddreg [dreg:$0x2];
	[bflag:$0x3] =	sbarrier.arrive $0xFFFF;
	s2 =	simm.s32 @!p0 $0x1C03  }
0x1a6: {  	[timem:s3], [sflag:s2] =	dma.local @!p0 [hbm:s0], s1  }
0x1a7: {  	s0 =	simm.s32 @!p0 $0x3  }
0x1a8: {  	_ =	swait.ge @!p0 [sflag:s0], s1  }
0x1a9: {  	s1 =	ssub.s32 @!p0 $0x0, s1;
	[sflag:s0] =	ssyncset.done @!p0 $0x0  }
0x1aa: {  	[sflag:s0] =	ssyncadd.s32 @!p0 s1  }
0x1ab: {  	[bflag:$0x3] =	sbarrier.arrive $0xFFFF  }
0x1ac: {  	_ =	shalt  }

// kernel: sparse-core-data-format-call.cloned.1.call-start
scs
called_computation_lowered:
.L_overlay_start_0:
0x0: {  	s1 =	sld [smem:$0x3FD9]  }
0x1: {  	s2 =	sld [smem:$0x3FFE];
	_ =	sdelay $0x1  }
0x2: {  	s3 =	srdreg.scid  }
0x3: {  	s0 =	sand.u32 $0x1, s3  }
0x4: {  	s17 =	sshll.u32 s0, $0xA;
	s1 =	sadd.s32 s2, s1  }
0x5: {  	s1 =	sadd.s32 s1, s17  }
0x6: {  	[smem:$0x3FB9] =	sst s1  }
0x7: {  	_ = 	snop  }
0x8: {  	(tm) =	ssettm $0x1  }
0x9: {  	s18 =	sld [smem:$0x3FFB];
	_ =	sdelay $0x3  }
0xa: {  	_ =	strace s18  }
0xb: {  	s1 =	sld [smem:$0x3FFC];
	_ =	sdelay $0x3  }
0xc: {  	_ =	strace s1  }
0xd: {  	s1 =	sld [smem:$0x3FFD];
	_ =	sdelay $0x3  }
0xe: {  	_ =	strace s1  }
0xf: {  	_ =	strace $0x8FFFFFFF  }
0x10: {  	s19 =	sld [smem:$0x3FDB];
	_ =	sdelay $0x1  }
0x11: {  	s20 =	simm.s32 $_scs_section_size  }
0x12: {  	s4 =	simm.s32 $_size__tile_overlayer_lowered;
	s5 =	simm.s32 $_tile_overlayer_lowered  }
0x13: {  	s23 =	simm.s32 $0x1BFF;
	s22 =	sshll.u32 s5, $0x1;
	s1 =	sadd.s32 s20, s19  }
0x14: {  	s6 =	simm.s32 $0x0;
	s21 =	sshll.u32 s4, $0x1;
	s4 =	sadd.s32 s22, s1  }
0x15: {  	[timem:s6], [sflag:s23] =	dma.local [hbm:s4], s21  }
0x16: {  	_ =	swait.ge [sflag:s23], s21  }
0x17: {  	s2 =	ssub.s32 $0x0, s21;
	[sflag:s23] =	ssyncset.done $0x0  }
0x18: {  	[sflag:s23] =	ssyncadd.s32 s2;
	_ =	sdelay $0x1  }
0x19: {  	s24 =	simm.s32 $0x1B8B  }
0x1a: {  	_ =	swait.ge [sflag:s24], $0x1  }
0x1b: {  	[sflag:s24] =	ssyncset.done $0x0  }
0x1c: {  	s26 =	simm.s32 $0x1B8E;
	s25 =	sld [smem:$0x3FFE];
	[sflag:s24] =	ssyncadd.s32 $0xFFFFFFFF  }
0x1d: {  	s27 =	simm.s32 $execute0_lowered;
	[smem:$0x3FD2] =	sst s26  }
0x1e: {  	s4 =	sshll.u32 s27, $0x1;
	_ =	strace $0x80000049;
	[dreg:$0x1] =	wrdreg $0xFFFFFFFF  }
0x1f: {  	s28 =	simm.s32 $_size_execute0_lowered;
	s1 =	sadd.s32 s1, s4;
	[dreg:$0x0] =	wrdreg $0x0  }
0x20: {  	s4 =	sshll.u32 s28, $0x1;
	[dreg:$0x2] =	wrdreg s1  }
0x21: {  	[dreg:$0x3] =	wrdreg s4  }
0x22: {  	[dreg:$0x4] =	wrdreg $0xC0  }
0x23: {  	_ =	task [dreg:s6], $0x5FFFF  }
0x24: {  	[dreg:$0x1] =	wrdreg $0xFFFFFFFF  }
0x25: {  	[dreg:$0x0] =	wrdreg $0x60  }
0x26: {  	[dreg:$0x2] =	wrdreg s25  }
0x27: {  	[dreg:$0x3] =	wrdreg $0x9  }
0x28: {  	_ =	task.clear_ibuf [dreg:s6], $0x4FFFF;
	_ =	strace $0x90000049  }
0x29: {  	s29 =	simm.s32 $0x9;
	_ =	strace $0x8000004B  }
0x2a: {  	_ =	swait.ge [sflag:s29], $0x1  }
0x2b: {  	[sflag:s29] =	ssyncadd.s32 $0xFFFFFFFF  }
0x2c: {  	_ =	strace $0x9000004B  }
0x2d: {  	_ =	sfence  }
0x2e: {  	s30 =	sld [smem:$0x0];
	_ =	sdelay $0x2  }
0x2f: {  	s31 =	sshll.u32 s3, $0xD;
	s3 =	sshrl.u32 s3, $0x2  }
0x30: {  	s2 =	sand.u32 $0x4000, s31;
	s1 =	sadd.s32 s3, s30  }
0x31: {  	s0 =	sor.u32 s2, s0;
	s1 =	sshll.u32 s1, $0x11  }
0x32: {  	s0 =	sor.u32 s1, s0  }
0x33: {  	s0 =	sadd.s32 $0x8F2B, s0  }
0x34: {  	[sflag:s0] =	ssyncadd.remote.s32 $0x1  }
0x35: {  	_ =	sfence.sel $0xFFFF  }
0x36: {  	[dreg:$0x0] =	wrdreg $0xFFFFFFFF;
	(pc) =	sbr.abs _section_cstart, $3  }
0x37: {  	[dreg:$0x1] =	wrdreg $0xFFFFFFFF  }
0x38: {  	_ =	task.clear_ibuf [dreg:s6], $0x2FFFF;
	_ =	strace $0x9FFFFFFF  }
0x39: {  	(tm) =	ssettm $0x7FFFFFFF  }
tec
execute0_lowered:
.L_overlay_start_1:
0x0: {  	(tag) =	ssettag $0x1  }
0x1: {  	s7 =	rddreg [dreg:$0x0]  }
0x2: {  	s1 =	stileid.u32;
	s3 =	srdreg.scid  }
0x3: {  	s0 =	rddreg [dreg:$0x1];
	_ =	strace $0x8000004A;
	s8 =	simm.s32 $0x1  }
0x4: {  	s31 =	simm.s32 $0x2;
	s14 =	simm.s32 $0x0;
	s13 =	simm.s32 $0x0  }
0x5: {  	s12 =	simm.s32 $0x0;
	s2 =	sshll.u32 s1, $0x7;
	s3 =	sshll.u32 s3, $0x7  }
0x6: {  	s3 =	sand.u32 $0x80, s3;
	s4 =	ssub.s32 $0x800, s2;
	s11 =	smov.u32 s2  }
0x7: {  	s5 =	sshrl.u32 s4, $0xB;
	s4 =	sand.u32 $0x780, s4;
	s6 =	ssub.s32 $0x1800, s3  }
0x8: {  	p0 =	sne.s32 s4, $0x0;
	s30 =	sshrl.u32 s6, $0x7;
	s6 =	sshrl.u32 s6, $0x8  }
.Ltmp0:
0x9: {  	s8 =	simm.s32 @!p0 $0x0;
	s9 =	sand.u32 $0x1, s30;
	(pc) =	sbr.rel .LBB1_1-.Ltmp0, $4  }
0xa: {  	s4 =	simm.s32 $0x1;
	s5 =	sadd.s32 s8, s5;
	s6 =	sadd.s32 s6, s9  }
0xb: {  	s10 =	smov.u32 s3;
	[sflag:s4] =	ssyncpa.u1 $0x0;
	s5 =	smul.u32 s5, s6  }
0xc: {  	p0 =	por $0x0, $0x0;
	[sflag:s31] =	ssyncpa.u1 $0x0;
	s9 =	simm.s32 $0x4000  }
0xd: {  	s6 =	sadd.s32 $0x4E4000, s7;
	s7 =	sadd.s32 $0x364000, s7;
	s8 =	sadd.s32 $0x1, s5  }
.LBB1_4:
0xe: {  	v5 =	vld [tilespmem:s17+$0xFFFFFFD0];
	[tilespmem:s18+$0x2040 ss:$0x81] =	vst.msk $0xffff, v3  }
0xf: {  	v58 =	vld [tilespmem:s17+$0xFFFFFFE0];
	[tilespmem:s18+$0x2850 ss:$0x81] =	vst.msk $0xffff, v4;
	s20 =	sshll.u32 s14, $0xB;
	s21 =	sshll.u32 s13, $0x3  }
0x10: {  	s19 =	sshra.s32 s19, $0x2;
	v59 =	vld [tilespmem:s17+$0xFFFFFFF0];
	[tilespmem:s18+$0x3060 ss:$0x81] =	vst.msk $0xffff, v2;
	s20 =	sand.u32 $0xFFFFC000, s20;
	s22 =	sand.u32 $0xFFFFFC00, s21  }
0x11: {  	[tilespmem:s18+$0x0 ss:$0x81] =	vst.msk $0xffff, v0;
	v60 =	vld [tilespmem:s17+$0x0];
	s16 =	sadd.s32 s19, s16;
	s25 =	sadd.s32 s22, s20  }
0x12: {  	v61 =	vld [tilespmem:s17+$0x10];
	[tilespmem:s16+$0x3870 ss:$0x81] =	vst.msk $0xffff, v1;
	s18 =	sshrl.u32 s25, $0xB  }
0x13: {  	v62 =	vld [tilespmem:s17+$0x20];
	s26 =	smulhi.u32 $0xAAAAB, s18;
	[tilespmem:s16+$0x810 ss:$0x81] =	vst.msk $0xffff, v5  }
0x14: {  	v63 =	vld [tilespmem:s17+$0xFFFFFFC0];
	s27 =	sand.u32 $0x78, s13;
	s28 =	sshll.u32 s14, $0x7;
	s29 =	sand.u32 $0x400, s21;
	[tilespmem:s16+$0x1020 ss:$0x81] =	vst.msk $0xffff, v58  }
0x15: {  	s14 =	sand.u32 $0x380, s28;
	s17 =	sor.u32 s27, s29;
	[tilespmem:s16+$0x1830 ss:$0x81] =	vst.msk $0xffff, v59;
	s19 =	smul.u32 $0x1800, s26  }
0x16: {  	s14 =	sor.u32 s14, s17;
	[tilespmem:s16+$0x2040 ss:$0x81] =	vst.msk $0xffff, v60  }
0x17: {  	s31 =	sand.u32 $0x7, s13;
	s14 =	sshrl.u32 s14, $0x3;
	[tilespmem:s16+$0x2850 ss:$0x81] =	vst.msk $0xffff, v61;
	s30 =	ssub.s32 s18, s19  }
0x18: {  	s13 =	sshll.u32 s31, $0x12;
	[tilespmem:s16+$0x3060 ss:$0x81] =	vst.msk $0xffff, v62;
	s14 =	sadd.s32 s7, s14;
	s17 =	sshll.u32 s30, $0x8  }
0x19: {  	s13 =	sor.u32 $0x400, s13;
	[tilespmem:s16+$0x0 ss:$0x81] =	vst.msk $0xffff, v63;
	s14 =	sadd.s32 s17, s14  }
0x1a: {  	[hbm4b:s14+s13] =	stream.strided.scatter [tilespmem:s15], [sflag:$0x2], $0x4000, s9, s13, $0x20;
	[tilespmem:$0x10100] =	vst v63  }
.LBB1_5:
0x1b: {  	s15 =	sadd.s32 $0x100, s10  }
0x1c: {  	s13 =	sadd.s32 $0x800, s11;
	s17 =	smov.u32 s11;
	p2 =	sgt.s32 s15, $0x17FF  }
0x1d: {  	s17 =	smov.u32 @p2 s13  }
0x1e: {  	s15 =	smov.u32 @p2 s3;
	p2 =	sgt.s32 s17, $0x7FF  }
0x1f: {  	s17 =	smov.u32 @p2 s2;
	p2 =	sne.s32 s12, s8  }
.Ltmp1:
0x20: {  	p1 =	slt.u32 s12, $0x2;
	(pc) =	sbr.rel @!p2 .LBB1_6-.Ltmp1, $4  }
0x21: {  	s16 =	simm.s32 @!p1 $0x2  }
0x22: {  	s14 =	smov.u32 s10;
	p0 =	por !p0, !p0;
	_ =	swait.ge @!p1 [sflag:s16], $0x4000  }
0x23: {  	s13 =	smov.u32 s11;
	[sflag:s16] =	ssyncset.done @!p1 $0x0;
	s10 =	smov.u32 s15  }
0x24: {  	s12 =	sadd.s32 $0x1, s12;
	[sflag:s16] =	ssyncadd.s32 @!p1 $0xFFFFC000;
	s11 =	smov.u32 s17  }
.LBB1_1:
0x25: {  	p1 =	sge.u32 s12, s5  }
0x26: {  	s15 =	sshrl.u32 @!p1 s11, $0x3  }
0x27: {  	s16 =	sshll.u32 @!p1 s10, $0x3;
	s17 =	sshll.u32 @!p1 s11, $0x7;
	s15 =	smul.u32 @!p1 $0xC000, s15  }
0x28: {  	s18 =	sand.u32 @!p1 $0x7F, s10;
	s16 =	sand.u32 @!p1 $0xFFFFFC00, s16;
	s17 =	sand.u32 @!p1 $0x380, s17  }
0x29: {  	s15 =	sadd.s32 @!p1 s15, s16;
	s16 =	sor.u32 @!p1 s18, s17  }
0x2a: {  	s16 =	sor.u32 @!p1 s15, s16  }
0x2b: {  	s17 =	smulhi.u32 @!p1 $0xAAAAAAAB, s16;
	_ =	sdelay $0x1  }
0x2c: {  	s15 =	smulhi.u32 @!p1 $0xAAAAAAAB, s15;
	s17 =	sshrl.u32 @!p1 s17, $0xC  }
0x2d: {  	s17 =	smul.u32 @!p1 $0x1800, s17  }
0x2e: {  	s31 =	sadd.s32 $0xFFFFFFFF, s12;
	s18 =	sxor.u32 @!p1 $0xFFFFFFFF, s12;
	s15 =	sshrl.u32 @!p1 s15, $0xC  }
0x2f: {  	s18 =	sshll.u32 @!p1 s18, $0xE;
	s15 =	sand.u32 @!p1 $0x7FF, s15;
	s16 =	ssub.s32 @!p1 s16, s17  }
0x30: {  	s15 =	smul.u32 @!p1 $0x300, s15;
	s17 =	sshrl.u32 @!p1 s16, $0x3;
	s16 =	sand.u32 @!p1 $0x7, s16  }
0x31: {  	s18 =	sand.u32 @!p1 $0x4000, s18;
	s17 =	sadd.s32 @!p1 s6, s17;
	s16 =	sshll.u32 @!p1 s16, $0x12  }
0x32: {  	s15 =	sadd.s32 @!p1 s15, s17;
	s16 =	sor.u32 @!p1 $0x400, s16;
	s17 =	simm.s32 @!p1 $0xC000  }
0x33: {  	[tilespmem:s18], [sflag:$0x1] =	stream.strided.gather @!p1 [hbm4b:s15+s16], $0x4000, s17, s16, $0x38;
	[tilespmem:$0x10100] =	vst v63  }
0x34: {  	p1 =	sge.u32 s31, s5  }
.Ltmp2:
0x35: {  	_ = 	snop;
	(pc) =	sbr.rel @p1 .LBB1_5-.Ltmp2, $1  }
0x36: {  	_ =	sdelay $0x3  }
0x37: {  	s15 =	simm.s32 $0x1  }
0x38: {  	_ =	swait.ge [sflag:s4], $0x4000;
	s15 =	simm.s32 @!p0 $0x0  }
0x39: {  	[sflag:s4] =	ssyncset.done $0x0;
	s16 =	sshll.u32 s15, $0xE  }
0x3a: {  	[sflag:s4] =	ssyncadd.s32 $0xFFFFC000;
	s17 =	sor.u32 $0x40, s16  }
0x3b: {  	s15 =	smul.u32 $0x10200, s15;
	v0 =	vld [tilespmem:s17+$0x30]  }
0x3c: {  	v1 =	vld [tilespmem:s17+$0xFFFFFFD0]  }
0x3d: {  	s15 =	sshrl.u32 s15, $0x2;
	v5 =	vld [tilespmem:s17+$0xFFFFFFE0]  }
0x3e: {  	v6 =	vld [tilespmem:s17+$0xFFFFFFF0];
	s16 =	sor.u32 $0x8000, s15  }
0x3f: {  	s31 =	sand.u32 $0x1, s12;
	v3 =	vld [tilespmem:s17+$0x0];
	s18 =	sadd.s32 $0x0, s16  }
0x40: {  	v4 =	vld [tilespmem:s17+$0x10];
	s15 =	smul.u32 $0x10200, s31;
	[tilespmem:s18+$0x3870 ss:$0x81] =	vst.msk $0xffff, v0  }
0x41: {  	v2 =	vld [tilespmem:s17+$0x20];
	[tilespmem:s18+$0x810 ss:$0x81] =	vst.msk $0xffff, v1  }
0x42: {  	s15 =	sshrl.u32 s15, $0x2;
	v0 =	vld [tilespmem:s17+$0xFFFFFFC0];
	[tilespmem:s18+$0x1020 ss:$0x81] =	vst.msk $0xffff, v5;
	s17 =	sadd.s32 $0x80, s17  }
0x43: {  	s19 =	simm.s32 $0x4;
	s20 =	simm.s32 $0x8;
	s15 =	sor.u32 $0x8000, s15;
	[tilespmem:s18+$0x1830 ss:$0x81] =	vst.msk $0xffff, v6;
	v1 =	vld [tilespmem:s17+$0x30]  }
.LBB1_3:
0x44: {  	p1 =	sne.s32 s20, $0x1FC;
	v5 =	vld [tilespmem:s17+$0xFFFFFFD0];
	[tilespmem:s18+$0x2040 ss:$0x81] =	vst.msk $0xffff, v3  }
0x45: {  	v6 =	vld [tilespmem:s17+$0xFFFFFFE0];
	[tilespmem:s18+$0x2850 ss:$0x81] =	vst.msk $0xffff, v4  }
0x46: {  	s21 =	sshra.s32 s19, $0x2;
	s19 =	smov.u32 s20;
	v7 =	vld [tilespmem:s17+$0xFFFFFFF0];
	[tilespmem:s18+$0x3060 ss:$0x81] =	vst.msk $0xffff, v2  }
.Ltmp3:
0x47: {  	v3 =	vld [tilespmem:s17+$0x0];
	[tilespmem:s18+$0x0 ss:$0x81] =	vst.msk $0xffff, v0;
	s18 =	sadd.s32 s21, s16;
	(pc) =	sbr.rel @p1 .LBB1_3-.Ltmp3, $4  }
0x48: {  	v4 =	vld [tilespmem:s17+$0x10];
	[tilespmem:s18+$0x3870 ss:$0x81] =	vst.msk $0xffff, v1  }
0x49: {  	[tilespmem:s18+$0x810 ss:$0x81] =	vst.msk $0xffff, v5;
	v2 =	vld [tilespmem:s17+$0x20]  }
0x4a: {  	v0 =	vld [tilespmem:s17+$0xFFFFFFC0];
	[tilespmem:s18+$0x1020 ss:$0x81] =	vst.msk $0xffff, v6;
	s17 =	sadd.s32 $0x80, s17  }
0x4b: {  	s20 =	sadd.s32 $0x4, s20;
	v1 =	vld [tilespmem:s17+$0x30];
	[tilespmem:s18+$0x1830 ss:$0x81] =	vst.msk $0xffff, v7  }
.Ltmp4:
0x4c: {  	_ = 	snop;
	(pc) =	sbr.rel .LBB1_4-.Ltmp4, $1  }
0x4d: {  	_ =	sdelay $0x3  }
.LBB1_6:
0x4e: {  	_ =	sfence.sel $0x180000  }
0x4f: {  	s2 =	simm.s32 $0x1;
	[bflag:$0x0] =	sbarrier.arrive $0xFFFF  }
0x50: {  	s31 =	simm.s32 $0x2;
	[sflag:s2] =	ssyncpa.u1 $0x1  }
0x51: {  	[sflag:s31] =	ssyncpa.u1 $0x1  }
0x52: {  	p0 =	sne.s32 s1, $0x0;
	_ =	strace $0x9000004A  }
0x53: {  	s0 =	sadd.s32 @!p0 $0x100000, s0;
	[bflag:$0x2] =	sbarrier.arrive $0xFFFF  }
0x54: {  	[sflag:s0] =	ssyncadd.tile.s32 @!p0 $0x1;
	_ =	shalt  }
.Lfunc_end1:
_tile_overlayer_lowered:
.L_overlay_start_2:
0x55: {  	(tag) =	ssettag $0x2  }
0x56: {  	s0 =	rddreg [dreg:$0x0];
	s2 =	stileid.u32  }
0x57: {  	s1 =	rddreg [dreg:$0x1];
	p0 =	sne.s32 s2, $0x0  }
0x58: {  	s3 =	rddreg [dreg:$0x2];
	[bflag:$0x3] =	sbarrier.arrive $0xFFFF;
	s2 =	simm.s32 @!p0 $0x1C01  }
0x59: {  	[timem:s3], [sflag:s2] =	dma.local @!p0 [hbm:s0], s1  }
0x5a: {  	s0 =	simm.s32 @!p0 $0x1  }
0x5b: {  	_ =	swait.ge @!p0 [sflag:s0], s1  }
0x5c: {  	s1 =	ssub.s32 @!p0 $0x0, s1;
	[sflag:s0] =	ssyncset.done @!p0 $0x0  }
0x5d: {  	[sflag:s0] =	ssyncadd.s32 @!p0 s1  }
0x5e: {  	[bflag:$0x3] =	sbarrier.arrive $0xFFFF  }
0x5f: {  	_ =	shalt  }

</sc_bundles>
